<compile_context>
chip_gen: v7x
topology: tpu7x:2x2x1
jax: 0.10.2.dev20260603
libtpu: 0.0.44.dev20260713+nightly
codegen_flags: <defaults>
</compile_context>

<pallas_src>
import functools

import jax
import jax.numpy as jnp
from jax import lax
from jax.experimental import pallas as pl
from jax.experimental.pallas import tpu as pltpu
from jax.experimental.pallas import tpu_sc as plsc

F32 = jnp.float32
EPS = 1e-5
NC = 2
NS = 16


def _sc_mesh():
    return plsc.VectorSubcoreMesh(
        core_axis_name="c", subcore_axis_name="s", num_cores=NC, num_subcores=NS
    )


@functools.lru_cache(maxsize=None)
def _make_deg(E, NPAD, CH):
    NW = NC * NS
    EPT = E // NW
    NCH = EPT // CH
    RPC = NPAD // NS

    @functools.partial(
        pl.kernel,
        out_type=jax.ShapeDtypeStruct((NC, NPAD, 128), F32),
        mesh=_sc_mesh(),
        scratch_types=[
            pltpu.VMEM((NCH, CH), jnp.int32),
            pltpu.VMEM((CH, 128), F32),
            pltpu.VMEM_SHARED((NPAD, 128), F32),
        ],
    )
    def deg_kernel(dst_hbm, ones_hbm, zcol_hbm, outp, didx_all, ones_v, acc):
        cid = lax.axis_index("c")
        sid = lax.axis_index("s")
        wid = cid * NS + sid
        r0 = sid * RPC
        pltpu.sync_copy(zcol_hbm.at[pl.ds(r0, RPC)], acc.at[pl.ds(r0, RPC)])
        pltpu.sync_copy(ones_hbm, ones_v)
        pltpu.sync_copy(dst_hbm.at[wid], didx_all)
        plsc.subcore_barrier()

        def body(c, carry):
            pltpu.sync_copy(ones_v, acc.at[didx_all.at[c]], add=True)
            return carry

        lax.fori_loop(0, NCH, body, 0)
        plsc.subcore_barrier()
        pltpu.sync_copy(acc.at[pl.ds(r0, RPC)], outp.at[cid, pl.ds(r0, RPC)])

    return deg_kernel


@functools.lru_cache(maxsize=None)
def _make_agg(E, NPAD, D, CH):
    NW = NC * NS
    EPT = E // NW
    NCH = EPT // CH
    RPC = NPAD // NS

    @functools.partial(
        pl.kernel,
        out_type=jax.ShapeDtypeStruct((NC, NPAD, D), F32),
        mesh=_sc_mesh(),
        scratch_types=[
            pltpu.VMEM((2, CH), jnp.int32),
            pltpu.VMEM((2, CH), jnp.int32),
            pltpu.VMEM((CH, D), F32),
            pltpu.VMEM((CH, D), F32),
            pltpu.SemaphoreType.DMA,
            pltpu.SemaphoreType.DMA,
            pltpu.SemaphoreType.DMA,
            pltpu.SemaphoreType.DMA,
            pltpu.VMEM_SHARED((NPAD, D), F32),
        ],
    )
    def agg_kernel(hp_hbm, adj_hbm, outp, i0, i1, r0b, r1b,
                   is0, is1, gs0, gs1, acc):
        ibuf = (i0, i1)
        isems = (is0, is1)
        rows = (r0b, r1b)
        gsems = (gs0, gs1)
        cid = lax.axis_index("c")
        sid = lax.axis_index("s")
        wid = cid * NS + sid
        r0 = sid * RPC

        pltpu.sync_copy(hp_hbm.at[pl.ds(r0, RPC)], acc.at[pl.ds(r0, RPC)])
        plsc.subcore_barrier()

        def fire_idx(c, j):
            pltpu.async_copy(adj_hbm.at[wid, c], ibuf[j], isems[j])

        def wait_idx(j):
            pltpu.make_async_copy(adj_hbm.at[wid, 0], ibuf[j], isems[j]).wait()

        def fire_gather(k):
            pltpu.async_copy(hp_hbm.at[ibuf[k].at[0]], rows[k], gsems[k])

        def wait_gather(k):
            pltpu.make_async_copy(hp_hbm.at[ibuf[k].at[0]], rows[k], gsems[k]).wait()

        def scatter(k):
            pltpu.sync_copy(rows[k], acc.at[ibuf[k].at[1]], add=True)

        def step(c, k):
            if c + 1 < NCH:
                wait_idx((k + 1) % 2)
                fire_gather((k + 1) % 2)
            wait_gather(k)
            scatter(k)
            if c + 2 < NCH:
                fire_idx(c + 2, k)

        def step_dyn(c, k):
            wait_idx((k + 1) % 2)
            fire_gather((k + 1) % 2)
            wait_gather(k)
            scatter(k)
            fire_idx(c + 2, k)

        fire_idx(0, 0)
        fire_idx(1, 1)
        wait_idx(0)
        fire_gather(0)

        def body(s, carry):
            c = 2 * s
            step_dyn(c, 0)
            step_dyn(c + 1, 1)
            return carry

        NTAIL = 3 if NCH % 2 == 1 else 4
        lax.fori_loop(0, (NCH - NTAIL) // 2, body, 0)
        for c in range(NCH - NTAIL, NCH):
            step(c, c % 2)
        plsc.subcore_barrier()
        pltpu.sync_copy(acc.at[pl.ds(r0, RPC)], outp.at[cid, pl.ds(r0, RPC)])

    return agg_kernel


def _matmul0(x, W, dp, B):
    NPAD, D = x.shape

    def body(x_ref, w_ref, dp_ref, o_ref):
        dp = dp_ref[...]
        dinv = lax.rsqrt(dp[0][:, 0:1] + dp[1][:, 0:1] + 1.0)
        h = jnp.dot(x_ref[...], w_ref[...], preferred_element_type=F32)
        o_ref[...] = h * dinv

    return pl.pallas_call(
        body,
        grid=(NPAD // B,),
        in_specs=[
            pl.BlockSpec((B, D), lambda i: (i, 0)),
            pl.BlockSpec((D, D), lambda i: (0, 0)),
            pl.BlockSpec((2, B, 8), lambda i: (0, i, 0)),
        ],
        out_specs=pl.BlockSpec((B, D), lambda i: (i, 0)),
        out_shape=jax.ShapeDtypeStruct((NPAD, D), F32),
    )(x, W, dp)


def _matmul_bn(t, s, ss, g, be, W, dp, N, B):
    NPAD, D = t.shape
    inv_n = 1.0 / N

    def body(t_ref, s_ref, ss_ref, g_ref, be_ref, w_ref, dp_ref, o_ref):
        mu = s_ref[...] * inv_n
        var = ss_ref[...] * inv_n - mu * mu
        rstd = lax.rsqrt(var + EPS)
        xb = g_ref[...] * (t_ref[...] - mu) * rstd + be_ref[...]
        xb = jnp.maximum(xb, 0.0)
        dp = dp_ref[...]
        dinv = lax.rsqrt(dp[0][:, 0:1] + dp[1][:, 0:1] + 1.0)
        h = jnp.dot(xb, w_ref[...], preferred_element_type=F32)
        o_ref[...] = h * dinv

    return pl.pallas_call(
        body,
        grid=(NPAD // B,),
        in_specs=[
            pl.BlockSpec((B, D), lambda i: (i, 0)),
            pl.BlockSpec((1, D), lambda i: (0, 0)),
            pl.BlockSpec((1, D), lambda i: (0, 0)),
            pl.BlockSpec((1, D), lambda i: (0, 0)),
            pl.BlockSpec((1, D), lambda i: (0, 0)),
            pl.BlockSpec((D, D), lambda i: (0, 0)),
            pl.BlockSpec((2, B, 8), lambda i: (0, i, 0)),
        ],
        out_specs=pl.BlockSpec((B, D), lambda i: (i, 0)),
        out_shape=jax.ShapeDtypeStruct((NPAD, D), F32),
    )(t, s, ss, g, be, W, dp)


def _combine(p, hp, dp, bias, N, B):
    _, NPAD, D = p.shape

    def body(p_ref, hp_ref, dp_ref, b_ref, t_ref, s_ref, ss_ref):
        i = pl.program_id(0)
        pv = p_ref[...]
        dp = dp_ref[...]
        dinv = lax.rsqrt(dp[0][:, 0:1] + dp[1][:, 0:1] + 1.0)
        t = (pv[0] + pv[1] - hp_ref[...]) * dinv + b_ref[...]
        t_ref[...] = t
        rows = lax.broadcasted_iota(jnp.int32, (B, 1), 0) + i * B
        tm = jnp.where(rows < N, t, 0.0)

        @pl.when(i == 0)
        def _():
            s_ref[...] = jnp.zeros_like(s_ref)
            ss_ref[...] = jnp.zeros_like(ss_ref)

        s_ref[...] += jnp.sum(tm, axis=0, keepdims=True)
        ss_ref[...] += jnp.sum(tm * tm, axis=0, keepdims=True)

    return pl.pallas_call(
        body,
        grid=(NPAD // B,),
        in_specs=[
            pl.BlockSpec((2, B, D), lambda i: (0, i, 0)),
            pl.BlockSpec((B, D), lambda i: (i, 0)),
            pl.BlockSpec((2, B, 8), lambda i: (0, i, 0)),
            pl.BlockSpec((1, D), lambda i: (0, 0)),
        ],
        out_specs=[
            pl.BlockSpec((B, D), lambda i: (i, 0)),
            pl.BlockSpec((1, D), lambda i: (0, 0)),
            pl.BlockSpec((1, D), lambda i: (0, 0)),
        ],
        out_shape=[
            jax.ShapeDtypeStruct((NPAD, D), F32),
            jax.ShapeDtypeStruct((1, D), F32),
            jax.ShapeDtypeStruct((1, D), F32),
        ],
    )(p, hp, dp, bias)


def _final(p, hp, dp, bias, B):
    _, NPAD, D = p.shape

    def body(p_ref, hp_ref, dp_ref, b_ref, y_ref):
        pv = p_ref[...]
        dp = dp_ref[...]
        dinv = lax.rsqrt(dp[0][:, 0:1] + dp[1][:, 0:1] + 1.0)
        t = (pv[0] + pv[1] - hp_ref[...]) * dinv + b_ref[...]
        mx = jnp.max(t, axis=1, keepdims=True)
        lse = jnp.log(jnp.sum(jnp.exp(t - mx), axis=1, keepdims=True)) + mx
        y_ref[...] = t - lse

    return pl.pallas_call(
        body,
        grid=(NPAD // B,),
        in_specs=[
            pl.BlockSpec((2, B, D), lambda i: (0, i, 0)),
            pl.BlockSpec((B, D), lambda i: (i, 0)),
            pl.BlockSpec((2, B, 8), lambda i: (0, i, 0)),
            pl.BlockSpec((1, D), lambda i: (0, 0)),
        ],
        out_specs=pl.BlockSpec((B, D), lambda i: (i, 0)),
        out_shape=jax.ShapeDtypeStruct((NPAD, D), F32),
    )(p, hp, dp, bias)


def kernel(input, adj_t, W0, b0, W1, b1, W2, b2, g0, be0, g1, be1):
    N, D = input.shape
    E = adj_t.shape[1]
    NW = NC * NS
    NPAD = -(-N // (NW * 8)) * (NW * 8)
    EPT = E // NW
    assert E % NW == 0 and EPT % 8 == 0
    CH = max(c for c in range(8, 129, 8) if EPT % c == 0)
    B = 2048 if NPAD % 2048 == 0 else (1024 if NPAD % 1024 == 0 else 512)

    NCH = EPT // CH
    adj3 = adj_t.reshape(2, NW, NCH, CH).transpose(1, 2, 0, 3)
    dst3 = adj_t[1].reshape(NW, NCH, CH)
    xpad = jnp.pad(input, ((0, NPAD - N), (0, 0)))
    zcol = jnp.zeros((NPAD, 128), F32)
    ones = jnp.ones((CH, 128), F32)

    deg_fn = _make_deg(E, NPAD, CH)
    agg_fn = _make_agg(E, NPAD, D, CH)

    dp = deg_fn(dst3, ones, zcol)[:, :, :8]

    b0r, b1r, b2r = (b.reshape(1, D) for b in (b0, b1, b2))
    g0r, g1r = g0.reshape(1, D), g1.reshape(1, D)
    be0r, be1r = be0.reshape(1, D), be1.reshape(1, D)

    hp = _matmul0(xpad, W0, dp, B)
    p = agg_fn(hp, adj3)
    t, s, ss = _combine(p, hp, dp, b0r, N, B)
    hp = _matmul_bn(t, s, ss, g0r, be0r, W1, dp, N, B)
    p = agg_fn(hp, adj3)
    t, s, ss = _combine(p, hp, dp, b1r, N, B)
    hp = _matmul_bn(t, s, ss, g1r, be1r, W2, dp, N, B)
    p = agg_fn(hp, adj3)
    y = _final(p, hp, dp, b2r, B)
    return y[:N]

# --- scband reference (transcript-rebuilt; emitter-appended) ---
"""Pipeline reference for scband-gcn-70720931496421 (READ-ONLY COPY).

The authoritative reference and input builder live on the scoring server;
editing this copy changes nothing except your own understanding.
"""

import jax, jax.numpy as jnp
import numpy as np

N = 10000
D_IN = 128
D_H = 128
D_OUT = 128
E = 320000
EPS = 1e-5


def gcn_conv(x, edge_index, W, b):
    # x @ W then symmetric-normalized aggregation with self-loops (GCNConv semantics)
    h = x @ W
    src = edge_index[0]
    dst = edge_index[1]
    loop = jnp.arange(N, dtype=src.dtype)
    src = jnp.concatenate([src, loop])
    dst = jnp.concatenate([dst, loop])
    ew = jnp.ones(src.shape[0], dtype=h.dtype)
    deg = jax.ops.segment_sum(ew, dst, num_segments=N)
    dinv = jnp.where(deg > 0, 1.0 / jnp.sqrt(deg), 0.0)
    norm = dinv[src] * dinv[dst]
    msgs = jnp.take(h, src, axis=0) * norm[:, None]
    out = jax.ops.segment_sum(msgs, dst, num_segments=N)
    return out + b


def batch_norm(x, gamma, beta):
    mu = jnp.mean(x, axis=0)
    var = jnp.var(x, axis=0)
    return gamma * (x - mu) / jnp.sqrt(var + EPS) + beta


def setup_inputs(seed: int = 0):
    key = jax.random.key(seed)
    ks = jax.random.split(key, 12)
    inp = {}
    inp['input'] = jax.random.normal(ks[0], (N, D_IN), dtype=jnp.float32)
    inp['adj_t'] = jax.random.randint(ks[1], (2, E), 0, N, dtype=jnp.int32)
    s_in = 1.0 / np.sqrt(D_IN)
    s_h = 1.0 / np.sqrt(D_H)
    inp['W0'] = jax.random.normal(ks[2], (D_IN, D_H), dtype=jnp.float32) * s_in
    inp['b0'] = jnp.zeros((D_H,), dtype=jnp.float32)
    inp['W1'] = jax.random.normal(ks[3], (D_H, D_H), dtype=jnp.float32) * s_h
    inp['b1'] = jnp.zeros((D_H,), dtype=jnp.float32)
    inp['W2'] = jax.random.normal(ks[4], (D_H, D_OUT), dtype=jnp.float32) * s_h
    inp['b2'] = jnp.zeros((D_OUT,), dtype=jnp.float32)
    inp['g0'] = jnp.ones((D_H,), dtype=jnp.float32)
    inp['be0'] = jnp.zeros((D_H,), dtype=jnp.float32)
    inp['g1'] = jnp.ones((D_H,), dtype=jnp.float32)
    inp['be1'] = jnp.zeros((D_H,), dtype=jnp.float32)
    return inp


def reference(input, adj_t, W0, b0, W1, b1, W2, b2, g0, be0, g1, be1):
    # encoder is None -> identity encode; dropout evaluated in eval mode (identity)
    x = input
    x = gcn_conv(x, adj_t, W0, b0)
    x = batch_norm(x, g0, be0)
    x = jax.nn.relu(x)
    x = gcn_conv(x, adj_t, W1, b1)
    x = batch_norm(x, g1, be1)
    x = jax.nn.relu(x)
    x = gcn_conv(x, adj_t, W2, b2)
    return jax.nn.log_softmax(x, axis=1)

if __name__ == "__main__":
    import jax
    _d = setup_inputs()
    print(jax.jit(kernel)(*tuple(_d.values())))

</pallas_src>

<mosaic_0001>
#map = affine_map<(d0, d1) -> (0, 0)>
#map1 = affine_map<(d0, d1) -> (0, 0, 0, 0)>
#map2 = affine_map<(d0, d1) -> (0, 0, 0)>
module attributes {stable_mosaic.version = 14 : i64} {
  func.func @agg_kernel(%arg0: i32, %arg1: i32, %arg2: memref<10240x128xf32, #tpu.memory_space<hbm>>, %arg3: memref<32x125x2x80xi32, #tpu.memory_space<hbm>>, %arg4: memref<2x10240x128xf32, #tpu.memory_space<hbm>>, %arg5: memref<2x80xi32, #tpu.memory_space<vmem>>, %arg6: memref<2x80xi32, #tpu.memory_space<vmem>>, %arg7: memref<80x128xf32, #tpu.memory_space<vmem>>, %arg8: memref<80x128xf32, #tpu.memory_space<vmem>>, %arg9: memref<!tpu.dma_semaphore, #tpu.memory_space<semaphore_mem>>, %arg10: memref<!tpu.dma_semaphore, #tpu.memory_space<semaphore_mem>>, %arg11: memref<!tpu.dma_semaphore, #tpu.memory_space<semaphore_mem>>, %arg12: memref<!tpu.dma_semaphore, #tpu.memory_space<semaphore_mem>>, %arg13: memref<10240x128xf32, #tpu.memory_space<vmem_shared>>) attributes {dimension_semantics = [#tpu.dimension_semantics<core_parallel>, #tpu.dimension_semantics<subcore_parallel>], iteration_bounds = array<i64: 2, 16>, scalar_prefetch = 0 : i64, scratch_operands = 9 : i64, tpu.core_type = #tpu.core_type<sc_vector_subcore>, window_params = [{transform_indices = #map}, {transform_indices = #map1}, {transform_indices = #map2}]} {
    %mul3A = arith.constant 16 : i32
    %mul3A_0 = arith.muli %arg0, %mul3A : i32
    %add3A = arith.addi %mul3A_0, %arg1 : i32
    %mul3A_1 = arith.constant 640 : i32
    %mul3A_2 = arith.muli %arg1, %mul3A_1 : i32
    "tpu.region"() ({
      %run_scoped3A_105 = tpu.sem_alloc : memref<!tpu.dma_semaphore, #tpu.memory_space<semaphore_mem>>
      %dma_start3A_106 = arith.constant 0 : i32
      %dma_start3A_107 = tpu.memref_slice %arg13[%mul3A_2, %dma_start3A_106] : memref<10240x128xf32, #tpu.memory_space<vmem_shared>> -> memref<640x128xf32, #tpu.memory_space<vmem_shared>>
      %dma_start3A_108 = arith.constant 0 : i32
      %dma_start3A_109 = tpu.memref_slice %arg2[%mul3A_2, %dma_start3A_108] : memref<10240x128xf32, #tpu.memory_space<hbm>> -> memref<640x128xf32, #tpu.memory_space<hbm>>
      tpu.enqueue_dma source(%dma_start3A_109 : memref<640x128xf32, #tpu.memory_space<hbm>>) target(%dma_start3A_107 : memref<640x128xf32, #tpu.memory_space<vmem_shared>>) target_semaphore(%run_scoped3A_105 : memref<!tpu.dma_semaphore, #tpu.memory_space<semaphore_mem>>)
      %dma_wait3A_110 = arith.constant 0 : i32
      %dma_wait3A_111 = tpu.memref_slice %arg13[%mul3A_2, %dma_wait3A_110] : memref<10240x128xf32, #tpu.memory_space<vmem_shared>> -> memref<640x128xf32, #tpu.memory_space<vmem_shared>>
      %dma_wait3A_112 = arith.constant 0 : i32
      %dma_wait3A_113 = tpu.memref_slice %arg2[%mul3A_2, %dma_wait3A_112] : memref<10240x128xf32, #tpu.memory_space<hbm>> -> memref<640x128xf32, #tpu.memory_space<hbm>>
      tpu.wait_dma2 semaphore(%run_scoped3A_105 : memref<!tpu.dma_semaphore, #tpu.memory_space<semaphore_mem>>) src(%dma_wait3A_113 : memref<640x128xf32, #tpu.memory_space<hbm>>) dst(%dma_wait3A_111 : memref<640x128xf32, #tpu.memory_space<vmem_shared>>)
      tpu.yield
    }) : () -> ()
    %barrier3A = arith.constant 0 : index
    tpu.barrier barrier_id(%barrier3A)
    %dma_start3A = arith.constant 0 : i32
    %dma_start3A_3 = arith.constant 0 : i32
    %dma_start3A_4 = arith.constant 0 : i32
    %dma_start3A_5 = tpu.memref_slice %arg3[%add3A, %dma_start3A, %dma_start3A_3, %dma_start3A_4] : memref<32x125x2x80xi32, #tpu.memory_space<hbm>> -> memref<1x1x2x80xi32, #tpu.memory_space<hbm>>
    %dma_start3A_6 = tpu.memref_squeeze %dma_start3A_5 : memref<1x1x2x80xi32, #tpu.memory_space<hbm>> -> memref<2x80xi32, #tpu.memory_space<hbm>>
    %dma_start3A_7 = arith.constant 0 : i32
    %dma_start3A_8 = arith.constant 0 : i32
    %dma_start3A_9 = tpu.memref_slice %arg3[%add3A, %dma_start3A, %dma_start3A_7, %dma_start3A_8] : memref<32x125x2x80xi32, #tpu.memory_space<hbm>> -> memref<1x1x2x80xi32, #tpu.memory_space<hbm>>
    %dma_start3A_10 = tpu.memref_squeeze %dma_start3A_9 : memref<1x1x2x80xi32, #tpu.memory_space<hbm>> -> memref<2x80xi32, #tpu.memory_space<hbm>>
    tpu.enqueue_dma source(%dma_start3A_10 : memref<2x80xi32, #tpu.memory_space<hbm>>) target(%arg5 : memref<2x80xi32, #tpu.memory_space<vmem>>) target_semaphore(%arg9 : memref<!tpu.dma_semaphore, #tpu.memory_space<semaphore_mem>>)
    %dma_start3A_11 = arith.constant 1 : i32
    %dma_start3A_12 = arith.constant 0 : i32
    %dma_start3A_13 = arith.constant 0 : i32
    %dma_start3A_14 = tpu.memref_slice %arg3[%add3A, %dma_start3A_11, %dma_start3A_12, %dma_start3A_13] : memref<32x125x2x80xi32, #tpu.memory_space<hbm>> -> memref<1x1x2x80xi32, #tpu.memory_space<hbm>>
    %dma_start3A_15 = tpu.memref_squeeze %dma_start3A_14 : memref<1x1x2x80xi32, #tpu.memory_space<hbm>> -> memref<2x80xi32, #tpu.memory_space<hbm>>
    %dma_start3A_16 = arith.constant 0 : i32
    %dma_start3A_17 = arith.constant 0 : i32
    %dma_start3A_18 = tpu.memref_slice %arg3[%add3A, %dma_start3A_11, %dma_start3A_16, %dma_start3A_17] : memref<32x125x2x80xi32, #tpu.memory_space<hbm>> -> memref<1x1x2x80xi32, #tpu.memory_space<hbm>>
    %dma_start3A_19 = tpu.memref_squeeze %dma_start3A_18 : memref<1x1x2x80xi32, #tpu.memory_space<hbm>> -> memref<2x80xi32, #tpu.memory_space<hbm>>
    tpu.enqueue_dma source(%dma_start3A_19 : memref<2x80xi32, #tpu.memory_space<hbm>>) target(%arg6 : memref<2x80xi32, #tpu.memory_space<vmem>>) target_semaphore(%arg10 : memref<!tpu.dma_semaphore, #tpu.memory_space<semaphore_mem>>)
    %dma_wait3A = arith.constant 0 : i32
    %dma_wait3A_20 = arith.constant 0 : i32
    %dma_wait3A_21 = arith.constant 0 : i32
    %dma_wait3A_22 = tpu.memref_slice %arg3[%add3A, %dma_wait3A, %dma_wait3A_20, %dma_wait3A_21] : memref<32x125x2x80xi32, #tpu.memory_space<hbm>> -> memref<1x1x2x80xi32, #tpu.memory_space<hbm>>
    %dma_wait3A_23 = tpu.memref_squeeze %dma_wait3A_22 : memref<1x1x2x80xi32, #tpu.memory_space<hbm>> -> memref<2x80xi32, #tpu.memory_space<hbm>>
    %dma_wait3A_24 = arith.constant 0 : i32
    %dma_wait3A_25 = arith.constant 0 : i32
    %dma_wait3A_26 = tpu.memref_slice %arg3[%add3A, %dma_wait3A, %dma_wait3A_24, %dma_wait3A_25] : memref<32x125x2x80xi32, #tpu.memory_space<hbm>> -> memref<1x1x2x80xi32, #tpu.memory_space<hbm>>
    %dma_wait3A_27 = tpu.memref_squeeze %dma_wait3A_26 : memref<1x1x2x80xi32, #tpu.memory_space<hbm>> -> memref<2x80xi32, #tpu.memory_space<hbm>>
    tpu.wait_dma2 semaphore(%arg9 : memref<!tpu.dma_semaphore, #tpu.memory_space<semaphore_mem>>) src(%dma_wait3A_27 : memref<2x80xi32, #tpu.memory_space<hbm>>) dst(%arg5 : memref<2x80xi32, #tpu.memory_space<vmem>>)
    %dma_start3A_28 = arith.constant 0 : i32
    %dma_start3A_29 = arith.constant 0 : i32
    %dma_start3A_30 = tpu.memref_slice %arg5[%dma_start3A_28, %dma_start3A_29] : memref<2x80xi32, #tpu.memory_space<vmem>> -> memref<1x80xi32, #tpu.memory_space<vmem>>
    %dma_start3A_31 = tpu.memref_squeeze %dma_start3A_30 : memref<1x80xi32, #tpu.memory_space<vmem>> -> memref<80xi32, #tpu.memory_space<vmem>>
    %dma_start3A_32 = arith.constant 0 : i32
    %dma_start3A_33 = arith.constant 0 : i32
    %dma_start3A_34 = tpu.memref_slice %arg2[%dma_start3A_32, %dma_start3A_33] : memref<10240x128xf32, #tpu.memory_space<hbm>> -> memref<10240x128xf32, #tpu.memory_space<hbm>>
    tpu.enqueue_indirect_dma source(%dma_start3A_34 : memref<10240x128xf32, #tpu.memory_space<hbm>>) target(%arg7 : memref<80x128xf32, #tpu.memory_space<vmem>>) offsets(%dma_start3A_31 : memref<80xi32, #tpu.memory_space<vmem>>) semaphore(%arg11 : memref<!tpu.dma_semaphore, #tpu.memory_space<semaphore_mem>>)
    %scan3A = arith.constant 0 : i32
    %scan3A_35 = arith.constant 0 : i32
    %scan3A_36 = arith.constant 61 : i32
    %scan3A_37 = arith.addi %scan3A_35, %scan3A_36 : i32
    %scan3A_38 = arith.constant 1 : i32
    scf.for %scan3A_105 = %scan3A_35 to %scan3A_37 step %scan3A_38  : i32 {
      %mul3A_106 = arith.constant 2 : i32
      %mul3A_107 = arith.muli %mul3A_106, %scan3A_105 : i32
      %dma_wait3A_108 = arith.constant 0 : i32
      %dma_wait3A_109 = arith.constant 0 : i32
      %dma_wait3A_110 = arith.constant 0 : i32
      %dma_wait3A_111 = tpu.memref_slice %arg3[%add3A, %dma_wait3A_108, %dma_wait3A_109, %dma_wait3A_110] : memref<32x125x2x80xi32, #tpu.memory_space<hbm>> -> memref<1x1x2x80xi32, #tpu.memory_space<hbm>>
      %dma_wait3A_112 = tpu.memref_squeeze %dma_wait3A_111 : memref<1x1x2x80xi32, #tpu.memory_space<hbm>> -> memref<2x80xi32, #tpu.memory_space<hbm>>
      %dma_wait3A_113 = arith.constant 0 : i32
      %dma_wait3A_114 = arith.constant 0 : i32
      %dma_wait3A_115 = tpu.memref_slice %arg3[%add3A, %dma_wait3A_108, %dma_wait3A_113, %dma_wait3A_114] : memref<32x125x2x80xi32, #tpu.memory_space<hbm>> -> memref<1x1x2x80xi32, #tpu.memory_space<hbm>>
      %dma_wait3A_116 = tpu.memref_squeeze %dma_wait3A_115 : memref<1x1x2x80xi32, #tpu.memory_space<hbm>> -> memref<2x80xi32, #tpu.memory_space<hbm>>
      tpu.wait_dma2 semaphore(%arg10 : memref<!tpu.dma_semaphore, #tpu.memory_space<semaphore_mem>>) src(%dma_wait3A_116 : memref<2x80xi32, #tpu.memory_space<hbm>>) dst(%arg6 : memref<2x80xi32, #tpu.memory_space<vmem>>)
      %dma_start3A_117 = arith.constant 0 : i32
      %dma_start3A_118 = arith.constant 0 : i32
      %dma_start3A_119 = tpu.memref_slice %arg6[%dma_start3A_117, %dma_start3A_118] : memref<2x80xi32, #tpu.memory_space<vmem>> -> memref<1x80xi32, #tpu.memory_space<vmem>>
      %dma_start3A_120 = tpu.memref_squeeze %dma_start3A_119 : memref<1x80xi32, #tpu.memory_space<vmem>> -> memref<80xi32, #tpu.memory_space<vmem>>
      %dma_start3A_121 = arith.constant 0 : i32
      %dma_start3A_122 = arith.constant 0 : i32
      %dma_start3A_123 = tpu.memref_slice %arg2[%dma_start3A_121, %dma_start3A_122] : memref<10240x128xf32, #tpu.memory_space<hbm>> -> memref<10240x128xf32, #tpu.memory_space<hbm>>
      tpu.enqueue_indirect_dma source(%dma_start3A_123 : memref<10240x128xf32, #tpu.memory_space<hbm>>) target(%arg8 : memref<80x128xf32, #tpu.memory_space<vmem>>) offsets(%dma_start3A_120 : memref<80xi32, #tpu.memory_space<vmem>>) semaphore(%arg12 : memref<!tpu.dma_semaphore, #tpu.memory_space<semaphore_mem>>)
      %dma_wait3A_124 = arith.constant 0 : i32
      %dma_wait3A_125 = arith.constant 0 : i32
      %dma_wait3A_126 = tpu.memref_slice %arg5[%dma_wait3A_124, %dma_wait3A_125] : memref<2x80xi32, #tpu.memory_space<vmem>> -> memref<1x80xi32, #tpu.memory_space<vmem>>
      %dma_wait3A_127 = tpu.memref_squeeze %dma_wait3A_126 : memref<1x80xi32, #tpu.memory_space<vmem>> -> memref<80xi32, #tpu.memory_space<vmem>>
      %dma_wait3A_128 = arith.constant 0 : i32
      %dma_wait3A_129 = arith.constant 0 : i32
      %dma_wait3A_130 = tpu.memref_slice %arg2[%dma_wait3A_128, %dma_wait3A_129] : memref<10240x128xf32, #tpu.memory_space<hbm>> -> memref<10240x128xf32, #tpu.memory_space<hbm>>
      tpu.wait_indirect_dma semaphore(%arg11 : memref<!tpu.dma_semaphore, #tpu.memory_space<semaphore_mem>>) src(%dma_wait3A_130 : memref<10240x128xf32, #tpu.memory_space<hbm>>) dst(%arg7 : memref<80x128xf32, #tpu.memory_space<vmem>>)
      %run_scoped3A_131 = arith.constant 1 : i32
      "tpu.region"() ({
        %run_scoped3A_178 = tpu.sem_alloc : memref<!tpu.dma_semaphore, #tpu.memory_space<semaphore_mem>>
        %dma_start3A_179 = arith.constant 0 : i32
        %dma_start3A_180 = tpu.memref_slice %arg5[%run_scoped3A_131, %dma_start3A_179] : memref<2x80xi32, #tpu.memory_space<vmem>> -> memref<1x80xi32, #tpu.memory_space<vmem>>
        %dma_start3A_181 = tpu.memref_squeeze %dma_start3A_180 : memref<1x80xi32, #tpu.memory_space<vmem>> -> memref<80xi32, #tpu.memory_space<vmem>>
        %dma_start3A_182 = arith.constant 0 : i32
        %dma_start3A_183 = arith.constant 0 : i32
        %dma_start3A_184 = tpu.memref_slice %arg13[%dma_start3A_182, %dma_start3A_183] : memref<10240x128xf32, #tpu.memory_space<vmem_shared>> -> memref<10240x128xf32, #tpu.memory_space<vmem_shared>>
        tpu.enqueue_indirect_dma source(%arg7 : memref<80x128xf32, #tpu.memory_space<vmem>>) target(%dma_start3A_184 : memref<10240x128xf32, #tpu.memory_space<vmem_shared>>) offsets(%dma_start3A_181 : memref<80xi32, #tpu.memory_space<vmem>>) semaphore(%run_scoped3A_178 : memref<!tpu.dma_semaphore, #tpu.memory_space<semaphore_mem>>) {add = true}
        %dma_wait3A_185 = arith.constant 0 : i32
        %dma_wait3A_186 = tpu.memref_slice %arg5[%run_scoped3A_131, %dma_wait3A_185] : memref<2x80xi32, #tpu.memory_space<vmem>> -> memref<1x80xi32, #tpu.memory_space<vmem>>
        %dma_wait3A_187 = tpu.memref_squeeze %dma_wait3A_186 : memref<1x80xi32, #tpu.memory_space<vmem>> -> memref<80xi32, #tpu.memory_space<vmem>>
        %dma_wait3A_188 = arith.constant 0 : i32
        %dma_wait3A_189 = arith.constant 0 : i32
        %dma_wait3A_190 = tpu.memref_slice %arg13[%dma_wait3A_188, %dma_wait3A_189] : memref<10240x128xf32, #tpu.memory_space<vmem_shared>> -> memref<10240x128xf32, #tpu.memory_space<vmem_shared>>
        tpu.wait_indirect_dma semaphore(%run_scoped3A_178 : memref<!tpu.dma_semaphore, #tpu.memory_space<semaphore_mem>>) src(%arg7 : memref<80x128xf32, #tpu.memory_space<vmem>>) dst(%dma_wait3A_190 : memref<10240x128xf32, #tpu.memory_space<vmem_shared>>)
        tpu.yield
      }) : () -> ()
      %add3A_132 = arith.constant 2 : i32
      %add3A_133 = arith.addi %mul3A_107, %add3A_132 : i32
      %dma_start3A_134 = arith.constant 0 : i32
      %dma_start3A_135 = arith.constant 0 : i32
      %dma_start3A_136 = tpu.memref_slice %arg3[%add3A, %add3A_133, %dma_start3A_134, %dma_start3A_135] : memref<32x125x2x80xi32, #tpu.memory_space<hbm>> -> memref<1x1x2x80xi32, #tpu.memory_space<hbm>>
      %dma_start3A_137 = tpu.memref_squeeze %dma_start3A_136 : memref<1x1x2x80xi32, #tpu.memory_space<hbm>> -> memref<2x80xi32, #tpu.memory_space<hbm>>
      %dma_start3A_138 = arith.constant 0 : i32
      %dma_start3A_139 = arith.constant 0 : i32
      %dma_start3A_140 = tpu.memref_slice %arg3[%add3A, %add3A_133, %dma_start3A_138, %dma_start3A_139] : memref<32x125x2x80xi32, #tpu.memory_space<hbm>> -> memref<1x1x2x80xi32, #tpu.memory_space<hbm>>
      %dma_start3A_141 = tpu.memref_squeeze %dma_start3A_140 : memref<1x1x2x80xi32, #tpu.memory_space<hbm>> -> memref<2x80xi32, #tpu.memory_space<hbm>>
      tpu.enqueue_dma source(%dma_start3A_141 : memref<2x80xi32, #tpu.memory_space<hbm>>) target(%arg5 : memref<2x80xi32, #tpu.memory_space<vmem>>) target_semaphore(%arg9 : memref<!tpu.dma_semaphore, #tpu.memory_space<semaphore_mem>>)
      %add3A_142 = arith.constant 1 : i32
      %add3A_143 = arith.addi %mul3A_107, %add3A_142 : i32
      %dma_wait3A_144 = arith.constant 0 : i32
      %dma_wait3A_145 = arith.constant 0 : i32
      %dma_wait3A_146 = arith.constant 0 : i32
      %dma_wait3A_147 = tpu.memref_slice %arg3[%add3A, %dma_wait3A_144, %dma_wait3A_145, %dma_wait3A_146] : memref<32x125x2x80xi32, #tpu.memory_space<hbm>> -> memref<1x1x2x80xi32, #tpu.memory_space<hbm>>
      %dma_wait3A_148 = tpu.memref_squeeze %dma_wait3A_147 : memref<1x1x2x80xi32, #tpu.memory_space<hbm>> -> memref<2x80xi32, #tpu.memory_space<hbm>>
      %dma_wait3A_149 = arith.constant 0 : i32
      %dma_wait3A_150 = arith.constant 0 : i32
      %dma_wait3A_151 = tpu.memref_slice %arg3[%add3A, %dma_wait3A_144, %dma_wait3A_149, %dma_wait3A_150] : memref<32x125x2x80xi32, #tpu.memory_space<hbm>> -> memref<1x1x2x80xi32, #tpu.memory_space<hbm>>
      %dma_wait3A_152 = tpu.memref_squeeze %dma_wait3A_151 : memref<1x1x2x80xi32, #tpu.memory_space<hbm>> -> memref<2x80xi32, #tpu.memory_space<hbm>>
      tpu.wait_dma2 semaphore(%arg9 : memref<!tpu.dma_semaphore, #tpu.memory_space<semaphore_mem>>) src(%dma_wait3A_152 : memref<2x80xi32, #tpu.memory_space<hbm>>) dst(%arg5 : memref<2x80xi32, #tpu.memory_space<vmem>>)
      %dma_start3A_153 = arith.constant 0 : i32
      %dma_start3A_154 = arith.constant 0 : i32
      %dma_start3A_155 = tpu.memref_slice %arg5[%dma_start3A_153, %dma_start3A_154] : memref<2x80xi32, #tpu.memory_space<vmem>> -> memref<1x80xi32, #tpu.memory_space<vmem>>
      %dma_start3A_156 = tpu.memref_squeeze %dma_start3A_155 : memref<1x80xi32, #tpu.memory_space<vmem>> -> memref<80xi32, #tpu.memory_space<vmem>>
      %dma_start3A_157 = arith.constant 0 : i32
      %dma_start3A_158 = arith.constant 0 : i32
      %dma_start3A_159 = tpu.memref_slice %arg2[%dma_start3A_157, %dma_start3A_158] : memref<10240x128xf32, #tpu.memory_space<hbm>> -> memref<10240x128xf32, #tpu.memory_space<hbm>>
      tpu.enqueue_indirect_dma source(%dma_start3A_159 : memref<10240x128xf32, #tpu.memory_space<hbm>>) target(%arg7 : memref<80x128xf32, #tpu.memory_space<vmem>>) offsets(%dma_start3A_156 : memref<80xi32, #tpu.memory_space<vmem>>) semaphore(%arg11 : memref<!tpu.dma_semaphore, #tpu.memory_space<semaphore_mem>>)
      %dma_wait3A_160 = arith.constant 0 : i32
      %dma_wait3A_161 = arith.constant 0 : i32
      %dma_wait3A_162 = tpu.memref_slice %arg6[%dma_wait3A_160, %dma_wait3A_161] : memref<2x80xi32, #tpu.memory_space<vmem>> -> memref<1x80xi32, #tpu.memory_space<vmem>>
      %dma_wait3A_163 = tpu.memref_squeeze %dma_wait3A_162 : memref<1x80xi32, #tpu.memory_space<vmem>> -> memref<80xi32, #tpu.memory_space<vmem>>
      %dma_wait3A_164 = arith.constant 0 : i32
      %dma_wait3A_165 = arith.constant 0 : i32
      %dma_wait3A_166 = tpu.memref_slice %arg2[%dma_wait3A_164, %dma_wait3A_165] : memref<10240x128xf32, #tpu.memory_space<hbm>> -> memref<10240x128xf32, #tpu.memory_space<hbm>>
      tpu.wait_indirect_dma semaphore(%arg12 : memref<!tpu.dma_semaphore, #tpu.memory_space<semaphore_mem>>) src(%dma_wait3A_166 : memref<10240x128xf32, #tpu.memory_space<hbm>>) dst(%arg8 : memref<80x128xf32, #tpu.memory_space<vmem>>)
      %run_scoped3A_167 = arith.constant 1 : i32
      "tpu.region"() ({
        %run_scoped3A_178 = tpu.sem_alloc : memref<!tpu.dma_semaphore, #tpu.memory_space<semaphore_mem>>
        %dma_start3A_179 = arith.constant 0 : i32
        %dma_start3A_180 = tpu.memref_slice %arg6[%run_scoped3A_167, %dma_start3A_179] : memref<2x80xi32, #tpu.memory_space<vmem>> -> memref<1x80xi32, #tpu.memory_space<vmem>>
        %dma_start3A_181 = tpu.memref_squeeze %dma_start3A_180 : memref<1x80xi32, #tpu.memory_space<vmem>> -> memref<80xi32, #tpu.memory_space<vmem>>
        %dma_start3A_182 = arith.constant 0 : i32
        %dma_start3A_183 = arith.constant 0 : i32
        %dma_start3A_184 = tpu.memref_slice %arg13[%dma_start3A_182, %dma_start3A_183] : memref<10240x128xf32, #tpu.memory_space<vmem_shared>> -> memref<10240x128xf32, #tpu.memory_space<vmem_shared>>
        tpu.enqueue_indirect_dma source(%arg8 : memref<80x128xf32, #tpu.memory_space<vmem>>) target(%dma_start3A_184 : memref<10240x128xf32, #tpu.memory_space<vmem_shared>>) offsets(%dma_start3A_181 : memref<80xi32, #tpu.memory_space<vmem>>) semaphore(%run_scoped3A_178 : memref<!tpu.dma_semaphore, #tpu.memory_space<semaphore_mem>>) {add = true}
        %dma_wait3A_185 = arith.constant 0 : i32
        %dma_wait3A_186 = tpu.memref_slice %arg6[%run_scoped3A_167, %dma_wait3A_185] : memref<2x80xi32, #tpu.memory_space<vmem>> -> memref<1x80xi32, #tpu.memory_space<vmem>>
        %dma_wait3A_187 = tpu.memref_squeeze %dma_wait3A_186 : memref<1x80xi32, #tpu.memory_space<vmem>> -> memref<80xi32, #tpu.memory_space<vmem>>
        %dma_wait3A_188 = arith.constant 0 : i32
        %dma_wait3A_189 = arith.constant 0 : i32
        %dma_wait3A_190 = tpu.memref_slice %arg13[%dma_wait3A_188, %dma_wait3A_189] : memref<10240x128xf32, #tpu.memory_space<vmem_shared>> -> memref<10240x128xf32, #tpu.memory_space<vmem_shared>>
        tpu.wait_indirect_dma semaphore(%run_scoped3A_178 : memref<!tpu.dma_semaphore, #tpu.memory_space<semaphore_mem>>) src(%arg8 : memref<80x128xf32, #tpu.memory_space<vmem>>) dst(%dma_wait3A_190 : memref<10240x128xf32, #tpu.memory_space<vmem_shared>>)
        tpu.yield
      }) : () -> ()
      %add3A_168 = arith.constant 2 : i32
      %add3A_169 = arith.addi %add3A_143, %add3A_168 : i32
      %dma_start3A_170 = arith.constant 0 : i32
      %dma_start3A_171 = arith.constant 0 : i32
      %dma_start3A_172 = tpu.memref_slice %arg3[%add3A, %add3A_169, %dma_start3A_170, %dma_start3A_171] : memref<32x125x2x80xi32, #tpu.memory_space<hbm>> -> memref<1x1x2x80xi32, #tpu.memory_space<hbm>>
      %dma_start3A_173 = tpu.memref_squeeze %dma_start3A_172 : memref<1x1x2x80xi32, #tpu.memory_space<hbm>> -> memref<2x80xi32, #tpu.memory_space<hbm>>
      %dma_start3A_174 = arith.constant 0 : i32
      %dma_start3A_175 = arith.constant 0 : i32
      %dma_start3A_176 = tpu.memref_slice %arg3[%add3A, %add3A_169, %dma_start3A_174, %dma_start3A_175] : memref<32x125x2x80xi32, #tpu.memory_space<hbm>> -> memref<1x1x2x80xi32, #tpu.memory_space<hbm>>
      %dma_start3A_177 = tpu.memref_squeeze %dma_start3A_176 : memref<1x1x2x80xi32, #tpu.memory_space<hbm>> -> memref<2x80xi32, #tpu.memory_space<hbm>>
      tpu.enqueue_dma source(%dma_start3A_177 : memref<2x80xi32, #tpu.memory_space<hbm>>) target(%arg6 : memref<2x80xi32, #tpu.memory_space<vmem>>) target_semaphore(%arg10 : memref<!tpu.dma_semaphore, #tpu.memory_space<semaphore_mem>>)
    }
    %scan3A_39 = arith.constant 61 : i32
    %dma_wait3A_40 = arith.constant 0 : i32
    %dma_wait3A_41 = arith.constant 0 : i32
    %dma_wait3A_42 = arith.constant 0 : i32
    %dma_wait3A_43 = tpu.memref_slice %arg3[%add3A, %dma_wait3A_40, %dma_wait3A_41, %dma_wait3A_42] : memref<32x125x2x80xi32, #tpu.memory_space<hbm>> -> memref<1x1x2x80xi32, #tpu.memory_space<hbm>>
    %dma_wait3A_44 = tpu.memref_squeeze %dma_wait3A_43 : memref<1x1x2x80xi32, #tpu.memory_space<hbm>> -> memref<2x80xi32, #tpu.memory_space<hbm>>
    %dma_wait3A_45 = arith.constant 0 : i32
    %dma_wait3A_46 = arith.constant 0 : i32
    %dma_wait3A_47 = tpu.memref_slice %arg3[%add3A, %dma_wait3A_40, %dma_wait3A_45, %dma_wait3A_46] : memref<32x125x2x80xi32, #tpu.memory_space<hbm>> -> memref<1x1x2x80xi32, #tpu.memory_space<hbm>>
    %dma_wait3A_48 = tpu.memref_squeeze %dma_wait3A_47 : memref<1x1x2x80xi32, #tpu.memory_space<hbm>> -> memref<2x80xi32, #tpu.memory_space<hbm>>
    tpu.wait_dma2 semaphore(%arg10 : memref<!tpu.dma_semaphore, #tpu.memory_space<semaphore_mem>>) src(%dma_wait3A_48 : memref<2x80xi32, #tpu.memory_space<hbm>>) dst(%arg6 : memref<2x80xi32, #tpu.memory_space<vmem>>)
    %dma_start3A_49 = arith.constant 0 : i32
    %dma_start3A_50 = arith.constant 0 : i32
    %dma_start3A_51 = tpu.memref_slice %arg6[%dma_start3A_49, %dma_start3A_50] : memref<2x80xi32, #tpu.memory_space<vmem>> -> memref<1x80xi32, #tpu.memory_space<vmem>>
    %dma_start3A_52 = tpu.memref_squeeze %dma_start3A_51 : memref<1x80xi32, #tpu.memory_space<vmem>> -> memref<80xi32, #tpu.memory_space<vmem>>
    %dma_start3A_53 = arith.constant 0 : i32
    %dma_start3A_54 = arith.constant 0 : i32
    %dma_start3A_55 = tpu.memref_slice %arg2[%dma_start3A_53, %dma_start3A_54] : memref<10240x128xf32, #tpu.memory_space<hbm>> -> memref<10240x128xf32, #tpu.memory_space<hbm>>
    tpu.enqueue_indirect_dma source(%dma_start3A_55 : memref<10240x128xf32, #tpu.memory_space<hbm>>) target(%arg8 : memref<80x128xf32, #tpu.memory_space<vmem>>) offsets(%dma_start3A_52 : memref<80xi32, #tpu.memory_space<vmem>>) semaphore(%arg12 : memref<!tpu.dma_semaphore, #tpu.memory_space<semaphore_mem>>)
    %dma_wait3A_56 = arith.constant 0 : i32
    %dma_wait3A_57 = arith.constant 0 : i32
    %dma_wait3A_58 = tpu.memref_slice %arg5[%dma_wait3A_56, %dma_wait3A_57] : memref<2x80xi32, #tpu.memory_space<vmem>> -> memref<1x80xi32, #tpu.memory_space<vmem>>
    %dma_wait3A_59 = tpu.memref_squeeze %dma_wait3A_58 : memref<1x80xi32, #tpu.memory_space<vmem>> -> memref<80xi32, #tpu.memory_space<vmem>>
    %dma_wait3A_60 = arith.constant 0 : i32
    %dma_wait3A_61 = arith.constant 0 : i32
    %dma_wait3A_62 = tpu.memref_slice %arg2[%dma_wait3A_60, %dma_wait3A_61] : memref<10240x128xf32, #tpu.memory_space<hbm>> -> memref<10240x128xf32, #tpu.memory_space<hbm>>
    tpu.wait_indirect_dma semaphore(%arg11 : memref<!tpu.dma_semaphore, #tpu.memory_space<semaphore_mem>>) src(%dma_wait3A_62 : memref<10240x128xf32, #tpu.memory_space<hbm>>) dst(%arg7 : memref<80x128xf32, #tpu.memory_space<vmem>>)
    %run_scoped3A = arith.constant 1 : i32
    "tpu.region"() ({
      %run_scoped3A_105 = tpu.sem_alloc : memref<!tpu.dma_semaphore, #tpu.memory_space<semaphore_mem>>
      %dma_start3A_106 = arith.constant 0 : i32
      %dma_start3A_107 = tpu.memref_slice %arg5[%run_scoped3A, %dma_start3A_106] : memref<2x80xi32, #tpu.memory_space<vmem>> -> memref<1x80xi32, #tpu.memory_space<vmem>>
      %dma_start3A_108 = tpu.memref_squeeze %dma_start3A_107 : memref<1x80xi32, #tpu.memory_space<vmem>> -> memref<80xi32, #tpu.memory_space<vmem>>
      %dma_start3A_109 = arith.constant 0 : i32
      %dma_start3A_110 = arith.constant 0 : i32
      %dma_start3A_111 = tpu.memref_slice %arg13[%dma_start3A_109, %dma_start3A_110] : memref<10240x128xf32, #tpu.memory_space<vmem_shared>> -> memref<10240x128xf32, #tpu.memory_space<vmem_shared>>
      tpu.enqueue_indirect_dma source(%arg7 : memref<80x128xf32, #tpu.memory_space<vmem>>) target(%dma_start3A_111 : memref<10240x128xf32, #tpu.memory_space<vmem_shared>>) offsets(%dma_start3A_108 : memref<80xi32, #tpu.memory_space<vmem>>) semaphore(%run_scoped3A_105 : memref<!tpu.dma_semaphore, #tpu.memory_space<semaphore_mem>>) {add = true}
      %dma_wait3A_112 = arith.constant 0 : i32
      %dma_wait3A_113 = tpu.memref_slice %arg5[%run_scoped3A, %dma_wait3A_112] : memref<2x80xi32, #tpu.memory_space<vmem>> -> memref<1x80xi32, #tpu.memory_space<vmem>>
      %dma_wait3A_114 = tpu.memref_squeeze %dma_wait3A_113 : memref<1x80xi32, #tpu.memory_space<vmem>> -> memref<80xi32, #tpu.memory_space<vmem>>
      %dma_wait3A_115 = arith.constant 0 : i32
      %dma_wait3A_116 = arith.constant 0 : i32
      %dma_wait3A_117 = tpu.memref_slice %arg13[%dma_wait3A_115, %dma_wait3A_116] : memref<10240x128xf32, #tpu.memory_space<vmem_shared>> -> memref<10240x128xf32, #tpu.memory_space<vmem_shared>>
      tpu.wait_indirect_dma semaphore(%run_scoped3A_105 : memref<!tpu.dma_semaphore, #tpu.memory_space<semaphore_mem>>) src(%arg7 : memref<80x128xf32, #tpu.memory_space<vmem>>) dst(%dma_wait3A_117 : memref<10240x128xf32, #tpu.memory_space<vmem_shared>>)
      tpu.yield
    }) : () -> ()
    %dma_start3A_63 = arith.constant 124 : i32
    %dma_start3A_64 = arith.constant 0 : i32
    %dma_start3A_65 = arith.constant 0 : i32
    %dma_start3A_66 = tpu.memref_slice %arg3[%add3A, %dma_start3A_63, %dma_start3A_64, %dma_start3A_65] : memref<32x125x2x80xi32, #tpu.memory_space<hbm>> -> memref<1x1x2x80xi32, #tpu.memory_space<hbm>>
    %dma_start3A_67 = tpu.memref_squeeze %dma_start3A_66 : memref<1x1x2x80xi32, #tpu.memory_space<hbm>> -> memref<2x80xi32, #tpu.memory_space<hbm>>
    %dma_start3A_68 = arith.constant 0 : i32
    %dma_start3A_69 = arith.constant 0 : i32
    %dma_start3A_70 = tpu.memref_slice %arg3[%add3A, %dma_start3A_63, %dma_start3A_68, %dma_start3A_69] : memref<32x125x2x80xi32, #tpu.memory_space<hbm>> -> memref<1x1x2x80xi32, #tpu.memory_space<hbm>>
    %dma_start3A_71 = tpu.memref_squeeze %dma_start3A_70 : memref<1x1x2x80xi32, #tpu.memory_space<hbm>> -> memref<2x80xi32, #tpu.memory_space<hbm>>
    tpu.enqueue_dma source(%dma_start3A_71 : memref<2x80xi32, #tpu.memory_space<hbm>>) target(%arg5 : memref<2x80xi32, #tpu.memory_space<vmem>>) target_semaphore(%arg9 : memref<!tpu.dma_semaphore, #tpu.memory_space<semaphore_mem>>)
    %dma_wait3A_72 = arith.constant 0 : i32
    %dma_wait3A_73 = arith.constant 0 : i32
    %dma_wait3A_74 = arith.constant 0 : i32
    %dma_wait3A_75 = tpu.memref_slice %arg3[%add3A, %dma_wait3A_72, %dma_wait3A_73, %dma_wait3A_74] : memref<32x125x2x80xi32, #tpu.memory_space<hbm>> -> memref<1x1x2x80xi32, #tpu.memory_space<hbm>>
    %dma_wait3A_76 = tpu.memref_squeeze %dma_wait3A_75 : memref<1x1x2x80xi32, #tpu.memory_space<hbm>> -> memref<2x80xi32, #tpu.memory_space<hbm>>
    %dma_wait3A_77 = arith.constant 0 : i32
    %dma_wait3A_78 = arith.constant 0 : i32
    %dma_wait3A_79 = tpu.memref_slice %arg3[%add3A, %dma_wait3A_72, %dma_wait3A_77, %dma_wait3A_78] : memref<32x125x2x80xi32, #tpu.memory_space<hbm>> -> memref<1x1x2x80xi32, #tpu.memory_space<hbm>>
    %dma_wait3A_80 = tpu.memref_squeeze %dma_wait3A_79 : memref<1x1x2x80xi32, #tpu.memory_space<hbm>> -> memref<2x80xi32, #tpu.memory_space<hbm>>
    tpu.wait_dma2 semaphore(%arg9 : memref<!tpu.dma_semaphore, #tpu.memory_space<semaphore_mem>>) src(%dma_wait3A_80 : memref<2x80xi32, #tpu.memory_space<hbm>>) dst(%arg5 : memref<2x80xi32, #tpu.memory_space<vmem>>)
    %dma_start3A_81 = arith.constant 0 : i32
    %dma_start3A_82 = arith.constant 0 : i32
    %dma_start3A_83 = tpu.memref_slice %arg5[%dma_start3A_81, %dma_start3A_82] : memref<2x80xi32, #tpu.memory_space<vmem>> -> memref<1x80xi32, #tpu.memory_space<vmem>>
    %dma_start3A_84 = tpu.memref_squeeze %dma_start3A_83 : memref<1x80xi32, #tpu.memory_space<vmem>> -> memref<80xi32, #tpu.memory_space<vmem>>
    %dma_start3A_85 = arith.constant 0 : i32
    %dma_start3A_86 = arith.constant 0 : i32
    %dma_start3A_87 = tpu.memref_slice %arg2[%dma_start3A_85, %dma_start3A_86] : memref<10240x128xf32, #tpu.memory_space<hbm>> -> memref<10240x128xf32, #tpu.memory_space<hbm>>
    tpu.enqueue_indirect_dma source(%dma_start3A_87 : memref<10240x128xf32, #tpu.memory_space<hbm>>) target(%arg7 : memref<80x128xf32, #tpu.memory_space<vmem>>) offsets(%dma_start3A_84 : memref<80xi32, #tpu.memory_space<vmem>>) semaphore(%arg11 : memref<!tpu.dma_semaphore, #tpu.memory_space<semaphore_mem>>)
    %dma_wait3A_88 = arith.constant 0 : i32
    %dma_wait3A_89 = arith.constant 0 : i32
    %dma_wait3A_90 = tpu.memref_slice %arg6[%dma_wait3A_88, %dma_wait3A_89] : memref<2x80xi32, #tpu.memory_space<vmem>> -> memref<1x80xi32, #tpu.memory_space<vmem>>
    %dma_wait3A_91 = tpu.memref_squeeze %dma_wait3A_90 : memref<1x80xi32, #tpu.memory_space<vmem>> -> memref<80xi32, #tpu.memory_space<vmem>>
    %dma_wait3A_92 = arith.constant 0 : i32
    %dma_wait3A_93 = arith.constant 0 : i32
    %dma_wait3A_94 = tpu.memref_slice %arg2[%dma_wait3A_92, %dma_wait3A_93] : memref<10240x128xf32, #tpu.memory_space<hbm>> -> memref<10240x128xf32, #tpu.memory_space<hbm>>
    tpu.wait_indirect_dma semaphore(%arg12 : memref<!tpu.dma_semaphore, #tpu.memory_space<semaphore_mem>>) src(%dma_wait3A_94 : memref<10240x128xf32, #tpu.memory_space<hbm>>) dst(%arg8 : memref<80x128xf32, #tpu.memory_space<vmem>>)
    %run_scoped3A_95 = arith.constant 1 : i32
    "tpu.region"() ({
      %run_scoped3A_105 = tpu.sem_alloc : memref<!tpu.dma_semaphore, #tpu.memory_space<semaphore_mem>>
      %dma_start3A_106 = arith.constant 0 : i32
      %dma_start3A_107 = tpu.memref_slice %arg6[%run_scoped3A_95, %dma_start3A_106] : memref<2x80xi32, #tpu.memory_space<vmem>> -> memref<1x80xi32, #tpu.memory_space<vmem>>
      %dma_start3A_108 = tpu.memref_squeeze %dma_start3A_107 : memref<1x80xi32, #tpu.memory_space<vmem>> -> memref<80xi32, #tpu.memory_space<vmem>>
      %dma_start3A_109 = arith.constant 0 : i32
      %dma_start3A_110 = arith.constant 0 : i32
      %dma_start3A_111 = tpu.memref_slice %arg13[%dma_start3A_109, %dma_start3A_110] : memref<10240x128xf32, #tpu.memory_space<vmem_shared>> -> memref<10240x128xf32, #tpu.memory_space<vmem_shared>>
      tpu.enqueue_indirect_dma source(%arg8 : memref<80x128xf32, #tpu.memory_space<vmem>>) target(%dma_start3A_111 : memref<10240x128xf32, #tpu.memory_space<vmem_shared>>) offsets(%dma_start3A_108 : memref<80xi32, #tpu.memory_space<vmem>>) semaphore(%run_scoped3A_105 : memref<!tpu.dma_semaphore, #tpu.memory_space<semaphore_mem>>) {add = true}
      %dma_wait3A_112 = arith.constant 0 : i32
      %dma_wait3A_113 = tpu.memref_slice %arg6[%run_scoped3A_95, %dma_wait3A_112] : memref<2x80xi32, #tpu.memory_space<vmem>> -> memref<1x80xi32, #tpu.memory_space<vmem>>
      %dma_wait3A_114 = tpu.memref_squeeze %dma_wait3A_113 : memref<1x80xi32, #tpu.memory_space<vmem>> -> memref<80xi32, #tpu.memory_space<vmem>>
      %dma_wait3A_115 = arith.constant 0 : i32
      %dma_wait3A_116 = arith.constant 0 : i32
      %dma_wait3A_117 = tpu.memref_slice %arg13[%dma_wait3A_115, %dma_wait3A_116] : memref<10240x128xf32, #tpu.memory_space<vmem_shared>> -> memref<10240x128xf32, #tpu.memory_space<vmem_shared>>
      tpu.wait_indirect_dma semaphore(%run_scoped3A_105 : memref<!tpu.dma_semaphore, #tpu.memory_space<semaphore_mem>>) src(%arg8 : memref<80x128xf32, #tpu.memory_space<vmem>>) dst(%dma_wait3A_117 : memref<10240x128xf32, #tpu.memory_space<vmem_shared>>)
      tpu.yield
    }) : () -> ()
    %dma_wait3A_96 = arith.constant 0 : i32
    %dma_wait3A_97 = arith.constant 0 : i32
    %dma_wait3A_98 = tpu.memref_slice %arg5[%dma_wait3A_96, %dma_wait3A_97] : memref<2x80xi32, #tpu.memory_space<vmem>> -> memref<1x80xi32, #tpu.memory_space<vmem>>
    %dma_wait3A_99 = tpu.memref_squeeze %dma_wait3A_98 : memref<1x80xi32, #tpu.memory_space<vmem>> -> memref<80xi32, #tpu.memory_space<vmem>>
    %dma_wait3A_100 = arith.constant 0 : i32
    %dma_wait3A_101 = arith.constant 0 : i32
    %dma_wait3A_102 = tpu.memref_slice %arg2[%dma_wait3A_100, %dma_wait3A_101] : memref<10240x128xf32, #tpu.memory_space<hbm>> -> memref<10240x128xf32, #tpu.memory_space<hbm>>
    tpu.wait_indirect_dma semaphore(%arg11 : memref<!tpu.dma_semaphore, #tpu.memory_space<semaphore_mem>>) src(%dma_wait3A_102 : memref<10240x128xf32, #tpu.memory_space<hbm>>) dst(%arg7 : memref<80x128xf32, #tpu.memory_space<vmem>>)
    %run_scoped3A_103 = arith.constant 1 : i32
    "tpu.region"() ({
      %run_scoped3A_105 = tpu.sem_alloc : memref<!tpu.dma_semaphore, #tpu.memory_space<semaphore_mem>>
      %dma_start3A_106 = arith.constant 0 : i32
      %dma_start3A_107 = tpu.memref_slice %arg5[%run_scoped3A_103, %dma_start3A_106] : memref<2x80xi32, #tpu.memory_space<vmem>> -> memref<1x80xi32, #tpu.memory_space<vmem>>
      %dma_start3A_108 = tpu.memref_squeeze %dma_start3A_107 : memref<1x80xi32, #tpu.memory_space<vmem>> -> memref<80xi32, #tpu.memory_space<vmem>>
      %dma_start3A_109 = arith.constant 0 : i32
      %dma_start3A_110 = arith.constant 0 : i32
      %dma_start3A_111 = tpu.memref_slice %arg13[%dma_start3A_109, %dma_start3A_110] : memref<10240x128xf32, #tpu.memory_space<vmem_shared>> -> memref<10240x128xf32, #tpu.memory_space<vmem_shared>>
      tpu.enqueue_indirect_dma source(%arg7 : memref<80x128xf32, #tpu.memory_space<vmem>>) target(%dma_start3A_111 : memref<10240x128xf32, #tpu.memory_space<vmem_shared>>) offsets(%dma_start3A_108 : memref<80xi32, #tpu.memory_space<vmem>>) semaphore(%run_scoped3A_105 : memref<!tpu.dma_semaphore, #tpu.memory_space<semaphore_mem>>) {add = true}
      %dma_wait3A_112 = arith.constant 0 : i32
      %dma_wait3A_113 = tpu.memref_slice %arg5[%run_scoped3A_103, %dma_wait3A_112] : memref<2x80xi32, #tpu.memory_space<vmem>> -> memref<1x80xi32, #tpu.memory_space<vmem>>
      %dma_wait3A_114 = tpu.memref_squeeze %dma_wait3A_113 : memref<1x80xi32, #tpu.memory_space<vmem>> -> memref<80xi32, #tpu.memory_space<vmem>>
      %dma_wait3A_115 = arith.constant 0 : i32
      %dma_wait3A_116 = arith.constant 0 : i32
      %dma_wait3A_117 = tpu.memref_slice %arg13[%dma_wait3A_115, %dma_wait3A_116] : memref<10240x128xf32, #tpu.memory_space<vmem_shared>> -> memref<10240x128xf32, #tpu.memory_space<vmem_shared>>
      tpu.wait_indirect_dma semaphore(%run_scoped3A_105 : memref<!tpu.dma_semaphore, #tpu.memory_space<semaphore_mem>>) src(%arg7 : memref<80x128xf32, #tpu.memory_space<vmem>>) dst(%dma_wait3A_117 : memref<10240x128xf32, #tpu.memory_space<vmem_shared>>)
      tpu.yield
    }) : () -> ()
    %barrier3A_104 = arith.constant 0 : index
    tpu.barrier barrier_id(%barrier3A_104)
    "tpu.region"() ({
      %run_scoped3A_105 = tpu.sem_alloc : memref<!tpu.dma_semaphore, #tpu.memory_space<semaphore_mem>>
      %dma_start3A_106 = arith.constant 0 : i32
      %dma_start3A_107 = tpu.memref_slice %arg4[%arg0, %mul3A_2, %dma_start3A_106] : memref<2x10240x128xf32, #tpu.memory_space<hbm>> -> memref<1x640x128xf32, #tpu.memory_space<hbm>>
      %dma_start3A_108 = tpu.memref_squeeze %dma_start3A_107 : memref<1x640x128xf32, #tpu.memory_space<hbm>> -> memref<640x128xf32, #tpu.memory_space<hbm>>
      %dma_start3A_109 = arith.constant 0 : i32
      %dma_start3A_110 = tpu.memref_slice %arg13[%mul3A_2, %dma_start3A_109] : memref<10240x128xf32, #tpu.memory_space<vmem_shared>> -> memref<640x128xf32, #tpu.memory_space<vmem_shared>>
      tpu.enqueue_dma source(%dma_start3A_110 : memref<640x128xf32, #tpu.memory_space<vmem_shared>>) target(%dma_start3A_108 : memref<640x128xf32, #tpu.memory_space<hbm>>) target_semaphore(%run_scoped3A_105 : memref<!tpu.dma_semaphore, #tpu.memory_space<semaphore_mem>>)
      %dma_wait3A_111 = arith.constant 0 : i32
      %dma_wait3A_112 = tpu.memref_slice %arg4[%arg0, %mul3A_2, %dma_wait3A_111] : memref<2x10240x128xf32, #tpu.memory_space<hbm>> -> memref<1x640x128xf32, #tpu.memory_space<hbm>>
      %dma_wait3A_113 = tpu.memref_squeeze %dma_wait3A_112 : memref<1x640x128xf32, #tpu.memory_space<hbm>> -> memref<640x128xf32, #tpu.memory_space<hbm>>
      %dma_wait3A_114 = arith.constant 0 : i32
      %dma_wait3A_115 = tpu.memref_slice %arg13[%mul3A_2, %dma_wait3A_114] : memref<10240x128xf32, #tpu.memory_space<vmem_shared>> -> memref<640x128xf32, #tpu.memory_space<vmem_shared>>
      tpu.wait_dma2 semaphore(%run_scoped3A_105 : memref<!tpu.dma_semaphore, #tpu.memory_space<semaphore_mem>>) src(%dma_wait3A_115 : memref<640x128xf32, #tpu.memory_space<vmem_shared>>) dst(%dma_wait3A_113 : memref<640x128xf32, #tpu.memory_space<hbm>>)
      tpu.yield
    }) : () -> ()
    return
  }
}

#map = affine_map<(d0, d1) -> (0, 0, 0)>
#map1 = affine_map<(d0, d1) -> (0, 0)>
module attributes {stable_mosaic.version = 14 : i64} {
  func.func @deg_kernel(%arg0: i32, %arg1: i32, %arg2: memref<32x125x80xi32, #tpu.memory_space<hbm>>, %arg3: memref<80x128xf32, #tpu.memory_space<hbm>>, %arg4: memref<10240x128xf32, #tpu.memory_space<hbm>>, %arg5: memref<2x10240x128xf32, #tpu.memory_space<hbm>>, %arg6: memref<125x80xi32, #tpu.memory_space<vmem>>, %arg7: memref<80x128xf32, #tpu.memory_space<vmem>>, %arg8: memref<10240x128xf32, #tpu.memory_space<vmem_shared>>) attributes {dimension_semantics = [#tpu.dimension_semantics<core_parallel>, #tpu.dimension_semantics<subcore_parallel>], iteration_bounds = array<i64: 2, 16>, scalar_prefetch = 0 : i64, scratch_operands = 3 : i64, tpu.core_type = #tpu.core_type<sc_vector_subcore>, window_params = [{transform_indices = #map}, {transform_indices = #map1}, {transform_indices = #map1}, {transform_indices = #map}]} {
    %mul3A = arith.constant 16 : i32
    %mul3A_0 = arith.muli %arg0, %mul3A : i32
    %add3A = arith.addi %mul3A_0, %arg1 : i32
    %mul3A_1 = arith.constant 640 : i32
    %mul3A_2 = arith.muli %arg1, %mul3A_1 : i32
    "tpu.region"() ({
      %run_scoped3A = tpu.sem_alloc : memref<!tpu.dma_semaphore, #tpu.memory_space<semaphore_mem>>
      %dma_start3A = arith.constant 0 : i32
      %dma_start3A_9 = tpu.memref_slice %arg8[%mul3A_2, %dma_start3A] : memref<10240x128xf32, #tpu.memory_space<vmem_shared>> -> memref<640x128xf32, #tpu.memory_space<vmem_shared>>
      %dma_start3A_10 = arith.constant 0 : i32
      %dma_start3A_11 = tpu.memref_slice %arg4[%mul3A_2, %dma_start3A_10] : memref<10240x128xf32, #tpu.memory_space<hbm>> -> memref<640x128xf32, #tpu.memory_space<hbm>>
      tpu.enqueue_dma source(%dma_start3A_11 : memref<640x128xf32, #tpu.memory_space<hbm>>) target(%dma_start3A_9 : memref<640x128xf32, #tpu.memory_space<vmem_shared>>) target_semaphore(%run_scoped3A : memref<!tpu.dma_semaphore, #tpu.memory_space<semaphore_mem>>)
      %dma_wait3A = arith.constant 0 : i32
      %dma_wait3A_12 = tpu.memref_slice %arg8[%mul3A_2, %dma_wait3A] : memref<10240x128xf32, #tpu.memory_space<vmem_shared>> -> memref<640x128xf32, #tpu.memory_space<vmem_shared>>
      %dma_wait3A_13 = arith.constant 0 : i32
      %dma_wait3A_14 = tpu.memref_slice %arg4[%mul3A_2, %dma_wait3A_13] : memref<10240x128xf32, #tpu.memory_space<hbm>> -> memref<640x128xf32, #tpu.memory_space<hbm>>
      tpu.wait_dma2 semaphore(%run_scoped3A : memref<!tpu.dma_semaphore, #tpu.memory_space<semaphore_mem>>) src(%dma_wait3A_14 : memref<640x128xf32, #tpu.memory_space<hbm>>) dst(%dma_wait3A_12 : memref<640x128xf32, #tpu.memory_space<vmem_shared>>)
      tpu.yield
    }) : () -> ()
    "tpu.region"() ({
      %run_scoped3A = tpu.sem_alloc : memref<!tpu.dma_semaphore, #tpu.memory_space<semaphore_mem>>
      tpu.enqueue_dma source(%arg3 : memref<80x128xf32, #tpu.memory_space<hbm>>) target(%arg7 : memref<80x128xf32, #tpu.memory_space<vmem>>) target_semaphore(%run_scoped3A : memref<!tpu.dma_semaphore, #tpu.memory_space<semaphore_mem>>)
      tpu.wait_dma2 semaphore(%run_scoped3A : memref<!tpu.dma_semaphore, #tpu.memory_space<semaphore_mem>>) src(%arg3 : memref<80x128xf32, #tpu.memory_space<hbm>>) dst(%arg7 : memref<80x128xf32, #tpu.memory_space<vmem>>)
      tpu.yield
    }) : () -> ()
    "tpu.region"() ({
      %run_scoped3A = tpu.sem_alloc : memref<!tpu.dma_semaphore, #tpu.memory_space<semaphore_mem>>
      %dma_start3A = arith.constant 0 : i32
      %dma_start3A_9 = arith.constant 0 : i32
      %dma_start3A_10 = tpu.memref_slice %arg2[%add3A, %dma_start3A, %dma_start3A_9] : memref<32x125x80xi32, #tpu.memory_space<hbm>> -> memref<1x125x80xi32, #tpu.memory_space<hbm>>
      %dma_start3A_11 = tpu.memref_squeeze %dma_start3A_10 : memref<1x125x80xi32, #tpu.memory_space<hbm>> -> memref<125x80xi32, #tpu.memory_space<hbm>>
      %dma_start3A_12 = arith.constant 0 : i32
      %dma_start3A_13 = arith.constant 0 : i32
      %dma_start3A_14 = tpu.memref_slice %arg2[%add3A, %dma_start3A_12, %dma_start3A_13] : memref<32x125x80xi32, #tpu.memory_space<hbm>> -> memref<1x125x80xi32, #tpu.memory_space<hbm>>
      %dma_start3A_15 = tpu.memref_squeeze %dma_start3A_14 : memref<1x125x80xi32, #tpu.memory_space<hbm>> -> memref<125x80xi32, #tpu.memory_space<hbm>>
      tpu.enqueue_dma source(%dma_start3A_15 : memref<125x80xi32, #tpu.memory_space<hbm>>) target(%arg6 : memref<125x80xi32, #tpu.memory_space<vmem>>) target_semaphore(%run_scoped3A : memref<!tpu.dma_semaphore, #tpu.memory_space<semaphore_mem>>)
      %dma_wait3A = arith.constant 0 : i32
      %dma_wait3A_16 = arith.constant 0 : i32
      %dma_wait3A_17 = tpu.memref_slice %arg2[%add3A, %dma_wait3A, %dma_wait3A_16] : memref<32x125x80xi32, #tpu.memory_space<hbm>> -> memref<1x125x80xi32, #tpu.memory_space<hbm>>
      %dma_wait3A_18 = tpu.memref_squeeze %dma_wait3A_17 : memref<1x125x80xi32, #tpu.memory_space<hbm>> -> memref<125x80xi32, #tpu.memory_space<hbm>>
      %dma_wait3A_19 = arith.constant 0 : i32
      %dma_wait3A_20 = arith.constant 0 : i32
      %dma_wait3A_21 = tpu.memref_slice %arg2[%add3A, %dma_wait3A_19, %dma_wait3A_20] : memref<32x125x80xi32, #tpu.memory_space<hbm>> -> memref<1x125x80xi32, #tpu.memory_space<hbm>>
      %dma_wait3A_22 = tpu.memref_squeeze %dma_wait3A_21 : memref<1x125x80xi32, #tpu.memory_space<hbm>> -> memref<125x80xi32, #tpu.memory_space<hbm>>
      tpu.wait_dma2 semaphore(%run_scoped3A : memref<!tpu.dma_semaphore, #tpu.memory_space<semaphore_mem>>) src(%dma_wait3A_22 : memref<125x80xi32, #tpu.memory_space<hbm>>) dst(%arg6 : memref<125x80xi32, #tpu.memory_space<vmem>>)
      tpu.yield
    }) : () -> ()
    %barrier3A = arith.constant 0 : index
    tpu.barrier barrier_id(%barrier3A)
    %scan3A = arith.constant 0 : i32
    %scan3A_3 = arith.constant 0 : i32
    %scan3A_4 = arith.constant 125 : i32
    %scan3A_5 = arith.addi %scan3A_3, %scan3A_4 : i32
    %scan3A_6 = arith.constant 1 : i32
    scf.for %scan3A_9 = %scan3A_3 to %scan3A_5 step %scan3A_6  : i32 {
      "tpu.region"() ({
        %run_scoped3A = tpu.sem_alloc : memref<!tpu.dma_semaphore, #tpu.memory_space<semaphore_mem>>
        %dma_start3A = arith.constant 0 : i32
        %dma_start3A_10 = tpu.memref_slice %arg6[%scan3A_9, %dma_start3A] : memref<125x80xi32, #tpu.memory_space<vmem>> -> memref<1x80xi32, #tpu.memory_space<vmem>>
        %dma_start3A_11 = tpu.memref_squeeze %dma_start3A_10 : memref<1x80xi32, #tpu.memory_space<vmem>> -> memref<80xi32, #tpu.memory_space<vmem>>
        %dma_start3A_12 = arith.constant 0 : i32
        %dma_start3A_13 = arith.constant 0 : i32
        %dma_start3A_14 = tpu.memref_slice %arg8[%dma_start3A_12, %dma_start3A_13] : memref<10240x128xf32, #tpu.memory_space<vmem_shared>> -> memref<10240x128xf32, #tpu.memory_space<vmem_shared>>
        tpu.enqueue_indirect_dma source(%arg7 : memref<80x128xf32, #tpu.memory_space<vmem>>) target(%dma_start3A_14 : memref<10240x128xf32, #tpu.memory_space<vmem_shared>>) offsets(%dma_start3A_11 : memref<80xi32, #tpu.memory_space<vmem>>) semaphore(%run_scoped3A : memref<!tpu.dma_semaphore, #tpu.memory_space<semaphore_mem>>) {add = true}
        %dma_wait3A = arith.constant 0 : i32
        %dma_wait3A_15 = tpu.memref_slice %arg6[%scan3A_9, %dma_wait3A] : memref<125x80xi32, #tpu.memory_space<vmem>> -> memref<1x80xi32, #tpu.memory_space<vmem>>
        %dma_wait3A_16 = tpu.memref_squeeze %dma_wait3A_15 : memref<1x80xi32, #tpu.memory_space<vmem>> -> memref<80xi32, #tpu.memory_space<vmem>>
        %dma_wait3A_17 = arith.constant 0 : i32
        %dma_wait3A_18 = arith.constant 0 : i32
        %dma_wait3A_19 = tpu.memref_slice %arg8[%dma_wait3A_17, %dma_wait3A_18] : memref<10240x128xf32, #tpu.memory_space<vmem_shared>> -> memref<10240x128xf32, #tpu.memory_space<vmem_shared>>
        tpu.wait_indirect_dma semaphore(%run_scoped3A : memref<!tpu.dma_semaphore, #tpu.memory_space<semaphore_mem>>) src(%arg7 : memref<80x128xf32, #tpu.memory_space<vmem>>) dst(%dma_wait3A_19 : memref<10240x128xf32, #tpu.memory_space<vmem_shared>>)
        tpu.yield
      }) : () -> ()
    }
    %scan3A_7 = arith.constant 125 : i32
    %barrier3A_8 = arith.constant 0 : index
    tpu.barrier barrier_id(%barrier3A_8)
    "tpu.region"() ({
      %run_scoped3A = tpu.sem_alloc : memref<!tpu.dma_semaphore, #tpu.memory_space<semaphore_mem>>
      %dma_start3A = arith.constant 0 : i32
      %dma_start3A_9 = tpu.memref_slice %arg5[%arg0, %mul3A_2, %dma_start3A] : memref<2x10240x128xf32, #tpu.memory_space<hbm>> -> memref<1x640x128xf32, #tpu.memory_space<hbm>>
      %dma_start3A_10 = tpu.memref_squeeze %dma_start3A_9 : memref<1x640x128xf32, #tpu.memory_space<hbm>> -> memref<640x128xf32, #tpu.memory_space<hbm>>
      %dma_start3A_11 = arith.constant 0 : i32
      %dma_start3A_12 = tpu.memref_slice %arg8[%mul3A_2, %dma_start3A_11] : memref<10240x128xf32, #tpu.memory_space<vmem_shared>> -> memref<640x128xf32, #tpu.memory_space<vmem_shared>>
      tpu.enqueue_dma source(%dma_start3A_12 : memref<640x128xf32, #tpu.memory_space<vmem_shared>>) target(%dma_start3A_10 : memref<640x128xf32, #tpu.memory_space<hbm>>) target_semaphore(%run_scoped3A : memref<!tpu.dma_semaphore, #tpu.memory_space<semaphore_mem>>)
      %dma_wait3A = arith.constant 0 : i32
      %dma_wait3A_13 = tpu.memref_slice %arg5[%arg0, %mul3A_2, %dma_wait3A] : memref<2x10240x128xf32, #tpu.memory_space<hbm>> -> memref<1x640x128xf32, #tpu.memory_space<hbm>>
      %dma_wait3A_14 = tpu.memref_squeeze %dma_wait3A_13 : memref<1x640x128xf32, #tpu.memory_space<hbm>> -> memref<640x128xf32, #tpu.memory_space<hbm>>
      %dma_wait3A_15 = arith.constant 0 : i32
      %dma_wait3A_16 = tpu.memref_slice %arg8[%mul3A_2, %dma_wait3A_15] : memref<10240x128xf32, #tpu.memory_space<vmem_shared>> -> memref<640x128xf32, #tpu.memory_space<vmem_shared>>
      tpu.wait_dma2 semaphore(%run_scoped3A : memref<!tpu.dma_semaphore, #tpu.memory_space<semaphore_mem>>) src(%dma_wait3A_16 : memref<640x128xf32, #tpu.memory_space<vmem_shared>>) dst(%dma_wait3A_14 : memref<640x128xf32, #tpu.memory_space<hbm>>)
      tpu.yield
    }) : () -> ()
    return
  }
}

#map = affine_map<(d0, d1) -> (0, 0)>
#map1 = affine_map<(d0, d1) -> (0, 0, 0, 0)>
#map2 = affine_map<(d0, d1) -> (0, 0, 0)>
module attributes {stable_mosaic.version = 14 : i64} {
  func.func @agg_kernel(%arg0: i32, %arg1: i32, %arg2: memref<10240x128xf32, #tpu.memory_space<hbm>>, %arg3: memref<32x125x2x80xi32, #tpu.memory_space<hbm>>, %arg4: memref<2x10240x128xf32, #tpu.memory_space<hbm>>, %arg5: memref<2x80xi32, #tpu.memory_space<vmem>>, %arg6: memref<2x80xi32, #tpu.memory_space<vmem>>, %arg7: memref<80x128xf32, #tpu.memory_space<vmem>>, %arg8: memref<80x128xf32, #tpu.memory_space<vmem>>, %arg9: memref<!tpu.dma_semaphore, #tpu.memory_space<semaphore_mem>>, %arg10: memref<!tpu.dma_semaphore, #tpu.memory_space<semaphore_mem>>, %arg11: memref<!tpu.dma_semaphore, #tpu.memory_space<semaphore_mem>>, %arg12: memref<!tpu.dma_semaphore, #tpu.memory_space<semaphore_mem>>, %arg13: memref<10240x128xf32, #tpu.memory_space<vmem_shared>>) attributes {dimension_semantics = [#tpu.dimension_semantics<core_parallel>, #tpu.dimension_semantics<subcore_parallel>], iteration_bounds = array<i64: 2, 16>, scalar_prefetch = 0 : i64, scratch_operands = 9 : i64, tpu.core_type = #tpu.core_type<sc_vector_subcore>, window_params = [{transform_indices = #map}, {transform_indices = #map1}, {transform_indices = #map2}]} {
    %mul3A = arith.constant 16 : i32
    %mul3A_0 = arith.muli %arg0, %mul3A : i32
    %add3A = arith.addi %mul3A_0, %arg1 : i32
    %mul3A_1 = arith.constant 640 : i32
    %mul3A_2 = arith.muli %arg1, %mul3A_1 : i32
    "tpu.region"() ({
      %run_scoped3A_105 = tpu.sem_alloc : memref<!tpu.dma_semaphore, #tpu.memory_space<semaphore_mem>>
      %dma_start3A_106 = arith.constant 0 : i32
      %dma_start3A_107 = tpu.memref_slice %arg13[%mul3A_2, %dma_start3A_106] : memref<10240x128xf32, #tpu.memory_space<vmem_shared>> -> memref<640x128xf32, #tpu.memory_space<vmem_shared>>
      %dma_start3A_108 = arith.constant 0 : i32
      %dma_start3A_109 = tpu.memref_slice %arg2[%mul3A_2, %dma_start3A_108] : memref<10240x128xf32, #tpu.memory_space<hbm>> -> memref<640x128xf32, #tpu.memory_space<hbm>>
      tpu.enqueue_dma source(%dma_start3A_109 : memref<640x128xf32, #tpu.memory_space<hbm>>) target(%dma_start3A_107 : memref<640x128xf32, #tpu.memory_space<vmem_shared>>) target_semaphore(%run_scoped3A_105 : memref<!tpu.dma_semaphore, #tpu.memory_space<semaphore_mem>>)
      %dma_wait3A_110 = arith.constant 0 : i32
      %dma_wait3A_111 = tpu.memref_slice %arg13[%mul3A_2, %dma_wait3A_110] : memref<10240x128xf32, #tpu.memory_space<vmem_shared>> -> memref<640x128xf32, #tpu.memory_space<vmem_shared>>
      %dma_wait3A_112 = arith.constant 0 : i32
      %dma_wait3A_113 = tpu.memref_slice %arg2[%mul3A_2, %dma_wait3A_112] : memref<10240x128xf32, #tpu.memory_space<hbm>> -> memref<640x128xf32, #tpu.memory_space<hbm>>
      tpu.wait_dma2 semaphore(%run_scoped3A_105 : memref<!tpu.dma_semaphore, #tpu.memory_space<semaphore_mem>>) src(%dma_wait3A_113 : memref<640x128xf32, #tpu.memory_space<hbm>>) dst(%dma_wait3A_111 : memref<640x128xf32, #tpu.memory_space<vmem_shared>>)
      tpu.yield
    }) : () -> ()
    %barrier3A = arith.constant 0 : index
    tpu.barrier barrier_id(%barrier3A)
    %dma_start3A = arith.constant 0 : i32
    %dma_start3A_3 = arith.constant 0 : i32
    %dma_start3A_4 = arith.constant 0 : i32
    %dma_start3A_5 = tpu.memref_slice %arg3[%add3A, %dma_start3A, %dma_start3A_3, %dma_start3A_4] : memref<32x125x2x80xi32, #tpu.memory_space<hbm>> -> memref<1x1x2x80xi32, #tpu.memory_space<hbm>>
    %dma_start3A_6 = tpu.memref_squeeze %dma_start3A_5 : memref<1x1x2x80xi32, #tpu.memory_space<hbm>> -> memref<2x80xi32, #tpu.memory_space<hbm>>
    %dma_start3A_7 = arith.constant 0 : i32
    %dma_start3A_8 = arith.constant 0 : i32
    %dma_start3A_9 = tpu.memref_slice %arg3[%add3A, %dma_start3A, %dma_start3A_7, %dma_start3A_8] : memref<32x125x2x80xi32, #tpu.memory_space<hbm>> -> memref<1x1x2x80xi32, #tpu.memory_space<hbm>>
    %dma_start3A_10 = tpu.memref_squeeze %dma_start3A_9 : memref<1x1x2x80xi32, #tpu.memory_space<hbm>> -> memref<2x80xi32, #tpu.memory_space<hbm>>
    tpu.enqueue_dma source(%dma_start3A_10 : memref<2x80xi32, #tpu.memory_space<hbm>>) target(%arg5 : memref<2x80xi32, #tpu.memory_space<vmem>>) target_semaphore(%arg9 : memref<!tpu.dma_semaphore, #tpu.memory_space<semaphore_mem>>)
    %dma_start3A_11 = arith.constant 1 : i32
    %dma_start3A_12 = arith.constant 0 : i32
    %dma_start3A_13 = arith.constant 0 : i32
    %dma_start3A_14 = tpu.memref_slice %arg3[%add3A, %dma_start3A_11, %dma_start3A_12, %dma_start3A_13] : memref<32x125x2x80xi32, #tpu.memory_space<hbm>> -> memref<1x1x2x80xi32, #tpu.memory_space<hbm>>
    %dma_start3A_15 = tpu.memref_squeeze %dma_start3A_14 : memref<1x1x2x80xi32, #tpu.memory_space<hbm>> -> memref<2x80xi32, #tpu.memory_space<hbm>>
    %dma_start3A_16 = arith.constant 0 : i32
    %dma_start3A_17 = arith.constant 0 : i32
    %dma_start3A_18 = tpu.memref_slice %arg3[%add3A, %dma_start3A_11, %dma_start3A_16, %dma_start3A_17] : memref<32x125x2x80xi32, #tpu.memory_space<hbm>> -> memref<1x1x2x80xi32, #tpu.memory_space<hbm>>
    %dma_start3A_19 = tpu.memref_squeeze %dma_start3A_18 : memref<1x1x2x80xi32, #tpu.memory_space<hbm>> -> memref<2x80xi32, #tpu.memory_space<hbm>>
    tpu.enqueue_dma source(%dma_start3A_19 : memref<2x80xi32, #tpu.memory_space<hbm>>) target(%arg6 : memref<2x80xi32, #tpu.memory_space<vmem>>) target_semaphore(%arg10 : memref<!tpu.dma_semaphore, #tpu.memory_space<semaphore_mem>>)
    %dma_wait3A = arith.constant 0 : i32
    %dma_wait3A_20 = arith.constant 0 : i32
    %dma_wait3A_21 = arith.constant 0 : i32
    %dma_wait3A_22 = tpu.memref_slice %arg3[%add3A, %dma_wait3A, %dma_wait3A_20, %dma_wait3A_21] : memref<32x125x2x80xi32, #tpu.memory_space<hbm>> -> memref<1x1x2x80xi32, #tpu.memory_space<hbm>>
    %dma_wait3A_23 = tpu.memref_squeeze %dma_wait3A_22 : memref<1x1x2x80xi32, #tpu.memory_space<hbm>> -> memref<2x80xi32, #tpu.memory_space<hbm>>
    %dma_wait3A_24 = arith.constant 0 : i32
    %dma_wait3A_25 = arith.constant 0 : i32
    %dma_wait3A_26 = tpu.memref_slice %arg3[%add3A, %dma_wait3A, %dma_wait3A_24, %dma_wait3A_25] : memref<32x125x2x80xi32, #tpu.memory_space<hbm>> -> memref<1x1x2x80xi32, #tpu.memory_space<hbm>>
    %dma_wait3A_27 = tpu.memref_squeeze %dma_wait3A_26 : memref<1x1x2x80xi32, #tpu.memory_space<hbm>> -> memref<2x80xi32, #tpu.memory_space<hbm>>
    tpu.wait_dma2 semaphore(%arg9 : memref<!tpu.dma_semaphore, #tpu.memory_space<semaphore_mem>>) src(%dma_wait3A_27 : memref<2x80xi32, #tpu.memory_space<hbm>>) dst(%arg5 : memref<2x80xi32, #tpu.memory_space<vmem>>)
    %dma_start3A_28 = arith.constant 0 : i32
    %dma_start3A_29 = arith.constant 0 : i32
    %dma_start3A_30 = tpu.memref_slice %arg5[%dma_start3A_28, %dma_start3A_29] : memref<2x80xi32, #tpu.memory_space<vmem>> -> memref<1x80xi32, #tpu.memory_space<vmem>>
    %dma_start3A_31 = tpu.memref_squeeze %dma_start3A_30 : memref<1x80xi32, #tpu.memory_space<vmem>> -> memref<80xi32, #tpu.memory_space<vmem>>
    %dma_start3A_32 = arith.constant 0 : i32
    %dma_start3A_33 = arith.constant 0 : i32
    %dma_start3A_34 = tpu.memref_slice %arg2[%dma_start3A_32, %dma_start3A_33] : memref<10240x128xf32, #tpu.memory_space<hbm>> -> memref<10240x128xf32, #tpu.memory_space<hbm>>
    tpu.enqueue_indirect_dma source(%dma_start3A_34 : memref<10240x128xf32, #tpu.memory_space<hbm>>) target(%arg7 : memref<80x128xf32, #tpu.memory_space<vmem>>) offsets(%dma_start3A_31 : memref<80xi32, #tpu.memory_space<vmem>>) semaphore(%arg11 : memref<!tpu.dma_semaphore, #tpu.memory_space<semaphore_mem>>)
    %scan3A = arith.constant 0 : i32
    %scan3A_35 = arith.constant 0 : i32
    %scan3A_36 = arith.constant 61 : i32
    %scan3A_37 = arith.addi %scan3A_35, %scan3A_36 : i32
    %scan3A_38 = arith.constant 1 : i32
    scf.for %scan3A_105 = %scan3A_35 to %scan3A_37 step %scan3A_38  : i32 {
      %mul3A_106 = arith.constant 2 : i32
      %mul3A_107 = arith.muli %mul3A_106, %scan3A_105 : i32
      %dma_wait3A_108 = arith.constant 0 : i32
      %dma_wait3A_109 = arith.constant 0 : i32
      %dma_wait3A_110 = arith.constant 0 : i32
      %dma_wait3A_111 = tpu.memref_slice %arg3[%add3A, %dma_wait3A_108, %dma_wait3A_109, %dma_wait3A_110] : memref<32x125x2x80xi32, #tpu.memory_space<hbm>> -> memref<1x1x2x80xi32, #tpu.memory_space<hbm>>
      %dma_wait3A_112 = tpu.memref_squeeze %dma_wait3A_111 : memref<1x1x2x80xi32, #tpu.memory_space<hbm>> -> memref<2x80xi32, #tpu.memory_space<hbm>>
      %dma_wait3A_113 = arith.constant 0 : i32
      %dma_wait3A_114 = arith.constant 0 : i32
      %dma_wait3A_115 = tpu.memref_slice %arg3[%add3A, %dma_wait3A_108, %dma_wait3A_113, %dma_wait3A_114] : memref<32x125x2x80xi32, #tpu.memory_space<hbm>> -> memref<1x1x2x80xi32, #tpu.memory_space<hbm>>
      %dma_wait3A_116 = tpu.memref_squeeze %dma_wait3A_115 : memref<1x1x2x80xi32, #tpu.memory_space<hbm>> -> memref<2x80xi32, #tpu.memory_space<hbm>>
      tpu.wait_dma2 semaphore(%arg10 : memref<!tpu.dma_semaphore, #tpu.memory_space<semaphore_mem>>) src(%dma_wait3A_116 : memref<2x80xi32, #tpu.memory_space<hbm>>) dst(%arg6 : memref<2x80xi32, #tpu.memory_space<vmem>>)
      %dma_start3A_117 = arith.constant 0 : i32
      %dma_start3A_118 = arith.constant 0 : i32
      %dma_start3A_119 = tpu.memref_slice %arg6[%dma_start3A_117, %dma_start3A_118] : memref<2x80xi32, #tpu.memory_space<vmem>> -> memref<1x80xi32, #tpu.memory_space<vmem>>
      %dma_start3A_120 = tpu.memref_squeeze %dma_start3A_119 : memref<1x80xi32, #tpu.memory_space<vmem>> -> memref<80xi32, #tpu.memory_space<vmem>>
      %dma_start3A_121 = arith.constant 0 : i32
      %dma_start3A_122 = arith.constant 0 : i32
      %dma_start3A_123 = tpu.memref_slice %arg2[%dma_start3A_121, %dma_start3A_122] : memref<10240x128xf32, #tpu.memory_space<hbm>> -> memref<10240x128xf32, #tpu.memory_space<hbm>>
      tpu.enqueue_indirect_dma source(%dma_start3A_123 : memref<10240x128xf32, #tpu.memory_space<hbm>>) target(%arg8 : memref<80x128xf32, #tpu.memory_space<vmem>>) offsets(%dma_start3A_120 : memref<80xi32, #tpu.memory_space<vmem>>) semaphore(%arg12 : memref<!tpu.dma_semaphore, #tpu.memory_space<semaphore_mem>>)
      %dma_wait3A_124 = arith.constant 0 : i32
      %dma_wait3A_125 = arith.constant 0 : i32
      %dma_wait3A_126 = tpu.memref_slice %arg5[%dma_wait3A_124, %dma_wait3A_125] : memref<2x80xi32, #tpu.memory_space<vmem>> -> memref<1x80xi32, #tpu.memory_space<vmem>>
      %dma_wait3A_127 = tpu.memref_squeeze %dma_wait3A_126 : memref<1x80xi32, #tpu.memory_space<vmem>> -> memref<80xi32, #tpu.memory_space<vmem>>
      %dma_wait3A_128 = arith.constant 0 : i32
      %dma_wait3A_129 = arith.constant 0 : i32
      %dma_wait3A_130 = tpu.memref_slice %arg2[%dma_wait3A_128, %dma_wait3A_129] : memref<10240x128xf32, #tpu.memory_space<hbm>> -> memref<10240x128xf32, #tpu.memory_space<hbm>>
      tpu.wait_indirect_dma semaphore(%arg11 : memref<!tpu.dma_semaphore, #tpu.memory_space<semaphore_mem>>) src(%dma_wait3A_130 : memref<10240x128xf32, #tpu.memory_space<hbm>>) dst(%arg7 : memref<80x128xf32, #tpu.memory_space<vmem>>)
      %run_scoped3A_131 = arith.constant 1 : i32
      "tpu.region"() ({
        %run_scoped3A_178 = tpu.sem_alloc : memref<!tpu.dma_semaphore, #tpu.memory_space<semaphore_mem>>
        %dma_start3A_179 = arith.constant 0 : i32
        %dma_start3A_180 = tpu.memref_slice %arg5[%run_scoped3A_131, %dma_start3A_179] : memref<2x80xi32, #tpu.memory_space<vmem>> -> memref<1x80xi32, #tpu.memory_space<vmem>>
        %dma_start3A_181 = tpu.memref_squeeze %dma_start3A_180 : memref<1x80xi32, #tpu.memory_space<vmem>> -> memref<80xi32, #tpu.memory_space<vmem>>
        %dma_start3A_182 = arith.constant 0 : i32
        %dma_start3A_183 = arith.constant 0 : i32
        %dma_start3A_184 = tpu.memref_slice %arg13[%dma_start3A_182, %dma_start3A_183] : memref<10240x128xf32, #tpu.memory_space<vmem_shared>> -> memref<10240x128xf32, #tpu.memory_space<vmem_shared>>
        tpu.enqueue_indirect_dma source(%arg7 : memref<80x128xf32, #tpu.memory_space<vmem>>) target(%dma_start3A_184 : memref<10240x128xf32, #tpu.memory_space<vmem_shared>>) offsets(%dma_start3A_181 : memref<80xi32, #tpu.memory_space<vmem>>) semaphore(%run_scoped3A_178 : memref<!tpu.dma_semaphore, #tpu.memory_space<semaphore_mem>>) {add = true}
        %dma_wait3A_185 = arith.constant 0 : i32
        %dma_wait3A_186 = tpu.memref_slice %arg5[%run_scoped3A_131, %dma_wait3A_185] : memref<2x80xi32, #tpu.memory_space<vmem>> -> memref<1x80xi32, #tpu.memory_space<vmem>>
        %dma_wait3A_187 = tpu.memref_squeeze %dma_wait3A_186 : memref<1x80xi32, #tpu.memory_space<vmem>> -> memref<80xi32, #tpu.memory_space<vmem>>
        %dma_wait3A_188 = arith.constant 0 : i32
        %dma_wait3A_189 = arith.constant 0 : i32
        %dma_wait3A_190 = tpu.memref_slice %arg13[%dma_wait3A_188, %dma_wait3A_189] : memref<10240x128xf32, #tpu.memory_space<vmem_shared>> -> memref<10240x128xf32, #tpu.memory_space<vmem_shared>>
        tpu.wait_indirect_dma semaphore(%run_scoped3A_178 : memref<!tpu.dma_semaphore, #tpu.memory_space<semaphore_mem>>) src(%arg7 : memref<80x128xf32, #tpu.memory_space<vmem>>) dst(%dma_wait3A_190 : memref<10240x128xf32, #tpu.memory_space<vmem_shared>>)
        tpu.yield
      }) : () -> ()
      %add3A_132 = arith.constant 2 : i32
      %add3A_133 = arith.addi %mul3A_107, %add3A_132 : i32
      %dma_start3A_134 = arith.constant 0 : i32
      %dma_start3A_135 = arith.constant 0 : i32
      %dma_start3A_136 = tpu.memref_slice %arg3[%add3A, %add3A_133, %dma_start3A_134, %dma_start3A_135] : memref<32x125x2x80xi32, #tpu.memory_space<hbm>> -> memref<1x1x2x80xi32, #tpu.memory_space<hbm>>
      %dma_start3A_137 = tpu.memref_squeeze %dma_start3A_136 : memref<1x1x2x80xi32, #tpu.memory_space<hbm>> -> memref<2x80xi32, #tpu.memory_space<hbm>>
      %dma_start3A_138 = arith.constant 0 : i32
      %dma_start3A_139 = arith.constant 0 : i32
      %dma_start3A_140 = tpu.memref_slice %arg3[%add3A, %add3A_133, %dma_start3A_138, %dma_start3A_139] : memref<32x125x2x80xi32, #tpu.memory_space<hbm>> -> memref<1x1x2x80xi32, #tpu.memory_space<hbm>>
      %dma_start3A_141 = tpu.memref_squeeze %dma_start3A_140 : memref<1x1x2x80xi32, #tpu.memory_space<hbm>> -> memref<2x80xi32, #tpu.memory_space<hbm>>
      tpu.enqueue_dma source(%dma_start3A_141 : memref<2x80xi32, #tpu.memory_space<hbm>>) target(%arg5 : memref<2x80xi32, #tpu.memory_space<vmem>>) target_semaphore(%arg9 : memref<!tpu.dma_semaphore, #tpu.memory_space<semaphore_mem>>)
      %add3A_142 = arith.constant 1 : i32
      %add3A_143 = arith.addi %mul3A_107, %add3A_142 : i32
      %dma_wait3A_144 = arith.constant 0 : i32
      %dma_wait3A_145 = arith.constant 0 : i32
      %dma_wait3A_146 = arith.constant 0 : i32
      %dma_wait3A_147 = tpu.memref_slice %arg3[%add3A, %dma_wait3A_144, %dma_wait3A_145, %dma_wait3A_146] : memref<32x125x2x80xi32, #tpu.memory_space<hbm>> -> memref<1x1x2x80xi32, #tpu.memory_space<hbm>>
      %dma_wait3A_148 = tpu.memref_squeeze %dma_wait3A_147 : memref<1x1x2x80xi32, #tpu.memory_space<hbm>> -> memref<2x80xi32, #tpu.memory_space<hbm>>
      %dma_wait3A_149 = arith.constant 0 : i32
      %dma_wait3A_150 = arith.constant 0 : i32
      %dma_wait3A_151 = tpu.memref_slice %arg3[%add3A, %dma_wait3A_144, %dma_wait3A_149, %dma_wait3A_150] : memref<32x125x2x80xi32, #tpu.memory_space<hbm>> -> memref<1x1x2x80xi32, #tpu.memory_space<hbm>>
      %dma_wait3A_152 = tpu.memref_squeeze %dma_wait3A_151 : memref<1x1x2x80xi32, #tpu.memory_space<hbm>> -> memref<2x80xi32, #tpu.memory_space<hbm>>
      tpu.wait_dma2 semaphore(%arg9 : memref<!tpu.dma_semaphore, #tpu.memory_space<semaphore_mem>>) src(%dma_wait3A_152 : memref<2x80xi32, #tpu.memory_space<hbm>>) dst(%arg5 : memref<2x80xi32, #tpu.memory_space<vmem>>)
      %dma_start3A_153 = arith.constant 0 : i32
      %dma_start3A_154 = arith.constant 0 : i32
      %dma_start3A_155 = tpu.memref_slice %arg5[%dma_start3A_153, %dma_start3A_154] : memref<2x80xi32, #tpu.memory_space<vmem>> -> memref<1x80xi32, #tpu.memory_space<vmem>>
      %dma_start3A_156 = tpu.memref_squeeze %dma_start3A_155 : memref<1x80xi32, #tpu.memory_space<vmem>> -> memref<80xi32, #tpu.memory_space<vmem>>
      %dma_start3A_157 = arith.constant 0 : i32
      %dma_start3A_158 = arith.constant 0 : i32
      %dma_start3A_159 = tpu.memref_slice %arg2[%dma_start3A_157, %dma_start3A_158] : memref<10240x128xf32, #tpu.memory_space<hbm>> -> memref<10240x128xf32, #tpu.memory_space<hbm>>
      tpu.enqueue_indirect_dma source(%dma_start3A_159 : memref<10240x128xf32, #tpu.memory_space<hbm>>) target(%arg7 : memref<80x128xf32, #tpu.memory_space<vmem>>) offsets(%dma_start3A_156 : memref<80xi32, #tpu.memory_space<vmem>>) semaphore(%arg11 : memref<!tpu.dma_semaphore, #tpu.memory_space<semaphore_mem>>)
      %dma_wait3A_160 = arith.constant 0 : i32
      %dma_wait3A_161 = arith.constant 0 : i32
      %dma_wait3A_162 = tpu.memref_slice %arg6[%dma_wait3A_160, %dma_wait3A_161] : memref<2x80xi32, #tpu.memory_space<vmem>> -> memref<1x80xi32, #tpu.memory_space<vmem>>
      %dma_wait3A_163 = tpu.memref_squeeze %dma_wait3A_162 : memref<1x80xi32, #tpu.memory_space<vmem>> -> memref<80xi32, #tpu.memory_space<vmem>>
      %dma_wait3A_164 = arith.constant 0 : i32
      %dma_wait3A_165 = arith.constant 0 : i32
      %dma_wait3A_166 = tpu.memref_slice %arg2[%dma_wait3A_164, %dma_wait3A_165] : memref<10240x128xf32, #tpu.memory_space<hbm>> -> memref<10240x128xf32, #tpu.memory_space<hbm>>
      tpu.wait_indirect_dma semaphore(%arg12 : memref<!tpu.dma_semaphore, #tpu.memory_space<semaphore_mem>>) src(%dma_wait3A_166 : memref<10240x128xf32, #tpu.memory_space<hbm>>) dst(%arg8 : memref<80x128xf32, #tpu.memory_space<vmem>>)
      %run_scoped3A_167 = arith.constant 1 : i32
      "tpu.region"() ({
        %run_scoped3A_178 = tpu.sem_alloc : memref<!tpu.dma_semaphore, #tpu.memory_space<semaphore_mem>>
        %dma_start3A_179 = arith.constant 0 : i32
        %dma_start3A_180 = tpu.memref_slice %arg6[%run_scoped3A_167, %dma_start3A_179] : memref<2x80xi32, #tpu.memory_space<vmem>> -> memref<1x80xi32, #tpu.memory_space<vmem>>
        %dma_start3A_181 = tpu.memref_squeeze %dma_start3A_180 : memref<1x80xi32, #tpu.memory_space<vmem>> -> memref<80xi32, #tpu.memory_space<vmem>>
        %dma_start3A_182 = arith.constant 0 : i32
        %dma_start3A_183 = arith.constant 0 : i32
        %dma_start3A_184 = tpu.memref_slice %arg13[%dma_start3A_182, %dma_start3A_183] : memref<10240x128xf32, #tpu.memory_space<vmem_shared>> -> memref<10240x128xf32, #tpu.memory_space<vmem_shared>>
        tpu.enqueue_indirect_dma source(%arg8 : memref<80x128xf32, #tpu.memory_space<vmem>>) target(%dma_start3A_184 : memref<10240x128xf32, #tpu.memory_space<vmem_shared>>) offsets(%dma_start3A_181 : memref<80xi32, #tpu.memory_space<vmem>>) semaphore(%run_scoped3A_178 : memref<!tpu.dma_semaphore, #tpu.memory_space<semaphore_mem>>) {add = true}
        %dma_wait3A_185 = arith.constant 0 : i32
        %dma_wait3A_186 = tpu.memref_slice %arg6[%run_scoped3A_167, %dma_wait3A_185] : memref<2x80xi32, #tpu.memory_space<vmem>> -> memref<1x80xi32, #tpu.memory_space<vmem>>
        %dma_wait3A_187 = tpu.memref_squeeze %dma_wait3A_186 : memref<1x80xi32, #tpu.memory_space<vmem>> -> memref<80xi32, #tpu.memory_space<vmem>>
        %dma_wait3A_188 = arith.constant 0 : i32
        %dma_wait3A_189 = arith.constant 0 : i32
        %dma_wait3A_190 = tpu.memref_slice %arg13[%dma_wait3A_188, %dma_wait3A_189] : memref<10240x128xf32, #tpu.memory_space<vmem_shared>> -> memref<10240x128xf32, #tpu.memory_space<vmem_shared>>
        tpu.wait_indirect_dma semaphore(%run_scoped3A_178 : memref<!tpu.dma_semaphore, #tpu.memory_space<semaphore_mem>>) src(%arg8 : memref<80x128xf32, #tpu.memory_space<vmem>>) dst(%dma_wait3A_190 : memref<10240x128xf32, #tpu.memory_space<vmem_shared>>)
        tpu.yield
      }) : () -> ()
      %add3A_168 = arith.constant 2 : i32
      %add3A_169 = arith.addi %add3A_143, %add3A_168 : i32
      %dma_start3A_170 = arith.constant 0 : i32
      %dma_start3A_171 = arith.constant 0 : i32
      %dma_start3A_172 = tpu.memref_slice %arg3[%add3A, %add3A_169, %dma_start3A_170, %dma_start3A_171] : memref<32x125x2x80xi32, #tpu.memory_space<hbm>> -> memref<1x1x2x80xi32, #tpu.memory_space<hbm>>
      %dma_start3A_173 = tpu.memref_squeeze %dma_start3A_172 : memref<1x1x2x80xi32, #tpu.memory_space<hbm>> -> memref<2x80xi32, #tpu.memory_space<hbm>>
      %dma_start3A_174 = arith.constant 0 : i32
      %dma_start3A_175 = arith.constant 0 : i32
      %dma_start3A_176 = tpu.memref_slice %arg3[%add3A, %add3A_169, %dma_start3A_174, %dma_start3A_175] : memref<32x125x2x80xi32, #tpu.memory_space<hbm>> -> memref<1x1x2x80xi32, #tpu.memory_space<hbm>>
      %dma_start3A_177 = tpu.memref_squeeze %dma_start3A_176 : memref<1x1x2x80xi32, #tpu.memory_space<hbm>> -> memref<2x80xi32, #tpu.memory_space<hbm>>
      tpu.enqueue_dma source(%dma_start3A_177 : memref<2x80xi32, #tpu.memory_space<hbm>>) target(%arg6 : memref<2x80xi32, #tpu.memory_space<vmem>>) target_semaphore(%arg10 : memref<!tpu.dma_semaphore, #tpu.memory_space<semaphore_mem>>)
    }
    %scan3A_39 = arith.constant 61 : i32
    %dma_wait3A_40 = arith.constant 0 : i32
    %dma_wait3A_41 = arith.constant 0 : i32
    %dma_wait3A_42 = arith.constant 0 : i32
    %dma_wait3A_43 = tpu.memref_slice %arg3[%add3A, %dma_wait3A_40, %dma_wait3A_41, %dma_wait3A_42] : memref<32x125x2x80xi32, #tpu.memory_space<hbm>> -> memref<1x1x2x80xi32, #tpu.memory_space<hbm>>
    %dma_wait3A_44 = tpu.memref_squeeze %dma_wait3A_43 : memref<1x1x2x80xi32, #tpu.memory_space<hbm>> -> memref<2x80xi32, #tpu.memory_space<hbm>>
    %dma_wait3A_45 = arith.constant 0 : i32
    %dma_wait3A_46 = arith.constant 0 : i32
    %dma_wait3A_47 = tpu.memref_slice %arg3[%add3A, %dma_wait3A_40, %dma_wait3A_45, %dma_wait3A_46] : memref<32x125x2x80xi32, #tpu.memory_space<hbm>> -> memref<1x1x2x80xi32, #tpu.memory_space<hbm>>
    %dma_wait3A_48 = tpu.memref_squeeze %dma_wait3A_47 : memref<1x1x2x80xi32, #tpu.memory_space<hbm>> -> memref<2x80xi32, #tpu.memory_space<hbm>>
    tpu.wait_dma2 semaphore(%arg10 : memref<!tpu.dma_semaphore, #tpu.memory_space<semaphore_mem>>) src(%dma_wait3A_48 : memref<2x80xi32, #tpu.memory_space<hbm>>) dst(%arg6 : memref<2x80xi32, #tpu.memory_space<vmem>>)
    %dma_start3A_49 = arith.constant 0 : i32
    %dma_start3A_50 = arith.constant 0 : i32
    %dma_start3A_51 = tpu.memref_slice %arg6[%dma_start3A_49, %dma_start3A_50] : memref<2x80xi32, #tpu.memory_space<vmem>> -> memref<1x80xi32, #tpu.memory_space<vmem>>
    %dma_start3A_52 = tpu.memref_squeeze %dma_start3A_51 : memref<1x80xi32, #tpu.memory_space<vmem>> -> memref<80xi32, #tpu.memory_space<vmem>>
    %dma_start3A_53 = arith.constant 0 : i32
    %dma_start3A_54 = arith.constant 0 : i32
    %dma_start3A_55 = tpu.memref_slice %arg2[%dma_start3A_53, %dma_start3A_54] : memref<10240x128xf32, #tpu.memory_space<hbm>> -> memref<10240x128xf32, #tpu.memory_space<hbm>>
    tpu.enqueue_indirect_dma source(%dma_start3A_55 : memref<10240x128xf32, #tpu.memory_space<hbm>>) target(%arg8 : memref<80x128xf32, #tpu.memory_space<vmem>>) offsets(%dma_start3A_52 : memref<80xi32, #tpu.memory_space<vmem>>) semaphore(%arg12 : memref<!tpu.dma_semaphore, #tpu.memory_space<semaphore_mem>>)
    %dma_wait3A_56 = arith.constant 0 : i32
    %dma_wait3A_57 = arith.constant 0 : i32
    %dma_wait3A_58 = tpu.memref_slice %arg5[%dma_wait3A_56, %dma_wait3A_57] : memref<2x80xi32, #tpu.memory_space<vmem>> -> memref<1x80xi32, #tpu.memory_space<vmem>>
    %dma_wait3A_59 = tpu.memref_squeeze %dma_wait3A_58 : memref<1x80xi32, #tpu.memory_space<vmem>> -> memref<80xi32, #tpu.memory_space<vmem>>
    %dma_wait3A_60 = arith.constant 0 : i32
    %dma_wait3A_61 = arith.constant 0 : i32
    %dma_wait3A_62 = tpu.memref_slice %arg2[%dma_wait3A_60, %dma_wait3A_61] : memref<10240x128xf32, #tpu.memory_space<hbm>> -> memref<10240x128xf32, #tpu.memory_space<hbm>>
    tpu.wait_indirect_dma semaphore(%arg11 : memref<!tpu.dma_semaphore, #tpu.memory_space<semaphore_mem>>) src(%dma_wait3A_62 : memref<10240x128xf32, #tpu.memory_space<hbm>>) dst(%arg7 : memref<80x128xf32, #tpu.memory_space<vmem>>)
    %run_scoped3A = arith.constant 1 : i32
    "tpu.region"() ({
      %run_scoped3A_105 = tpu.sem_alloc : memref<!tpu.dma_semaphore, #tpu.memory_space<semaphore_mem>>
      %dma_start3A_106 = arith.constant 0 : i32
      %dma_start3A_107 = tpu.memref_slice %arg5[%run_scoped3A, %dma_start3A_106] : memref<2x80xi32, #tpu.memory_space<vmem>> -> memref<1x80xi32, #tpu.memory_space<vmem>>
      %dma_start3A_108 = tpu.memref_squeeze %dma_start3A_107 : memref<1x80xi32, #tpu.memory_space<vmem>> -> memref<80xi32, #tpu.memory_space<vmem>>
      %dma_start3A_109 = arith.constant 0 : i32
      %dma_start3A_110 = arith.constant 0 : i32
      %dma_start3A_111 = tpu.memref_slice %arg13[%dma_start3A_109, %dma_start3A_110] : memref<10240x128xf32, #tpu.memory_space<vmem_shared>> -> memref<10240x128xf32, #tpu.memory_space<vmem_shared>>
      tpu.enqueue_indirect_dma source(%arg7 : memref<80x128xf32, #tpu.memory_space<vmem>>) target(%dma_start3A_111 : memref<10240x128xf32, #tpu.memory_space<vmem_shared>>) offsets(%dma_start3A_108 : memref<80xi32, #tpu.memory_space<vmem>>) semaphore(%run_scoped3A_105 : memref<!tpu.dma_semaphore, #tpu.memory_space<semaphore_mem>>) {add = true}
      %dma_wait3A_112 = arith.constant 0 : i32
      %dma_wait3A_113 = tpu.memref_slice %arg5[%run_scoped3A, %dma_wait3A_112] : memref<2x80xi32, #tpu.memory_space<vmem>> -> memref<1x80xi32, #tpu.memory_space<vmem>>
      %dma_wait3A_114 = tpu.memref_squeeze %dma_wait3A_113 : memref<1x80xi32, #tpu.memory_space<vmem>> -> memref<80xi32, #tpu.memory_space<vmem>>
      %dma_wait3A_115 = arith.constant 0 : i32
      %dma_wait3A_116 = arith.constant 0 : i32
      %dma_wait3A_117 = tpu.memref_slice %arg13[%dma_wait3A_115, %dma_wait3A_116] : memref<10240x128xf32, #tpu.memory_space<vmem_shared>> -> memref<10240x128xf32, #tpu.memory_space<vmem_shared>>
      tpu.wait_indirect_dma semaphore(%run_scoped3A_105 : memref<!tpu.dma_semaphore, #tpu.memory_space<semaphore_mem>>) src(%arg7 : memref<80x128xf32, #tpu.memory_space<vmem>>) dst(%dma_wait3A_117 : memref<10240x128xf32, #tpu.memory_space<vmem_shared>>)
      tpu.yield
    }) : () -> ()
    %dma_start3A_63 = arith.constant 124 : i32
    %dma_start3A_64 = arith.constant 0 : i32
    %dma_start3A_65 = arith.constant 0 : i32
    %dma_start3A_66 = tpu.memref_slice %arg3[%add3A, %dma_start3A_63, %dma_start3A_64, %dma_start3A_65] : memref<32x125x2x80xi32, #tpu.memory_space<hbm>> -> memref<1x1x2x80xi32, #tpu.memory_space<hbm>>
    %dma_start3A_67 = tpu.memref_squeeze %dma_start3A_66 : memref<1x1x2x80xi32, #tpu.memory_space<hbm>> -> memref<2x80xi32, #tpu.memory_space<hbm>>
    %dma_start3A_68 = arith.constant 0 : i32
    %dma_start3A_69 = arith.constant 0 : i32
    %dma_start3A_70 = tpu.memref_slice %arg3[%add3A, %dma_start3A_63, %dma_start3A_68, %dma_start3A_69] : memref<32x125x2x80xi32, #tpu.memory_space<hbm>> -> memref<1x1x2x80xi32, #tpu.memory_space<hbm>>
    %dma_start3A_71 = tpu.memref_squeeze %dma_start3A_70 : memref<1x1x2x80xi32, #tpu.memory_space<hbm>> -> memref<2x80xi32, #tpu.memory_space<hbm>>
    tpu.enqueue_dma source(%dma_start3A_71 : memref<2x80xi32, #tpu.memory_space<hbm>>) target(%arg5 : memref<2x80xi32, #tpu.memory_space<vmem>>) target_semaphore(%arg9 : memref<!tpu.dma_semaphore, #tpu.memory_space<semaphore_mem>>)
    %dma_wait3A_72 = arith.constant 0 : i32
    %dma_wait3A_73 = arith.constant 0 : i32
    %dma_wait3A_74 = arith.constant 0 : i32
    %dma_wait3A_75 = tpu.memref_slice %arg3[%add3A, %dma_wait3A_72, %dma_wait3A_73, %dma_wait3A_74] : memref<32x125x2x80xi32, #tpu.memory_space<hbm>> -> memref<1x1x2x80xi32, #tpu.memory_space<hbm>>
    %dma_wait3A_76 = tpu.memref_squeeze %dma_wait3A_75 : memref<1x1x2x80xi32, #tpu.memory_space<hbm>> -> memref<2x80xi32, #tpu.memory_space<hbm>>
    %dma_wait3A_77 = arith.constant 0 : i32
    %dma_wait3A_78 = arith.constant 0 : i32
    %dma_wait3A_79 = tpu.memref_slice %arg3[%add3A, %dma_wait3A_72, %dma_wait3A_77, %dma_wait3A_78] : memref<32x125x2x80xi32, #tpu.memory_space<hbm>> -> memref<1x1x2x80xi32, #tpu.memory_space<hbm>>
    %dma_wait3A_80 = tpu.memref_squeeze %dma_wait3A_79 : memref<1x1x2x80xi32, #tpu.memory_space<hbm>> -> memref<2x80xi32, #tpu.memory_space<hbm>>
    tpu.wait_dma2 semaphore(%arg9 : memref<!tpu.dma_semaphore, #tpu.memory_space<semaphore_mem>>) src(%dma_wait3A_80 : memref<2x80xi32, #tpu.memory_space<hbm>>) dst(%arg5 : memref<2x80xi32, #tpu.memory_space<vmem>>)
    %dma_start3A_81 = arith.constant 0 : i32
    %dma_start3A_82 = arith.constant 0 : i32
    %dma_start3A_83 = tpu.memref_slice %arg5[%dma_start3A_81, %dma_start3A_82] : memref<2x80xi32, #tpu.memory_space<vmem>> -> memref<1x80xi32, #tpu.memory_space<vmem>>
    %dma_start3A_84 = tpu.memref_squeeze %dma_start3A_83 : memref<1x80xi32, #tpu.memory_space<vmem>> -> memref<80xi32, #tpu.memory_space<vmem>>
    %dma_start3A_85 = arith.constant 0 : i32
    %dma_start3A_86 = arith.constant 0 : i32
    %dma_start3A_87 = tpu.memref_slice %arg2[%dma_start3A_85, %dma_start3A_86] : memref<10240x128xf32, #tpu.memory_space<hbm>> -> memref<10240x128xf32, #tpu.memory_space<hbm>>
    tpu.enqueue_indirect_dma source(%dma_start3A_87 : memref<10240x128xf32, #tpu.memory_space<hbm>>) target(%arg7 : memref<80x128xf32, #tpu.memory_space<vmem>>) offsets(%dma_start3A_84 : memref<80xi32, #tpu.memory_space<vmem>>) semaphore(%arg11 : memref<!tpu.dma_semaphore, #tpu.memory_space<semaphore_mem>>)
    %dma_wait3A_88 = arith.constant 0 : i32
    %dma_wait3A_89 = arith.constant 0 : i32
    %dma_wait3A_90 = tpu.memref_slice %arg6[%dma_wait3A_88, %dma_wait3A_89] : memref<2x80xi32, #tpu.memory_space<vmem>> -> memref<1x80xi32, #tpu.memory_space<vmem>>
    %dma_wait3A_91 = tpu.memref_squeeze %dma_wait3A_90 : memref<1x80xi32, #tpu.memory_space<vmem>> -> memref<80xi32, #tpu.memory_space<vmem>>
    %dma_wait3A_92 = arith.constant 0 : i32
    %dma_wait3A_93 = arith.constant 0 : i32
    %dma_wait3A_94 = tpu.memref_slice %arg2[%dma_wait3A_92, %dma_wait3A_93] : memref<10240x128xf32, #tpu.memory_space<hbm>> -> memref<10240x128xf32, #tpu.memory_space<hbm>>
    tpu.wait_indirect_dma semaphore(%arg12 : memref<!tpu.dma_semaphore, #tpu.memory_space<semaphore_mem>>) src(%dma_wait3A_94 : memref<10240x128xf32, #tpu.memory_space<hbm>>) dst(%arg8 : memref<80x128xf32, #tpu.memory_space<vmem>>)
    %run_scoped3A_95 = arith.constant 1 : i32
    "tpu.region"() ({
      %run_scoped3A_105 = tpu.sem_alloc : memref<!tpu.dma_semaphore, #tpu.memory_space<semaphore_mem>>
      %dma_start3A_106 = arith.constant 0 : i32
      %dma_start3A_107 = tpu.memref_slice %arg6[%run_scoped3A_95, %dma_start3A_106] : memref<2x80xi32, #tpu.memory_space<vmem>> -> memref<1x80xi32, #tpu.memory_space<vmem>>
      %dma_start3A_108 = tpu.memref_squeeze %dma_start3A_107 : memref<1x80xi32, #tpu.memory_space<vmem>> -> memref<80xi32, #tpu.memory_space<vmem>>
      %dma_start3A_109 = arith.constant 0 : i32
      %dma_start3A_110 = arith.constant 0 : i32
      %dma_start3A_111 = tpu.memref_slice %arg13[%dma_start3A_109, %dma_start3A_110] : memref<10240x128xf32, #tpu.memory_space<vmem_shared>> -> memref<10240x128xf32, #tpu.memory_space<vmem_shared>>
      tpu.enqueue_indirect_dma source(%arg8 : memref<80x128xf32, #tpu.memory_space<vmem>>) target(%dma_start3A_111 : memref<10240x128xf32, #tpu.memory_space<vmem_shared>>) offsets(%dma_start3A_108 : memref<80xi32, #tpu.memory_space<vmem>>) semaphore(%run_scoped3A_105 : memref<!tpu.dma_semaphore, #tpu.memory_space<semaphore_mem>>) {add = true}
      %dma_wait3A_112 = arith.constant 0 : i32
      %dma_wait3A_113 = tpu.memref_slice %arg6[%run_scoped3A_95, %dma_wait3A_112] : memref<2x80xi32, #tpu.memory_space<vmem>> -> memref<1x80xi32, #tpu.memory_space<vmem>>
      %dma_wait3A_114 = tpu.memref_squeeze %dma_wait3A_113 : memref<1x80xi32, #tpu.memory_space<vmem>> -> memref<80xi32, #tpu.memory_space<vmem>>
      %dma_wait3A_115 = arith.constant 0 : i32
      %dma_wait3A_116 = arith.constant 0 : i32
      %dma_wait3A_117 = tpu.memref_slice %arg13[%dma_wait3A_115, %dma_wait3A_116] : memref<10240x128xf32, #tpu.memory_space<vmem_shared>> -> memref<10240x128xf32, #tpu.memory_space<vmem_shared>>
      tpu.wait_indirect_dma semaphore(%run_scoped3A_105 : memref<!tpu.dma_semaphore, #tpu.memory_space<semaphore_mem>>) src(%arg8 : memref<80x128xf32, #tpu.memory_space<vmem>>) dst(%dma_wait3A_117 : memref<10240x128xf32, #tpu.memory_space<vmem_shared>>)
      tpu.yield
    }) : () -> ()
    %dma_wait3A_96 = arith.constant 0 : i32
    %dma_wait3A_97 = arith.constant 0 : i32
    %dma_wait3A_98 = tpu.memref_slice %arg5[%dma_wait3A_96, %dma_wait3A_97] : memref<2x80xi32, #tpu.memory_space<vmem>> -> memref<1x80xi32, #tpu.memory_space<vmem>>
    %dma_wait3A_99 = tpu.memref_squeeze %dma_wait3A_98 : memref<1x80xi32, #tpu.memory_space<vmem>> -> memref<80xi32, #tpu.memory_space<vmem>>
    %dma_wait3A_100 = arith.constant 0 : i32
    %dma_wait3A_101 = arith.constant 0 : i32
    %dma_wait3A_102 = tpu.memref_slice %arg2[%dma_wait3A_100, %dma_wait3A_101] : memref<10240x128xf32, #tpu.memory_space<hbm>> -> memref<10240x128xf32, #tpu.memory_space<hbm>>
    tpu.wait_indirect_dma semaphore(%arg11 : memref<!tpu.dma_semaphore, #tpu.memory_space<semaphore_mem>>) src(%dma_wait3A_102 : memref<10240x128xf32, #tpu.memory_space<hbm>>) dst(%arg7 : memref<80x128xf32, #tpu.memory_space<vmem>>)
    %run_scoped3A_103 = arith.constant 1 : i32
    "tpu.region"() ({
      %run_scoped3A_105 = tpu.sem_alloc : memref<!tpu.dma_semaphore, #tpu.memory_space<semaphore_mem>>
      %dma_start3A_106 = arith.constant 0 : i32
      %dma_start3A_107 = tpu.memref_slice %arg5[%run_scoped3A_103, %dma_start3A_106] : memref<2x80xi32, #tpu.memory_space<vmem>> -> memref<1x80xi32, #tpu.memory_space<vmem>>
      %dma_start3A_108 = tpu.memref_squeeze %dma_start3A_107 : memref<1x80xi32, #tpu.memory_space<vmem>> -> memref<80xi32, #tpu.memory_space<vmem>>
      %dma_start3A_109 = arith.constant 0 : i32
      %dma_start3A_110 = arith.constant 0 : i32
      %dma_start3A_111 = tpu.memref_slice %arg13[%dma_start3A_109, %dma_start3A_110] : memref<10240x128xf32, #tpu.memory_space<vmem_shared>> -> memref<10240x128xf32, #tpu.memory_space<vmem_shared>>
      tpu.enqueue_indirect_dma source(%arg7 : memref<80x128xf32, #tpu.memory_space<vmem>>) target(%dma_start3A_111 : memref<10240x128xf32, #tpu.memory_space<vmem_shared>>) offsets(%dma_start3A_108 : memref<80xi32, #tpu.memory_space<vmem>>) semaphore(%run_scoped3A_105 : memref<!tpu.dma_semaphore, #tpu.memory_space<semaphore_mem>>) {add = true}
      %dma_wait3A_112 = arith.constant 0 : i32
      %dma_wait3A_113 = tpu.memref_slice %arg5[%run_scoped3A_103, %dma_wait3A_112] : memref<2x80xi32, #tpu.memory_space<vmem>> -> memref<1x80xi32, #tpu.memory_space<vmem>>
      %dma_wait3A_114 = tpu.memref_squeeze %dma_wait3A_113 : memref<1x80xi32, #tpu.memory_space<vmem>> -> memref<80xi32, #tpu.memory_space<vmem>>
      %dma_wait3A_115 = arith.constant 0 : i32
      %dma_wait3A_116 = arith.constant 0 : i32
      %dma_wait3A_117 = tpu.memref_slice %arg13[%dma_wait3A_115, %dma_wait3A_116] : memref<10240x128xf32, #tpu.memory_space<vmem_shared>> -> memref<10240x128xf32, #tpu.memory_space<vmem_shared>>
      tpu.wait_indirect_dma semaphore(%run_scoped3A_105 : memref<!tpu.dma_semaphore, #tpu.memory_space<semaphore_mem>>) src(%arg7 : memref<80x128xf32, #tpu.memory_space<vmem>>) dst(%dma_wait3A_117 : memref<10240x128xf32, #tpu.memory_space<vmem_shared>>)
      tpu.yield
    }) : () -> ()
    %barrier3A_104 = arith.constant 0 : index
    tpu.barrier barrier_id(%barrier3A_104)
    "tpu.region"() ({
      %run_scoped3A_105 = tpu.sem_alloc : memref<!tpu.dma_semaphore, #tpu.memory_space<semaphore_mem>>
      %dma_start3A_106 = arith.constant 0 : i32
      %dma_start3A_107 = tpu.memref_slice %arg4[%arg0, %mul3A_2, %dma_start3A_106] : memref<2x10240x128xf32, #tpu.memory_space<hbm>> -> memref<1x640x128xf32, #tpu.memory_space<hbm>>
      %dma_start3A_108 = tpu.memref_squeeze %dma_start3A_107 : memref<1x640x128xf32, #tpu.memory_space<hbm>> -> memref<640x128xf32, #tpu.memory_space<hbm>>
      %dma_start3A_109 = arith.constant 0 : i32
      %dma_start3A_110 = tpu.memref_slice %arg13[%mul3A_2, %dma_start3A_109] : memref<10240x128xf32, #tpu.memory_space<vmem_shared>> -> memref<640x128xf32, #tpu.memory_space<vmem_shared>>
      tpu.enqueue_dma source(%dma_start3A_110 : memref<640x128xf32, #tpu.memory_space<vmem_shared>>) target(%dma_start3A_108 : memref<640x128xf32, #tpu.memory_space<hbm>>) target_semaphore(%run_scoped3A_105 : memref<!tpu.dma_semaphore, #tpu.memory_space<semaphore_mem>>)
      %dma_wait3A_111 = arith.constant 0 : i32
      %dma_wait3A_112 = tpu.memref_slice %arg4[%arg0, %mul3A_2, %dma_wait3A_111] : memref<2x10240x128xf32, #tpu.memory_space<hbm>> -> memref<1x640x128xf32, #tpu.memory_space<hbm>>
      %dma_wait3A_113 = tpu.memref_squeeze %dma_wait3A_112 : memref<1x640x128xf32, #tpu.memory_space<hbm>> -> memref<640x128xf32, #tpu.memory_space<hbm>>
      %dma_wait3A_114 = arith.constant 0 : i32
      %dma_wait3A_115 = tpu.memref_slice %arg13[%mul3A_2, %dma_wait3A_114] : memref<10240x128xf32, #tpu.memory_space<vmem_shared>> -> memref<640x128xf32, #tpu.memory_space<vmem_shared>>
      tpu.wait_dma2 semaphore(%run_scoped3A_105 : memref<!tpu.dma_semaphore, #tpu.memory_space<semaphore_mem>>) src(%dma_wait3A_115 : memref<640x128xf32, #tpu.memory_space<vmem_shared>>) dst(%dma_wait3A_113 : memref<640x128xf32, #tpu.memory_space<hbm>>)
      tpu.yield
    }) : () -> ()
    return
  }
}

#map = affine_map<(d0, d1) -> (0, 0)>
#map1 = affine_map<(d0, d1) -> (0, 0, 0, 0)>
#map2 = affine_map<(d0, d1) -> (0, 0, 0)>
module attributes {stable_mosaic.version = 14 : i64} {
  func.func @agg_kernel(%arg0: i32, %arg1: i32, %arg2: memref<10240x128xf32, #tpu.memory_space<hbm>>, %arg3: memref<32x125x2x80xi32, #tpu.memory_space<hbm>>, %arg4: memref<2x10240x128xf32, #tpu.memory_space<hbm>>, %arg5: memref<2x80xi32, #tpu.memory_space<vmem>>, %arg6: memref<2x80xi32, #tpu.memory_space<vmem>>, %arg7: memref<80x128xf32, #tpu.memory_space<vmem>>, %arg8: memref<80x128xf32, #tpu.memory_space<vmem>>, %arg9: memref<!tpu.dma_semaphore, #tpu.memory_space<semaphore_mem>>, %arg10: memref<!tpu.dma_semaphore, #tpu.memory_space<semaphore_mem>>, %arg11: memref<!tpu.dma_semaphore, #tpu.memory_space<semaphore_mem>>, %arg12: memref<!tpu.dma_semaphore, #tpu.memory_space<semaphore_mem>>, %arg13: memref<10240x128xf32, #tpu.memory_space<vmem_shared>>) attributes {dimension_semantics = [#tpu.dimension_semantics<core_parallel>, #tpu.dimension_semantics<subcore_parallel>], iteration_bounds = array<i64: 2, 16>, scalar_prefetch = 0 : i64, scratch_operands = 9 : i64, tpu.core_type = #tpu.core_type<sc_vector_subcore>, window_params = [{transform_indices = #map}, {transform_indices = #map1}, {transform_indices = #map2}]} {
    %mul3A = arith.constant 16 : i32
    %mul3A_0 = arith.muli %arg0, %mul3A : i32
    %add3A = arith.addi %mul3A_0, %arg1 : i32
    %mul3A_1 = arith.constant 640 : i32
    %mul3A_2 = arith.muli %arg1, %mul3A_1 : i32
    "tpu.region"() ({
      %run_scoped3A_105 = tpu.sem_alloc : memref<!tpu.dma_semaphore, #tpu.memory_space<semaphore_mem>>
      %dma_start3A_106 = arith.constant 0 : i32
      %dma_start3A_107 = tpu.memref_slice %arg13[%mul3A_2, %dma_start3A_106] : memref<10240x128xf32, #tpu.memory_space<vmem_shared>> -> memref<640x128xf32, #tpu.memory_space<vmem_shared>>
      %dma_start3A_108 = arith.constant 0 : i32
      %dma_start3A_109 = tpu.memref_slice %arg2[%mul3A_2, %dma_start3A_108] : memref<10240x128xf32, #tpu.memory_space<hbm>> -> memref<640x128xf32, #tpu.memory_space<hbm>>
      tpu.enqueue_dma source(%dma_start3A_109 : memref<640x128xf32, #tpu.memory_space<hbm>>) target(%dma_start3A_107 : memref<640x128xf32, #tpu.memory_space<vmem_shared>>) target_semaphore(%run_scoped3A_105 : memref<!tpu.dma_semaphore, #tpu.memory_space<semaphore_mem>>)
      %dma_wait3A_110 = arith.constant 0 : i32
      %dma_wait3A_111 = tpu.memref_slice %arg13[%mul3A_2, %dma_wait3A_110] : memref<10240x128xf32, #tpu.memory_space<vmem_shared>> -> memref<640x128xf32, #tpu.memory_space<vmem_shared>>
      %dma_wait3A_112 = arith.constant 0 : i32
      %dma_wait3A_113 = tpu.memref_slice %arg2[%mul3A_2, %dma_wait3A_112] : memref<10240x128xf32, #tpu.memory_space<hbm>> -> memref<640x128xf32, #tpu.memory_space<hbm>>
      tpu.wait_dma2 semaphore(%run_scoped3A_105 : memref<!tpu.dma_semaphore, #tpu.memory_space<semaphore_mem>>) src(%dma_wait3A_113 : memref<640x128xf32, #tpu.memory_space<hbm>>) dst(%dma_wait3A_111 : memref<640x128xf32, #tpu.memory_space<vmem_shared>>)
      tpu.yield
    }) : () -> ()
    %barrier3A = arith.constant 0 : index
    tpu.barrier barrier_id(%barrier3A)
    %dma_start3A = arith.constant 0 : i32
    %dma_start3A_3 = arith.constant 0 : i32
    %dma_start3A_4 = arith.constant 0 : i32
    %dma_start3A_5 = tpu.memref_slice %arg3[%add3A, %dma_start3A, %dma_start3A_3, %dma_start3A_4] : memref<32x125x2x80xi32, #tpu.memory_space<hbm>> -> memref<1x1x2x80xi32, #tpu.memory_space<hbm>>
    %dma_start3A_6 = tpu.memref_squeeze %dma_start3A_5 : memref<1x1x2x80xi32, #tpu.memory_space<hbm>> -> memref<2x80xi32, #tpu.memory_space<hbm>>
    %dma_start3A_7 = arith.constant 0 : i32
    %dma_start3A_8 = arith.constant 0 : i32
    %dma_start3A_9 = tpu.memref_slice %arg3[%add3A, %dma_start3A, %dma_start3A_7, %dma_start3A_8] : memref<32x125x2x80xi32, #tpu.memory_space<hbm>> -> memref<1x1x2x80xi32, #tpu.memory_space<hbm>>
    %dma_start3A_10 = tpu.memref_squeeze %dma_start3A_9 : memref<1x1x2x80xi32, #tpu.memory_space<hbm>> -> memref<2x80xi32, #tpu.memory_space<hbm>>
    tpu.enqueue_dma source(%dma_start3A_10 : memref<2x80xi32, #tpu.memory_space<hbm>>) target(%arg5 : memref<2x80xi32, #tpu.memory_space<vmem>>) target_semaphore(%arg9 : memref<!tpu.dma_semaphore, #tpu.memory_space<semaphore_mem>>)
    %dma_start3A_11 = arith.constant 1 : i32
    %dma_start3A_12 = arith.constant 0 : i32
    %dma_start3A_13 = arith.constant 0 : i32
    %dma_start3A_14 = tpu.memref_slice %arg3[%add3A, %dma_start3A_11, %dma_start3A_12, %dma_start3A_13] : memref<32x125x2x80xi32, #tpu.memory_space<hbm>> -> memref<1x1x2x80xi32, #tpu.memory_space<hbm>>
    %dma_start3A_15 = tpu.memref_squeeze %dma_start3A_14 : memref<1x1x2x80xi32, #tpu.memory_space<hbm>> -> memref<2x80xi32, #tpu.memory_space<hbm>>
    %dma_start3A_16 = arith.constant 0 : i32
    %dma_start3A_17 = arith.constant 0 : i32
    %dma_start3A_18 = tpu.memref_slice %arg3[%add3A, %dma_start3A_11, %dma_start3A_16, %dma_start3A_17] : memref<32x125x2x80xi32, #tpu.memory_space<hbm>> -> memref<1x1x2x80xi32, #tpu.memory_space<hbm>>
    %dma_start3A_19 = tpu.memref_squeeze %dma_start3A_18 : memref<1x1x2x80xi32, #tpu.memory_space<hbm>> -> memref<2x80xi32, #tpu.memory_space<hbm>>
    tpu.enqueue_dma source(%dma_start3A_19 : memref<2x80xi32, #tpu.memory_space<hbm>>) target(%arg6 : memref<2x80xi32, #tpu.memory_space<vmem>>) target_semaphore(%arg10 : memref<!tpu.dma_semaphore, #tpu.memory_space<semaphore_mem>>)
    %dma_wait3A = arith.constant 0 : i32
    %dma_wait3A_20 = arith.constant 0 : i32
    %dma_wait3A_21 = arith.constant 0 : i32
    %dma_wait3A_22 = tpu.memref_slice %arg3[%add3A, %dma_wait3A, %dma_wait3A_20, %dma_wait3A_21] : memref<32x125x2x80xi32, #tpu.memory_space<hbm>> -> memref<1x1x2x80xi32, #tpu.memory_space<hbm>>
    %dma_wait3A_23 = tpu.memref_squeeze %dma_wait3A_22 : memref<1x1x2x80xi32, #tpu.memory_space<hbm>> -> memref<2x80xi32, #tpu.memory_space<hbm>>
    %dma_wait3A_24 = arith.constant 0 : i32
    %dma_wait3A_25 = arith.constant 0 : i32
    %dma_wait3A_26 = tpu.memref_slice %arg3[%add3A, %dma_wait3A, %dma_wait3A_24, %dma_wait3A_25] : memref<32x125x2x80xi32, #tpu.memory_space<hbm>> -> memref<1x1x2x80xi32, #tpu.memory_space<hbm>>
    %dma_wait3A_27 = tpu.memref_squeeze %dma_wait3A_26 : memref<1x1x2x80xi32, #tpu.memory_space<hbm>> -> memref<2x80xi32, #tpu.memory_space<hbm>>
    tpu.wait_dma2 semaphore(%arg9 : memref<!tpu.dma_semaphore, #tpu.memory_space<semaphore_mem>>) src(%dma_wait3A_27 : memref<2x80xi32, #tpu.memory_space<hbm>>) dst(%arg5 : memref<2x80xi32, #tpu.memory_space<vmem>>)
    %dma_start3A_28 = arith.constant 0 : i32
    %dma_start3A_29 = arith.constant 0 : i32
    %dma_start3A_30 = tpu.memref_slice %arg5[%dma_start3A_28, %dma_start3A_29] : memref<2x80xi32, #tpu.memory_space<vmem>> -> memref<1x80xi32, #tpu.memory_space<vmem>>
    %dma_start3A_31 = tpu.memref_squeeze %dma_start3A_30 : memref<1x80xi32, #tpu.memory_space<vmem>> -> memref<80xi32, #tpu.memory_space<vmem>>
    %dma_start3A_32 = arith.constant 0 : i32
    %dma_start3A_33 = arith.constant 0 : i32
    %dma_start3A_34 = tpu.memref_slice %arg2[%dma_start3A_32, %dma_start3A_33] : memref<10240x128xf32, #tpu.memory_space<hbm>> -> memref<10240x128xf32, #tpu.memory_space<hbm>>
    tpu.enqueue_indirect_dma source(%dma_start3A_34 : memref<10240x128xf32, #tpu.memory_space<hbm>>) target(%arg7 : memref<80x128xf32, #tpu.memory_space<vmem>>) offsets(%dma_start3A_31 : memref<80xi32, #tpu.memory_space<vmem>>) semaphore(%arg11 : memref<!tpu.dma_semaphore, #tpu.memory_space<semaphore_mem>>)
    %scan3A = arith.constant 0 : i32
    %scan3A_35 = arith.constant 0 : i32
    %scan3A_36 = arith.constant 61 : i32
    %scan3A_37 = arith.addi %scan3A_35, %scan3A_36 : i32
    %scan3A_38 = arith.constant 1 : i32
    scf.for %scan3A_105 = %scan3A_35 to %scan3A_37 step %scan3A_38  : i32 {
      %mul3A_106 = arith.constant 2 : i32
      %mul3A_107 = arith.muli %mul3A_106, %scan3A_105 : i32
      %dma_wait3A_108 = arith.constant 0 : i32
      %dma_wait3A_109 = arith.constant 0 : i32
      %dma_wait3A_110 = arith.constant 0 : i32
      %dma_wait3A_111 = tpu.memref_slice %arg3[%add3A, %dma_wait3A_108, %dma_wait3A_109, %dma_wait3A_110] : memref<32x125x2x80xi32, #tpu.memory_space<hbm>> -> memref<1x1x2x80xi32, #tpu.memory_space<hbm>>
      %dma_wait3A_112 = tpu.memref_squeeze %dma_wait3A_111 : memref<1x1x2x80xi32, #tpu.memory_space<hbm>> -> memref<2x80xi32, #tpu.memory_space<hbm>>
      %dma_wait3A_113 = arith.constant 0 : i32
      %dma_wait3A_114 = arith.constant 0 : i32
      %dma_wait3A_115 = tpu.memref_slice %arg3[%add3A, %dma_wait3A_108, %dma_wait3A_113, %dma_wait3A_114] : memref<32x125x2x80xi32, #tpu.memory_space<hbm>> -> memref<1x1x2x80xi32, #tpu.memory_space<hbm>>
      %dma_wait3A_116 = tpu.memref_squeeze %dma_wait3A_115 : memref<1x1x2x80xi32, #tpu.memory_space<hbm>> -> memref<2x80xi32, #tpu.memory_space<hbm>>
      tpu.wait_dma2 semaphore(%arg10 : memref<!tpu.dma_semaphore, #tpu.memory_space<semaphore_mem>>) src(%dma_wait3A_116 : memref<2x80xi32, #tpu.memory_space<hbm>>) dst(%arg6 : memref<2x80xi32, #tpu.memory_space<vmem>>)
      %dma_start3A_117 = arith.constant 0 : i32
      %dma_start3A_118 = arith.constant 0 : i32
      %dma_start3A_119 = tpu.memref_slice %arg6[%dma_start3A_117, %dma_start3A_118] : memref<2x80xi32, #tpu.memory_space<vmem>> -> memref<1x80xi32, #tpu.memory_space<vmem>>
      %dma_start3A_120 = tpu.memref_squeeze %dma_start3A_119 : memref<1x80xi32, #tpu.memory_space<vmem>> -> memref<80xi32, #tpu.memory_space<vmem>>
      %dma_start3A_121 = arith.constant 0 : i32
      %dma_start3A_122 = arith.constant 0 : i32
      %dma_start3A_123 = tpu.memref_slice %arg2[%dma_start3A_121, %dma_start3A_122] : memref<10240x128xf32, #tpu.memory_space<hbm>> -> memref<10240x128xf32, #tpu.memory_space<hbm>>
      tpu.enqueue_indirect_dma source(%dma_start3A_123 : memref<10240x128xf32, #tpu.memory_space<hbm>>) target(%arg8 : memref<80x128xf32, #tpu.memory_space<vmem>>) offsets(%dma_start3A_120 : memref<80xi32, #tpu.memory_space<vmem>>) semaphore(%arg12 : memref<!tpu.dma_semaphore, #tpu.memory_space<semaphore_mem>>)
      %dma_wait3A_124 = arith.constant 0 : i32
      %dma_wait3A_125 = arith.constant 0 : i32
      %dma_wait3A_126 = tpu.memref_slice %arg5[%dma_wait3A_124, %dma_wait3A_125] : memref<2x80xi32, #tpu.memory_space<vmem>> -> memref<1x80xi32, #tpu.memory_space<vmem>>
      %dma_wait3A_127 = tpu.memref_squeeze %dma_wait3A_126 : memref<1x80xi32, #tpu.memory_space<vmem>> -> memref<80xi32, #tpu.memory_space<vmem>>
      %dma_wait3A_128 = arith.constant 0 : i32
      %dma_wait3A_129 = arith.constant 0 : i32
      %dma_wait3A_130 = tpu.memref_slice %arg2[%dma_wait3A_128, %dma_wait3A_129] : memref<10240x128xf32, #tpu.memory_space<hbm>> -> memref<10240x128xf32, #tpu.memory_space<hbm>>
      tpu.wait_indirect_dma semaphore(%arg11 : memref<!tpu.dma_semaphore, #tpu.memory_space<semaphore_mem>>) src(%dma_wait3A_130 : memref<10240x128xf32, #tpu.memory_space<hbm>>) dst(%arg7 : memref<80x128xf32, #tpu.memory_space<vmem>>)
      %run_scoped3A_131 = arith.constant 1 : i32
      "tpu.region"() ({
        %run_scoped3A_178 = tpu.sem_alloc : memref<!tpu.dma_semaphore, #tpu.memory_space<semaphore_mem>>
        %dma_start3A_179 = arith.constant 0 : i32
        %dma_start3A_180 = tpu.memref_slice %arg5[%run_scoped3A_131, %dma_start3A_179] : memref<2x80xi32, #tpu.memory_space<vmem>> -> memref<1x80xi32, #tpu.memory_space<vmem>>
        %dma_start3A_181 = tpu.memref_squeeze %dma_start3A_180 : memref<1x80xi32, #tpu.memory_space<vmem>> -> memref<80xi32, #tpu.memory_space<vmem>>
        %dma_start3A_182 = arith.constant 0 : i32
        %dma_start3A_183 = arith.constant 0 : i32
        %dma_start3A_184 = tpu.memref_slice %arg13[%dma_start3A_182, %dma_start3A_183] : memref<10240x128xf32, #tpu.memory_space<vmem_shared>> -> memref<10240x128xf32, #tpu.memory_space<vmem_shared>>
        tpu.enqueue_indirect_dma source(%arg7 : memref<80x128xf32, #tpu.memory_space<vmem>>) target(%dma_start3A_184 : memref<10240x128xf32, #tpu.memory_space<vmem_shared>>) offsets(%dma_start3A_181 : memref<80xi32, #tpu.memory_space<vmem>>) semaphore(%run_scoped3A_178 : memref<!tpu.dma_semaphore, #tpu.memory_space<semaphore_mem>>) {add = true}
        %dma_wait3A_185 = arith.constant 0 : i32
        %dma_wait3A_186 = tpu.memref_slice %arg5[%run_scoped3A_131, %dma_wait3A_185] : memref<2x80xi32, #tpu.memory_space<vmem>> -> memref<1x80xi32, #tpu.memory_space<vmem>>
        %dma_wait3A_187 = tpu.memref_squeeze %dma_wait3A_186 : memref<1x80xi32, #tpu.memory_space<vmem>> -> memref<80xi32, #tpu.memory_space<vmem>>
        %dma_wait3A_188 = arith.constant 0 : i32
        %dma_wait3A_189 = arith.constant 0 : i32
        %dma_wait3A_190 = tpu.memref_slice %arg13[%dma_wait3A_188, %dma_wait3A_189] : memref<10240x128xf32, #tpu.memory_space<vmem_shared>> -> memref<10240x128xf32, #tpu.memory_space<vmem_shared>>
        tpu.wait_indirect_dma semaphore(%run_scoped3A_178 : memref<!tpu.dma_semaphore, #tpu.memory_space<semaphore_mem>>) src(%arg7 : memref<80x128xf32, #tpu.memory_space<vmem>>) dst(%dma_wait3A_190 : memref<10240x128xf32, #tpu.memory_space<vmem_shared>>)
        tpu.yield
      }) : () -> ()
      %add3A_132 = arith.constant 2 : i32
      %add3A_133 = arith.addi %mul3A_107, %add3A_132 : i32
      %dma_start3A_134 = arith.constant 0 : i32
      %dma_start3A_135 = arith.constant 0 : i32
      %dma_start3A_136 = tpu.memref_slice %arg3[%add3A, %add3A_133, %dma_start3A_134, %dma_start3A_135] : memref<32x125x2x80xi32, #tpu.memory_space<hbm>> -> memref<1x1x2x80xi32, #tpu.memory_space<hbm>>
      %dma_start3A_137 = tpu.memref_squeeze %dma_start3A_136 : memref<1x1x2x80xi32, #tpu.memory_space<hbm>> -> memref<2x80xi32, #tpu.memory_space<hbm>>
      %dma_start3A_138 = arith.constant 0 : i32
      %dma_start3A_139 = arith.constant 0 : i32
      %dma_start3A_140 = tpu.memref_slice %arg3[%add3A, %add3A_133, %dma_start3A_138, %dma_start3A_139] : memref<32x125x2x80xi32, #tpu.memory_space<hbm>> -> memref<1x1x2x80xi32, #tpu.memory_space<hbm>>
      %dma_start3A_141 = tpu.memref_squeeze %dma_start3A_140 : memref<1x1x2x80xi32, #tpu.memory_space<hbm>> -> memref<2x80xi32, #tpu.memory_space<hbm>>
      tpu.enqueue_dma source(%dma_start3A_141 : memref<2x80xi32, #tpu.memory_space<hbm>>) target(%arg5 : memref<2x80xi32, #tpu.memory_space<vmem>>) target_semaphore(%arg9 : memref<!tpu.dma_semaphore, #tpu.memory_space<semaphore_mem>>)
      %add3A_142 = arith.constant 1 : i32
      %add3A_143 = arith.addi %mul3A_107, %add3A_142 : i32
      %dma_wait3A_144 = arith.constant 0 : i32
      %dma_wait3A_145 = arith.constant 0 : i32
      %dma_wait3A_146 = arith.constant 0 : i32
      %dma_wait3A_147 = tpu.memref_slice %arg3[%add3A, %dma_wait3A_144, %dma_wait3A_145, %dma_wait3A_146] : memref<32x125x2x80xi32, #tpu.memory_space<hbm>> -> memref<1x1x2x80xi32, #tpu.memory_space<hbm>>
      %dma_wait3A_148 = tpu.memref_squeeze %dma_wait3A_147 : memref<1x1x2x80xi32, #tpu.memory_space<hbm>> -> memref<2x80xi32, #tpu.memory_space<hbm>>
      %dma_wait3A_149 = arith.constant 0 : i32
      %dma_wait3A_150 = arith.constant 0 : i32
      %dma_wait3A_151 = tpu.memref_slice %arg3[%add3A, %dma_wait3A_144, %dma_wait3A_149, %dma_wait3A_150] : memref<32x125x2x80xi32, #tpu.memory_space<hbm>> -> memref<1x1x2x80xi32, #tpu.memory_space<hbm>>
      %dma_wait3A_152 = tpu.memref_squeeze %dma_wait3A_151 : memref<1x1x2x80xi32, #tpu.memory_space<hbm>> -> memref<2x80xi32, #tpu.memory_space<hbm>>
      tpu.wait_dma2 semaphore(%arg9 : memref<!tpu.dma_semaphore, #tpu.memory_space<semaphore_mem>>) src(%dma_wait3A_152 : memref<2x80xi32, #tpu.memory_space<hbm>>) dst(%arg5 : memref<2x80xi32, #tpu.memory_space<vmem>>)
      %dma_start3A_153 = arith.constant 0 : i32
      %dma_start3A_154 = arith.constant 0 : i32
      %dma_start3A_155 = tpu.memref_slice %arg5[%dma_start3A_153, %dma_start3A_154] : memref<2x80xi32, #tpu.memory_space<vmem>> -> memref<1x80xi32, #tpu.memory_space<vmem>>
      %dma_start3A_156 = tpu.memref_squeeze %dma_start3A_155 : memref<1x80xi32, #tpu.memory_space<vmem>> -> memref<80xi32, #tpu.memory_space<vmem>>
      %dma_start3A_157 = arith.constant 0 : i32
      %dma_start3A_158 = arith.constant 0 : i32
      %dma_start3A_159 = tpu.memref_slice %arg2[%dma_start3A_157, %dma_start3A_158] : memref<10240x128xf32, #tpu.memory_space<hbm>> -> memref<10240x128xf32, #tpu.memory_space<hbm>>
      tpu.enqueue_indirect_dma source(%dma_start3A_159 : memref<10240x128xf32, #tpu.memory_space<hbm>>) target(%arg7 : memref<80x128xf32, #tpu.memory_space<vmem>>) offsets(%dma_start3A_156 : memref<80xi32, #tpu.memory_space<vmem>>) semaphore(%arg11 : memref<!tpu.dma_semaphore, #tpu.memory_space<semaphore_mem>>)
      %dma_wait3A_160 = arith.constant 0 : i32
      %dma_wait3A_161 = arith.constant 0 : i32
      %dma_wait3A_162 = tpu.memref_slice %arg6[%dma_wait3A_160, %dma_wait3A_161] : memref<2x80xi32, #tpu.memory_space<vmem>> -> memref<1x80xi32, #tpu.memory_space<vmem>>
      %dma_wait3A_163 = tpu.memref_squeeze %dma_wait3A_162 : memref<1x80xi32, #tpu.memory_space<vmem>> -> memref<80xi32, #tpu.memory_space<vmem>>
      %dma_wait3A_164 = arith.constant 0 : i32
      %dma_wait3A_165 = arith.constant 0 : i32
      %dma_wait3A_166 = tpu.memref_slice %arg2[%dma_wait3A_164, %dma_wait3A_165] : memref<10240x128xf32, #tpu.memory_space<hbm>> -> memref<10240x128xf32, #tpu.memory_space<hbm>>
      tpu.wait_indirect_dma semaphore(%arg12 : memref<!tpu.dma_semaphore, #tpu.memory_space<semaphore_mem>>) src(%dma_wait3A_166 : memref<10240x128xf32, #tpu.memory_space<hbm>>) dst(%arg8 : memref<80x128xf32, #tpu.memory_space<vmem>>)
      %run_scoped3A_167 = arith.constant 1 : i32
      "tpu.region"() ({
        %run_scoped3A_178 = tpu.sem_alloc : memref<!tpu.dma_semaphore, #tpu.memory_space<semaphore_mem>>
        %dma_start3A_179 = arith.constant 0 : i32
        %dma_start3A_180 = tpu.memref_slice %arg6[%run_scoped3A_167, %dma_start3A_179] : memref<2x80xi32, #tpu.memory_space<vmem>> -> memref<1x80xi32, #tpu.memory_space<vmem>>
        %dma_start3A_181 = tpu.memref_squeeze %dma_start3A_180 : memref<1x80xi32, #tpu.memory_space<vmem>> -> memref<80xi32, #tpu.memory_space<vmem>>
        %dma_start3A_182 = arith.constant 0 : i32
        %dma_start3A_183 = arith.constant 0 : i32
        %dma_start3A_184 = tpu.memref_slice %arg13[%dma_start3A_182, %dma_start3A_183] : memref<10240x128xf32, #tpu.memory_space<vmem_shared>> -> memref<10240x128xf32, #tpu.memory_space<vmem_shared>>
        tpu.enqueue_indirect_dma source(%arg8 : memref<80x128xf32, #tpu.memory_space<vmem>>) target(%dma_start3A_184 : memref<10240x128xf32, #tpu.memory_space<vmem_shared>>) offsets(%dma_start3A_181 : memref<80xi32, #tpu.memory_space<vmem>>) semaphore(%run_scoped3A_178 : memref<!tpu.dma_semaphore, #tpu.memory_space<semaphore_mem>>) {add = true}
        %dma_wait3A_185 = arith.constant 0 : i32
        %dma_wait3A_186 = tpu.memref_slice %arg6[%run_scoped3A_167, %dma_wait3A_185] : memref<2x80xi32, #tpu.memory_space<vmem>> -> memref<1x80xi32, #tpu.memory_space<vmem>>
        %dma_wait3A_187 = tpu.memref_squeeze %dma_wait3A_186 : memref<1x80xi32, #tpu.memory_space<vmem>> -> memref<80xi32, #tpu.memory_space<vmem>>
        %dma_wait3A_188 = arith.constant 0 : i32
        %dma_wait3A_189 = arith.constant 0 : i32
        %dma_wait3A_190 = tpu.memref_slice %arg13[%dma_wait3A_188, %dma_wait3A_189] : memref<10240x128xf32, #tpu.memory_space<vmem_shared>> -> memref<10240x128xf32, #tpu.memory_space<vmem_shared>>
        tpu.wait_indirect_dma semaphore(%run_scoped3A_178 : memref<!tpu.dma_semaphore, #tpu.memory_space<semaphore_mem>>) src(%arg8 : memref<80x128xf32, #tpu.memory_space<vmem>>) dst(%dma_wait3A_190 : memref<10240x128xf32, #tpu.memory_space<vmem_shared>>)
        tpu.yield
      }) : () -> ()
      %add3A_168 = arith.constant 2 : i32
      %add3A_169 = arith.addi %add3A_143, %add3A_168 : i32
      %dma_start3A_170 = arith.constant 0 : i32
      %dma_start3A_171 = arith.constant 0 : i32
      %dma_start3A_172 = tpu.memref_slice %arg3[%add3A, %add3A_169, %dma_start3A_170, %dma_start3A_171] : memref<32x125x2x80xi32, #tpu.memory_space<hbm>> -> memref<1x1x2x80xi32, #tpu.memory_space<hbm>>
      %dma_start3A_173 = tpu.memref_squeeze %dma_start3A_172 : memref<1x1x2x80xi32, #tpu.memory_space<hbm>> -> memref<2x80xi32, #tpu.memory_space<hbm>>
      %dma_start3A_174 = arith.constant 0 : i32
      %dma_start3A_175 = arith.constant 0 : i32
      %dma_start3A_176 = tpu.memref_slice %arg3[%add3A, %add3A_169, %dma_start3A_174, %dma_start3A_175] : memref<32x125x2x80xi32, #tpu.memory_space<hbm>> -> memref<1x1x2x80xi32, #tpu.memory_space<hbm>>
      %dma_start3A_177 = tpu.memref_squeeze %dma_start3A_176 : memref<1x1x2x80xi32, #tpu.memory_space<hbm>> -> memref<2x80xi32, #tpu.memory_space<hbm>>
      tpu.enqueue_dma source(%dma_start3A_177 : memref<2x80xi32, #tpu.memory_space<hbm>>) target(%arg6 : memref<2x80xi32, #tpu.memory_space<vmem>>) target_semaphore(%arg10 : memref<!tpu.dma_semaphore, #tpu.memory_space<semaphore_mem>>)
    }
    %scan3A_39 = arith.constant 61 : i32
    %dma_wait3A_40 = arith.constant 0 : i32
    %dma_wait3A_41 = arith.constant 0 : i32
    %dma_wait3A_42 = arith.constant 0 : i32
    %dma_wait3A_43 = tpu.memref_slice %arg3[%add3A, %dma_wait3A_40, %dma_wait3A_41, %dma_wait3A_42] : memref<32x125x2x80xi32, #tpu.memory_space<hbm>> -> memref<1x1x2x80xi32, #tpu.memory_space<hbm>>
    %dma_wait3A_44 = tpu.memref_squeeze %dma_wait3A_43 : memref<1x1x2x80xi32, #tpu.memory_space<hbm>> -> memref<2x80xi32, #tpu.memory_space<hbm>>
    %dma_wait3A_45 = arith.constant 0 : i32
    %dma_wait3A_46 = arith.constant 0 : i32
    %dma_wait3A_47 = tpu.memref_slice %arg3[%add3A, %dma_wait3A_40, %dma_wait3A_45, %dma_wait3A_46] : memref<32x125x2x80xi32, #tpu.memory_space<hbm>> -> memref<1x1x2x80xi32, #tpu.memory_space<hbm>>
    %dma_wait3A_48 = tpu.memref_squeeze %dma_wait3A_47 : memref<1x1x2x80xi32, #tpu.memory_space<hbm>> -> memref<2x80xi32, #tpu.memory_space<hbm>>
    tpu.wait_dma2 semaphore(%arg10 : memref<!tpu.dma_semaphore, #tpu.memory_space<semaphore_mem>>) src(%dma_wait3A_48 : memref<2x80xi32, #tpu.memory_space<hbm>>) dst(%arg6 : memref<2x80xi32, #tpu.memory_space<vmem>>)
    %dma_start3A_49 = arith.constant 0 : i32
    %dma_start3A_50 = arith.constant 0 : i32
    %dma_start3A_51 = tpu.memref_slice %arg6[%dma_start3A_49, %dma_start3A_50] : memref<2x80xi32, #tpu.memory_space<vmem>> -> memref<1x80xi32, #tpu.memory_space<vmem>>
    %dma_start3A_52 = tpu.memref_squeeze %dma_start3A_51 : memref<1x80xi32, #tpu.memory_space<vmem>> -> memref<80xi32, #tpu.memory_space<vmem>>
    %dma_start3A_53 = arith.constant 0 : i32
    %dma_start3A_54 = arith.constant 0 : i32
    %dma_start3A_55 = tpu.memref_slice %arg2[%dma_start3A_53, %dma_start3A_54] : memref<10240x128xf32, #tpu.memory_space<hbm>> -> memref<10240x128xf32, #tpu.memory_space<hbm>>
    tpu.enqueue_indirect_dma source(%dma_start3A_55 : memref<10240x128xf32, #tpu.memory_space<hbm>>) target(%arg8 : memref<80x128xf32, #tpu.memory_space<vmem>>) offsets(%dma_start3A_52 : memref<80xi32, #tpu.memory_space<vmem>>) semaphore(%arg12 : memref<!tpu.dma_semaphore, #tpu.memory_space<semaphore_mem>>)
    %dma_wait3A_56 = arith.constant 0 : i32
    %dma_wait3A_57 = arith.constant 0 : i32
    %dma_wait3A_58 = tpu.memref_slice %arg5[%dma_wait3A_56, %dma_wait3A_57] : memref<2x80xi32, #tpu.memory_space<vmem>> -> memref<1x80xi32, #tpu.memory_space<vmem>>
    %dma_wait3A_59 = tpu.memref_squeeze %dma_wait3A_58 : memref<1x80xi32, #tpu.memory_space<vmem>> -> memref<80xi32, #tpu.memory_space<vmem>>
    %dma_wait3A_60 = arith.constant 0 : i32
    %dma_wait3A_61 = arith.constant 0 : i32
    %dma_wait3A_62 = tpu.memref_slice %arg2[%dma_wait3A_60, %dma_wait3A_61] : memref<10240x128xf32, #tpu.memory_space<hbm>> -> memref<10240x128xf32, #tpu.memory_space<hbm>>
    tpu.wait_indirect_dma semaphore(%arg11 : memref<!tpu.dma_semaphore, #tpu.memory_space<semaphore_mem>>) src(%dma_wait3A_62 : memref<10240x128xf32, #tpu.memory_space<hbm>>) dst(%arg7 : memref<80x128xf32, #tpu.memory_space<vmem>>)
    %run_scoped3A = arith.constant 1 : i32
    "tpu.region"() ({
      %run_scoped3A_105 = tpu.sem_alloc : memref<!tpu.dma_semaphore, #tpu.memory_space<semaphore_mem>>
      %dma_start3A_106 = arith.constant 0 : i32
      %dma_start3A_107 = tpu.memref_slice %arg5[%run_scoped3A, %dma_start3A_106] : memref<2x80xi32, #tpu.memory_space<vmem>> -> memref<1x80xi32, #tpu.memory_space<vmem>>
      %dma_start3A_108 = tpu.memref_squeeze %dma_start3A_107 : memref<1x80xi32, #tpu.memory_space<vmem>> -> memref<80xi32, #tpu.memory_space<vmem>>
      %dma_start3A_109 = arith.constant 0 : i32
      %dma_start3A_110 = arith.constant 0 : i32
      %dma_start3A_111 = tpu.memref_slice %arg13[%dma_start3A_109, %dma_start3A_110] : memref<10240x128xf32, #tpu.memory_space<vmem_shared>> -> memref<10240x128xf32, #tpu.memory_space<vmem_shared>>
      tpu.enqueue_indirect_dma source(%arg7 : memref<80x128xf32, #tpu.memory_space<vmem>>) target(%dma_start3A_111 : memref<10240x128xf32, #tpu.memory_space<vmem_shared>>) offsets(%dma_start3A_108 : memref<80xi32, #tpu.memory_space<vmem>>) semaphore(%run_scoped3A_105 : memref<!tpu.dma_semaphore, #tpu.memory_space<semaphore_mem>>) {add = true}
      %dma_wait3A_112 = arith.constant 0 : i32
      %dma_wait3A_113 = tpu.memref_slice %arg5[%run_scoped3A, %dma_wait3A_112] : memref<2x80xi32, #tpu.memory_space<vmem>> -> memref<1x80xi32, #tpu.memory_space<vmem>>
      %dma_wait3A_114 = tpu.memref_squeeze %dma_wait3A_113 : memref<1x80xi32, #tpu.memory_space<vmem>> -> memref<80xi32, #tpu.memory_space<vmem>>
      %dma_wait3A_115 = arith.constant 0 : i32
      %dma_wait3A_116 = arith.constant 0 : i32
      %dma_wait3A_117 = tpu.memref_slice %arg13[%dma_wait3A_115, %dma_wait3A_116] : memref<10240x128xf32, #tpu.memory_space<vmem_shared>> -> memref<10240x128xf32, #tpu.memory_space<vmem_shared>>
      tpu.wait_indirect_dma semaphore(%run_scoped3A_105 : memref<!tpu.dma_semaphore, #tpu.memory_space<semaphore_mem>>) src(%arg7 : memref<80x128xf32, #tpu.memory_space<vmem>>) dst(%dma_wait3A_117 : memref<10240x128xf32, #tpu.memory_space<vmem_shared>>)
      tpu.yield
    }) : () -> ()
    %dma_start3A_63 = arith.constant 124 : i32
    %dma_start3A_64 = arith.constant 0 : i32
    %dma_start3A_65 = arith.constant 0 : i32
    %dma_start3A_66 = tpu.memref_slice %arg3[%add3A, %dma_start3A_63, %dma_start3A_64, %dma_start3A_65] : memref<32x125x2x80xi32, #tpu.memory_space<hbm>> -> memref<1x1x2x80xi32, #tpu.memory_space<hbm>>
    %dma_start3A_67 = tpu.memref_squeeze %dma_start3A_66 : memref<1x1x2x80xi32, #tpu.memory_space<hbm>> -> memref<2x80xi32, #tpu.memory_space<hbm>>
    %dma_start3A_68 = arith.constant 0 : i32
    %dma_start3A_69 = arith.constant 0 : i32
    %dma_start3A_70 = tpu.memref_slice %arg3[%add3A, %dma_start3A_63, %dma_start3A_68, %dma_start3A_69] : memref<32x125x2x80xi32, #tpu.memory_space<hbm>> -> memref<1x1x2x80xi32, #tpu.memory_space<hbm>>
    %dma_start3A_71 = tpu.memref_squeeze %dma_start3A_70 : memref<1x1x2x80xi32, #tpu.memory_space<hbm>> -> memref<2x80xi32, #tpu.memory_space<hbm>>
    tpu.enqueue_dma source(%dma_start3A_71 : memref<2x80xi32, #tpu.memory_space<hbm>>) target(%arg5 : memref<2x80xi32, #tpu.memory_space<vmem>>) target_semaphore(%arg9 : memref<!tpu.dma_semaphore, #tpu.memory_space<semaphore_mem>>)
    %dma_wait3A_72 = arith.constant 0 : i32
    %dma_wait3A_73 = arith.constant 0 : i32
    %dma_wait3A_74 = arith.constant 0 : i32
    %dma_wait3A_75 = tpu.memref_slice %arg3[%add3A, %dma_wait3A_72, %dma_wait3A_73, %dma_wait3A_74] : memref<32x125x2x80xi32, #tpu.memory_space<hbm>> -> memref<1x1x2x80xi32, #tpu.memory_space<hbm>>
    %dma_wait3A_76 = tpu.memref_squeeze %dma_wait3A_75 : memref<1x1x2x80xi32, #tpu.memory_space<hbm>> -> memref<2x80xi32, #tpu.memory_space<hbm>>
    %dma_wait3A_77 = arith.constant 0 : i32
    %dma_wait3A_78 = arith.constant 0 : i32
    %dma_wait3A_79 = tpu.memref_slice %arg3[%add3A, %dma_wait3A_72, %dma_wait3A_77, %dma_wait3A_78] : memref<32x125x2x80xi32, #tpu.memory_space<hbm>> -> memref<1x1x2x80xi32, #tpu.memory_space<hbm>>
    %dma_wait3A_80 = tpu.memref_squeeze %dma_wait3A_79 : memref<1x1x2x80xi32, #tpu.memory_space<hbm>> -> memref<2x80xi32, #tpu.memory_space<hbm>>
    tpu.wait_dma2 semaphore(%arg9 : memref<!tpu.dma_semaphore, #tpu.memory_space<semaphore_mem>>) src(%dma_wait3A_80 : memref<2x80xi32, #tpu.memory_space<hbm>>) dst(%arg5 : memref<2x80xi32, #tpu.memory_space<vmem>>)
    %dma_start3A_81 = arith.constant 0 : i32
    %dma_start3A_82 = arith.constant 0 : i32
    %dma_start3A_83 = tpu.memref_slice %arg5[%dma_start3A_81, %dma_start3A_82] : memref<2x80xi32, #tpu.memory_space<vmem>> -> memref<1x80xi32, #tpu.memory_space<vmem>>
    %dma_start3A_84 = tpu.memref_squeeze %dma_start3A_83 : memref<1x80xi32, #tpu.memory_space<vmem>> -> memref<80xi32, #tpu.memory_space<vmem>>
    %dma_start3A_85 = arith.constant 0 : i32
    %dma_start3A_86 = arith.constant 0 : i32
    %dma_start3A_87 = tpu.memref_slice %arg2[%dma_start3A_85, %dma_start3A_86] : memref<10240x128xf32, #tpu.memory_space<hbm>> -> memref<10240x128xf32, #tpu.memory_space<hbm>>
    tpu.enqueue_indirect_dma source(%dma_start3A_87 : memref<10240x128xf32, #tpu.memory_space<hbm>>) target(%arg7 : memref<80x128xf32, #tpu.memory_space<vmem>>) offsets(%dma_start3A_84 : memref<80xi32, #tpu.memory_space<vmem>>) semaphore(%arg11 : memref<!tpu.dma_semaphore, #tpu.memory_space<semaphore_mem>>)
    %dma_wait3A_88 = arith.constant 0 : i32
    %dma_wait3A_89 = arith.constant 0 : i32
    %dma_wait3A_90 = tpu.memref_slice %arg6[%dma_wait3A_88, %dma_wait3A_89] : memref<2x80xi32, #tpu.memory_space<vmem>> -> memref<1x80xi32, #tpu.memory_space<vmem>>
    %dma_wait3A_91 = tpu.memref_squeeze %dma_wait3A_90 : memref<1x80xi32, #tpu.memory_space<vmem>> -> memref<80xi32, #tpu.memory_space<vmem>>
    %dma_wait3A_92 = arith.constant 0 : i32
    %dma_wait3A_93 = arith.constant 0 : i32
    %dma_wait3A_94 = tpu.memref_slice %arg2[%dma_wait3A_92, %dma_wait3A_93] : memref<10240x128xf32, #tpu.memory_space<hbm>> -> memref<10240x128xf32, #tpu.memory_space<hbm>>
    tpu.wait_indirect_dma semaphore(%arg12 : memref<!tpu.dma_semaphore, #tpu.memory_space<semaphore_mem>>) src(%dma_wait3A_94 : memref<10240x128xf32, #tpu.memory_space<hbm>>) dst(%arg8 : memref<80x128xf32, #tpu.memory_space<vmem>>)
    %run_scoped3A_95 = arith.constant 1 : i32
    "tpu.region"() ({
      %run_scoped3A_105 = tpu.sem_alloc : memref<!tpu.dma_semaphore, #tpu.memory_space<semaphore_mem>>
      %dma_start3A_106 = arith.constant 0 : i32
      %dma_start3A_107 = tpu.memref_slice %arg6[%run_scoped3A_95, %dma_start3A_106] : memref<2x80xi32, #tpu.memory_space<vmem>> -> memref<1x80xi32, #tpu.memory_space<vmem>>
      %dma_start3A_108 = tpu.memref_squeeze %dma_start3A_107 : memref<1x80xi32, #tpu.memory_space<vmem>> -> memref<80xi32, #tpu.memory_space<vmem>>
      %dma_start3A_109 = arith.constant 0 : i32
      %dma_start3A_110 = arith.constant 0 : i32
      %dma_start3A_111 = tpu.memref_slice %arg13[%dma_start3A_109, %dma_start3A_110] : memref<10240x128xf32, #tpu.memory_space<vmem_shared>> -> memref<10240x128xf32, #tpu.memory_space<vmem_shared>>
      tpu.enqueue_indirect_dma source(%arg8 : memref<80x128xf32, #tpu.memory_space<vmem>>) target(%dma_start3A_111 : memref<10240x128xf32, #tpu.memory_space<vmem_shared>>) offsets(%dma_start3A_108 : memref<80xi32, #tpu.memory_space<vmem>>) semaphore(%run_scoped3A_105 : memref<!tpu.dma_semaphore, #tpu.memory_space<semaphore_mem>>) {add = true}
      %dma_wait3A_112 = arith.constant 0 : i32
      %dma_wait3A_113 = tpu.memref_slice %arg6[%run_scoped3A_95, %dma_wait3A_112] : memref<2x80xi32, #tpu.memory_space<vmem>> -> memref<1x80xi32, #tpu.memory_space<vmem>>
      %dma_wait3A_114 = tpu.memref_squeeze %dma_wait3A_113 : memref<1x80xi32, #tpu.memory_space<vmem>> -> memref<80xi32, #tpu.memory_space<vmem>>
      %dma_wait3A_115 = arith.constant 0 : i32
      %dma_wait3A_116 = arith.constant 0 : i32
      %dma_wait3A_117 = tpu.memref_slice %arg13[%dma_wait3A_115, %dma_wait3A_116] : memref<10240x128xf32, #tpu.memory_space<vmem_shared>> -> memref<10240x128xf32, #tpu.memory_space<vmem_shared>>
      tpu.wait_indirect_dma semaphore(%run_scoped3A_105 : memref<!tpu.dma_semaphore, #tpu.memory_space<semaphore_mem>>) src(%arg8 : memref<80x128xf32, #tpu.memory_space<vmem>>) dst(%dma_wait3A_117 : memref<10240x128xf32, #tpu.memory_space<vmem_shared>>)
      tpu.yield
    }) : () -> ()
    %dma_wait3A_96 = arith.constant 0 : i32
    %dma_wait3A_97 = arith.constant 0 : i32
    %dma_wait3A_98 = tpu.memref_slice %arg5[%dma_wait3A_96, %dma_wait3A_97] : memref<2x80xi32, #tpu.memory_space<vmem>> -> memref<1x80xi32, #tpu.memory_space<vmem>>
    %dma_wait3A_99 = tpu.memref_squeeze %dma_wait3A_98 : memref<1x80xi32, #tpu.memory_space<vmem>> -> memref<80xi32, #tpu.memory_space<vmem>>
    %dma_wait3A_100 = arith.constant 0 : i32
    %dma_wait3A_101 = arith.constant 0 : i32
    %dma_wait3A_102 = tpu.memref_slice %arg2[%dma_wait3A_100, %dma_wait3A_101] : memref<10240x128xf32, #tpu.memory_space<hbm>> -> memref<10240x128xf32, #tpu.memory_space<hbm>>
    tpu.wait_indirect_dma semaphore(%arg11 : memref<!tpu.dma_semaphore, #tpu.memory_space<semaphore_mem>>) src(%dma_wait3A_102 : memref<10240x128xf32, #tpu.memory_space<hbm>>) dst(%arg7 : memref<80x128xf32, #tpu.memory_space<vmem>>)
    %run_scoped3A_103 = arith.constant 1 : i32
    "tpu.region"() ({
      %run_scoped3A_105 = tpu.sem_alloc : memref<!tpu.dma_semaphore, #tpu.memory_space<semaphore_mem>>
      %dma_start3A_106 = arith.constant 0 : i32
      %dma_start3A_107 = tpu.memref_slice %arg5[%run_scoped3A_103, %dma_start3A_106] : memref<2x80xi32, #tpu.memory_space<vmem>> -> memref<1x80xi32, #tpu.memory_space<vmem>>
      %dma_start3A_108 = tpu.memref_squeeze %dma_start3A_107 : memref<1x80xi32, #tpu.memory_space<vmem>> -> memref<80xi32, #tpu.memory_space<vmem>>
      %dma_start3A_109 = arith.constant 0 : i32
      %dma_start3A_110 = arith.constant 0 : i32
      %dma_start3A_111 = tpu.memref_slice %arg13[%dma_start3A_109, %dma_start3A_110] : memref<10240x128xf32, #tpu.memory_space<vmem_shared>> -> memref<10240x128xf32, #tpu.memory_space<vmem_shared>>
      tpu.enqueue_indirect_dma source(%arg7 : memref<80x128xf32, #tpu.memory_space<vmem>>) target(%dma_start3A_111 : memref<10240x128xf32, #tpu.memory_space<vmem_shared>>) offsets(%dma_start3A_108 : memref<80xi32, #tpu.memory_space<vmem>>) semaphore(%run_scoped3A_105 : memref<!tpu.dma_semaphore, #tpu.memory_space<semaphore_mem>>) {add = true}
      %dma_wait3A_112 = arith.constant 0 : i32
      %dma_wait3A_113 = tpu.memref_slice %arg5[%run_scoped3A_103, %dma_wait3A_112] : memref<2x80xi32, #tpu.memory_space<vmem>> -> memref<1x80xi32, #tpu.memory_space<vmem>>
      %dma_wait3A_114 = tpu.memref_squeeze %dma_wait3A_113 : memref<1x80xi32, #tpu.memory_space<vmem>> -> memref<80xi32, #tpu.memory_space<vmem>>
      %dma_wait3A_115 = arith.constant 0 : i32
      %dma_wait3A_116 = arith.constant 0 : i32
      %dma_wait3A_117 = tpu.memref_slice %arg13[%dma_wait3A_115, %dma_wait3A_116] : memref<10240x128xf32, #tpu.memory_space<vmem_shared>> -> memref<10240x128xf32, #tpu.memory_space<vmem_shared>>
      tpu.wait_indirect_dma semaphore(%run_scoped3A_105 : memref<!tpu.dma_semaphore, #tpu.memory_space<semaphore_mem>>) src(%arg7 : memref<80x128xf32, #tpu.memory_space<vmem>>) dst(%dma_wait3A_117 : memref<10240x128xf32, #tpu.memory_space<vmem_shared>>)
      tpu.yield
    }) : () -> ()
    %barrier3A_104 = arith.constant 0 : index
    tpu.barrier barrier_id(%barrier3A_104)
    "tpu.region"() ({
      %run_scoped3A_105 = tpu.sem_alloc : memref<!tpu.dma_semaphore, #tpu.memory_space<semaphore_mem>>
      %dma_start3A_106 = arith.constant 0 : i32
      %dma_start3A_107 = tpu.memref_slice %arg4[%arg0, %mul3A_2, %dma_start3A_106] : memref<2x10240x128xf32, #tpu.memory_space<hbm>> -> memref<1x640x128xf32, #tpu.memory_space<hbm>>
      %dma_start3A_108 = tpu.memref_squeeze %dma_start3A_107 : memref<1x640x128xf32, #tpu.memory_space<hbm>> -> memref<640x128xf32, #tpu.memory_space<hbm>>
      %dma_start3A_109 = arith.constant 0 : i32
      %dma_start3A_110 = tpu.memref_slice %arg13[%mul3A_2, %dma_start3A_109] : memref<10240x128xf32, #tpu.memory_space<vmem_shared>> -> memref<640x128xf32, #tpu.memory_space<vmem_shared>>
      tpu.enqueue_dma source(%dma_start3A_110 : memref<640x128xf32, #tpu.memory_space<vmem_shared>>) target(%dma_start3A_108 : memref<640x128xf32, #tpu.memory_space<hbm>>) target_semaphore(%run_scoped3A_105 : memref<!tpu.dma_semaphore, #tpu.memory_space<semaphore_mem>>)
      %dma_wait3A_111 = arith.constant 0 : i32
      %dma_wait3A_112 = tpu.memref_slice %arg4[%arg0, %mul3A_2, %dma_wait3A_111] : memref<2x10240x128xf32, #tpu.memory_space<hbm>> -> memref<1x640x128xf32, #tpu.memory_space<hbm>>
      %dma_wait3A_113 = tpu.memref_squeeze %dma_wait3A_112 : memref<1x640x128xf32, #tpu.memory_space<hbm>> -> memref<640x128xf32, #tpu.memory_space<hbm>>
      %dma_wait3A_114 = arith.constant 0 : i32
      %dma_wait3A_115 = tpu.memref_slice %arg13[%mul3A_2, %dma_wait3A_114] : memref<10240x128xf32, #tpu.memory_space<vmem_shared>> -> memref<640x128xf32, #tpu.memory_space<vmem_shared>>
      tpu.wait_dma2 semaphore(%run_scoped3A_105 : memref<!tpu.dma_semaphore, #tpu.memory_space<semaphore_mem>>) src(%dma_wait3A_115 : memref<640x128xf32, #tpu.memory_space<vmem_shared>>) dst(%dma_wait3A_113 : memref<640x128xf32, #tpu.memory_space<hbm>>)
      tpu.yield
    }) : () -> ()
    return
  }
}

module attributes {stable_mosaic.version = 14 : i64} {
  func.func @body(%arg0: i32, %arg1: memref<2048x128xf32, #tpu.memory_space<vmem>>, %arg2: memref<128x128xf32, #tpu.memory_space<vmem>>, %arg3: memref<2x2048x8xf32, #tpu.memory_space<vmem>>, %arg4: memref<2048x128xf32, #tpu.memory_space<vmem>>) attributes {dimension_semantics = [#tpu.dimension_semantics<arbitrary>], iteration_bounds = array<i64: 5>, scalar_prefetch = 0 : i64, scratch_operands = 0 : i64, tpu.core_type = #tpu.core_type<tc>, window_params = [{transform_indices = @transform_0, window_bounds = array<i64: 2048, 128>}, {pipeline_mode = #tpu.pipeline_mode<synchronous>, transform_indices = @transform_1, window_bounds = array<i64: 128, 128>}, {transform_indices = @transform_2, window_bounds = array<i64: 2, 2048, 8>}, {transform_indices = @transform_3, window_bounds = array<i64: 2048, 128>}]} {
    %get3A = arith.constant 0 : index
    %get3A_0 = arith.constant 0 : index
    %get3A_1 = arith.constant 0 : index
    %get3A_2 = vector.load %arg3[%get3A, %get3A_0, %get3A_1] : memref<2x2048x8xf32, #tpu.memory_space<vmem>>, vector<2x2048x8xf32>
    %slice3A = vector.extract_strided_slice %get3A_2 {offsets = [0, 0, 0], sizes = [1, 2048, 8], strides = [1, 1, 1]} : vector<2x2048x8xf32> to vector<1x2048x8xf32>
    %squeeze3A = vector.shape_cast %slice3A : vector<1x2048x8xf32> to vector<2048x8xf32>
    %slice3A_3 = vector.extract_strided_slice %squeeze3A {offsets = [0, 0], sizes = [2048, 1], strides = [1, 1]} : vector<2048x8xf32> to vector<2048x1xf32>
    %slice3A_4 = vector.extract_strided_slice %get3A_2 {offsets = [1, 0, 0], sizes = [1, 2048, 8], strides = [1, 1, 1]} : vector<2x2048x8xf32> to vector<1x2048x8xf32>
    %squeeze3A_5 = vector.shape_cast %slice3A_4 : vector<1x2048x8xf32> to vector<2048x8xf32>
    %slice3A_6 = vector.extract_strided_slice %squeeze3A_5 {offsets = [0, 0], sizes = [2048, 1], strides = [1, 1]} : vector<2048x8xf32> to vector<2048x1xf32>
    %add3A = arith.addf %slice3A_3, %slice3A_6 : vector<2048x1xf32>
    %add3A_7 = arith.constant 1.000000e+00 : f32
    %add3A_8 = vector.broadcast %add3A_7 : f32 to vector<2048x1xf32>
    %add3A_9 = arith.addf %add3A, %add3A_8 : vector<2048x1xf32>
    %rsqrt3A = math.rsqrt %add3A_9 : vector<2048x1xf32>
    %get3A_10 = arith.constant 0 : index
    %get3A_11 = arith.constant 0 : index
    %get3A_12 = vector.load %arg1[%get3A_10, %get3A_11] : memref<2048x128xf32, #tpu.memory_space<vmem>>, vector<2048x128xf32>
    %get3A_13 = arith.constant 0 : index
    %get3A_14 = arith.constant 0 : index
    %get3A_15 = vector.load %arg2[%get3A_13, %get3A_14] : memref<128x128xf32, #tpu.memory_space<vmem>>, vector<128x128xf32>
    %dot_general3A = arith.constant dense<0.000000e+00> : vector<2048x128xf32>
    %dot_general3A_16 = tpu.matmul %get3A_12, %get3A_15, %dot_general3A {dimension_numbers = #tpu.dot_dimension_numbers<[1], [0], [0], [1], [0, 0, 1, 1], [], []>, transpose_lhs_hint = false} : vector<2048x128xf32>, vector<128x128xf32>, vector<2048x128xf32> -> vector<2048x128xf32>
    %mul3A = vector.broadcast %rsqrt3A : vector<2048x1xf32> to vector<2048x128xf32>
    %mul3A_17 = arith.mulf %dot_general3A_16, %mul3A : vector<2048x128xf32>
    %swap3A = arith.constant 0 : index
    %swap3A_18 = arith.constant 0 : index
    %swap3A_19 = vector.load %arg4[%swap3A, %swap3A_18] : memref<2048x128xf32, #tpu.memory_space<vmem>>, vector<2048x128xf32>
    tpu.vector_store %arg4[%swap3A, %swap3A_18], %mul3A_17 {strides = array<i32>} : memref<2048x128xf32, #tpu.memory_space<vmem>>, vector<2048x128xf32>,
    return
  }
  func.func @transform_0(%arg0: i32) -> (i32, i32) {
    %c0_i32 = arith.constant 0 : i32
    %c0_i32_0 = arith.constant 0 : i32
    return %arg0, %c0_i32 : i32, i32
  }
  func.func @transform_1(%arg0: i32) -> (i32, i32) {
    %c0_i32 = arith.constant 0 : i32
    %c0_i32_0 = arith.constant 0 : i32
    %c0_i32_1 = arith.constant 0 : i32
    return %c0_i32, %c0_i32_0 : i32, i32
  }
  func.func @transform_2(%arg0: i32) -> (i32, i32, i32) {
    %c0_i32 = arith.constant 0 : i32
    %c0_i32_0 = arith.constant 0 : i32
    %c0_i32_1 = arith.constant 0 : i32
    return %c0_i32, %arg0, %c0_i32_0 : i32, i32, i32
  }
  func.func @transform_3(%arg0: i32) -> (i32, i32) {
    %c0_i32 = arith.constant 0 : i32
    %c0_i32_0 = arith.constant 0 : i32
    return %arg0, %c0_i32 : i32, i32
  }
}

module attributes {stable_mosaic.version = 14 : i64} {
  func.func @body(%arg0: i32, %arg1: memref<2x2048x128xf32, #tpu.memory_space<vmem>>, %arg2: memref<2048x128xf32, #tpu.memory_space<vmem>>, %arg3: memref<2x2048x8xf32, #tpu.memory_space<vmem>>, %arg4: memref<1x128xf32, #tpu.memory_space<vmem>>, %arg5: memref<2048x128xf32, #tpu.memory_space<vmem>>, %arg6: memref<1x128xf32, #tpu.memory_space<vmem>>, %arg7: memref<1x128xf32, #tpu.memory_space<vmem>>) attributes {dimension_semantics = [#tpu.dimension_semantics<arbitrary>], iteration_bounds = array<i64: 5>, scalar_prefetch = 0 : i64, scratch_operands = 0 : i64, tpu.core_type = #tpu.core_type<tc>, window_params = [{transform_indices = @transform_0, window_bounds = array<i64: 2, 2048, 128>}, {transform_indices = @transform_1, window_bounds = array<i64: 2048, 128>}, {transform_indices = @transform_2, window_bounds = array<i64: 2, 2048, 8>}, {pipeline_mode = #tpu.pipeline_mode<synchronous>, transform_indices = @transform_3, window_bounds = array<i64: 1, 128>}, {transform_indices = @transform_4, window_bounds = array<i64: 2048, 128>}, {pipeline_mode = #tpu.pipeline_mode<synchronous>, transform_indices = @transform_5, window_bounds = array<i64: 1, 128>}, {pipeline_mode = #tpu.pipeline_mode<synchronous>, transform_indices = @transform_6, window_bounds = array<i64: 1, 128>}]} {
    %get3A = arith.constant 0 : index
    %get3A_0 = arith.constant 0 : index
    %get3A_1 = arith.constant 0 : index
    %get3A_2 = vector.load %arg1[%get3A, %get3A_0, %get3A_1] : memref<2x2048x128xf32, #tpu.memory_space<vmem>>, vector<2x2048x128xf32>
    %get3A_3 = arith.constant 0 : index
    %get3A_4 = arith.constant 0 : index
    %get3A_5 = arith.constant 0 : index
    %get3A_6 = vector.load %arg3[%get3A_3, %get3A_4, %get3A_5] : memref<2x2048x8xf32, #tpu.memory_space<vmem>>, vector<2x2048x8xf32>
    %slice3A = vector.extract_strided_slice %get3A_6 {offsets = [0, 0, 0], sizes = [1, 2048, 8], strides = [1, 1, 1]} : vector<2x2048x8xf32> to vector<1x2048x8xf32>
    %squeeze3A = vector.shape_cast %slice3A : vector<1x2048x8xf32> to vector<2048x8xf32>
    %slice3A_7 = vector.extract_strided_slice %squeeze3A {offsets = [0, 0], sizes = [2048, 1], strides = [1, 1]} : vector<2048x8xf32> to vector<2048x1xf32>
    %slice3A_8 = vector.extract_strided_slice %get3A_6 {offsets = [1, 0, 0], sizes = [1, 2048, 8], strides = [1, 1, 1]} : vector<2x2048x8xf32> to vector<1x2048x8xf32>
    %squeeze3A_9 = vector.shape_cast %slice3A_8 : vector<1x2048x8xf32> to vector<2048x8xf32>
    %slice3A_10 = vector.extract_strided_slice %squeeze3A_9 {offsets = [0, 0], sizes = [2048, 1], strides = [1, 1]} : vector<2048x8xf32> to vector<2048x1xf32>
    %add3A = arith.addf %slice3A_7, %slice3A_10 : vector<2048x1xf32>
    %add3A_11 = arith.constant 1.000000e+00 : f32
    %add3A_12 = vector.broadcast %add3A_11 : f32 to vector<2048x1xf32>
    %add3A_13 = arith.addf %add3A, %add3A_12 : vector<2048x1xf32>
    %rsqrt3A = math.rsqrt %add3A_13 : vector<2048x1xf32>
    %slice3A_14 = vector.extract_strided_slice %get3A_2 {offsets = [0, 0, 0], sizes = [1, 2048, 128], strides = [1, 1, 1]} : vector<2x2048x128xf32> to vector<1x2048x128xf32>
    %squeeze3A_15 = vector.shape_cast %slice3A_14 : vector<1x2048x128xf32> to vector<2048x128xf32>
    %slice3A_16 = vector.extract_strided_slice %get3A_2 {offsets = [1, 0, 0], sizes = [1, 2048, 128], strides = [1, 1, 1]} : vector<2x2048x128xf32> to vector<1x2048x128xf32>
    %squeeze3A_17 = vector.shape_cast %slice3A_16 : vector<1x2048x128xf32> to vector<2048x128xf32>
    %add3A_18 = arith.addf %squeeze3A_15, %squeeze3A_17 : vector<2048x128xf32>
    %get3A_19 = arith.constant 0 : index
    %get3A_20 = arith.constant 0 : index
    %get3A_21 = vector.load %arg2[%get3A_19, %get3A_20] : memref<2048x128xf32, #tpu.memory_space<vmem>>, vector<2048x128xf32>
    %sub3A = arith.subf %add3A_18, %get3A_21 : vector<2048x128xf32>
    %mul3A = vector.broadcast %rsqrt3A : vector<2048x1xf32> to vector<2048x128xf32>
    %mul3A_22 = arith.mulf %sub3A, %mul3A : vector<2048x128xf32>
    %get3A_23 = arith.constant 0 : index
    %get3A_24 = arith.constant 0 : index
    %get3A_25 = vector.load %arg4[%get3A_23, %get3A_24] : memref<1x128xf32, #tpu.memory_space<vmem>>, vector<1x128xf32>
    %add3A_26 = vector.broadcast %get3A_25 : vector<1x128xf32> to vector<2048x128xf32>
    %add3A_27 = arith.addf %mul3A_22, %add3A_26 : vector<2048x128xf32>
    %swap3A = arith.constant 0 : index
    %swap3A_28 = arith.constant 0 : index
    %swap3A_29 = vector.load %arg5[%swap3A, %swap3A_28] : memref<2048x128xf32, #tpu.memory_space<vmem>>, vector<2048x128xf32>
    tpu.vector_store %arg5[%swap3A, %swap3A_28], %add3A_27 {strides = array<i32>} : memref<2048x128xf32, #tpu.memory_space<vmem>>, vector<2048x128xf32>,
    %iota3A = tpu.iota {dimensions = array<i32: 0>} : vector<2048x1xi32>
    %mul3A_30 = arith.constant 2048 : i32
    %mul3A_31 = arith.muli %arg0, %mul3A_30 : i32
    %add3A_32 = vector.broadcast %mul3A_31 : i32 to vector<2048x1xi32>
    %add3A_33 = arith.addi %iota3A, %add3A_32 : vector<2048x1xi32>
    %lt3A = arith.constant 10000 : i32
    %lt3A_34 = vector.broadcast %lt3A : i32 to vector<2048x1xi32>
    %lt3A_35 = arith.cmpi slt, %add3A_33, %lt3A_34 : vector<2048x1xi32>
    %jit3A = arith.constant 0.000000e+00 : f32
    %broadcast_in_dim3A = vector.shape_cast %lt3A_35 : vector<2048x1xi1> to vector<2048x1xi1>
    %broadcast_in_dim3A_36 = vector.broadcast %broadcast_in_dim3A : vector<2048x1xi1> to vector<2048x128xi1>
    %broadcast_in_dim3A_37 = vector.broadcast %jit3A : f32 to vector<2048x128xf32>
    %select_n3A = arith.select %broadcast_in_dim3A_36, %add3A_27, %broadcast_in_dim3A_37 : vector<2048x128xi1>, vector<2048x128xf32>
    %eq3A = arith.constant 0 : i32
    %eq3A_38 = arith.cmpi eq, %arg0, %eq3A : i32
    %convert_element_type3A = arith.extui %eq3A_38 : i1 to i32
    %cond3A = arith.constant 0 : i32
    %cond3A_39 = arith.cmpi ne, %convert_element_type3A, %cond3A : i32
    scf.if %cond3A_39 {
      %broadcast_in_dim3A_60 = arith.constant 0.000000e+00 : f32
      %broadcast_in_dim3A_61 = vector.broadcast %broadcast_in_dim3A_60 : f32 to vector<1x128xf32>
      %swap3A_62 = arith.constant 0 : index
      %swap3A_63 = arith.constant 0 : index
      %swap3A_64 = vector.load %arg6[%swap3A_62, %swap3A_63] : memref<1x128xf32, #tpu.memory_space<vmem>>, vector<1x128xf32>
      tpu.vector_store %arg6[%swap3A_62, %swap3A_63], %broadcast_in_dim3A_61 {strides = array<i32>} : memref<1x128xf32, #tpu.memory_space<vmem>>, vector<1x128xf32>,
      %broadcast_in_dim3A_65 = arith.constant 0.000000e+00 : f32
      %broadcast_in_dim3A_66 = vector.broadcast %broadcast_in_dim3A_65 : f32 to vector<1x128xf32>
      %swap3A_67 = arith.constant 0 : index
      %swap3A_68 = arith.constant 0 : index
      %swap3A_69 = vector.load %arg7[%swap3A_67, %swap3A_68] : memref<1x128xf32, #tpu.memory_space<vmem>>, vector<1x128xf32>
      tpu.vector_store %arg7[%swap3A_67, %swap3A_68], %broadcast_in_dim3A_66 {strides = array<i32>} : memref<1x128xf32, #tpu.memory_space<vmem>>, vector<1x128xf32>,
    } else {
    }
    %get3A_40 = arith.constant 0 : index
    %get3A_41 = arith.constant 0 : index
    %get3A_42 = vector.load %arg6[%get3A_40, %get3A_41] : memref<1x128xf32, #tpu.memory_space<vmem>>, vector<1x128xf32>
    %reduce_sum3A = arith.constant dense<0.000000e+00> : vector<128xf32>
    %reduce_sum3A_43 = vector.multi_reduction <add>, %select_n3A, %reduce_sum3A [0] : vector<2048x128xf32> to vector<128xf32>
    %broadcast_in_dim3A_44 = vector.shape_cast %reduce_sum3A_43 : vector<128xf32> to vector<1x128xf32>
    %add3A_45 = arith.addf %get3A_42, %broadcast_in_dim3A_44 : vector<1x128xf32>
    %swap3A_46 = arith.constant 0 : index
    %swap3A_47 = arith.constant 0 : index
    %swap3A_48 = vector.load %arg6[%swap3A_46, %swap3A_47] : memref<1x128xf32, #tpu.memory_space<vmem>>, vector<1x128xf32>
    tpu.vector_store %arg6[%swap3A_46, %swap3A_47], %add3A_45 {strides = array<i32>} : memref<1x128xf32, #tpu.memory_space<vmem>>, vector<1x128xf32>,
    %get3A_49 = arith.constant 0 : index
    %get3A_50 = arith.constant 0 : index
    %get3A_51 = vector.load %arg7[%get3A_49, %get3A_50] : memref<1x128xf32, #tpu.memory_space<vmem>>, vector<1x128xf32>
    %mul3A_52 = arith.mulf %select_n3A, %select_n3A : vector<2048x128xf32>
    %reduce_sum3A_53 = arith.constant dense<0.000000e+00> : vector<128xf32>
    %reduce_sum3A_54 = vector.multi_reduction <add>, %mul3A_52, %reduce_sum3A_53 [0] : vector<2048x128xf32> to vector<128xf32>
    %broadcast_in_dim3A_55 = vector.shape_cast %reduce_sum3A_54 : vector<128xf32> to vector<1x128xf32>
    %add3A_56 = arith.addf %get3A_51, %broadcast_in_dim3A_55 : vector<1x128xf32>
    %swap3A_57 = arith.constant 0 : index
    %swap3A_58 = arith.constant 0 : index
    %swap3A_59 = vector.load %arg7[%swap3A_57, %swap3A_58] : memref<1x128xf32, #tpu.memory_space<vmem>>, vector<1x128xf32>
    tpu.vector_store %arg7[%swap3A_57, %swap3A_58], %add3A_56 {strides = array<i32>} : memref<1x128xf32, #tpu.memory_space<vmem>>, vector<1x128xf32>,
    return
  }
  func.func @transform_0(%arg0: i32) -> (i32, i32, i32) {
    %c0_i32 = arith.constant 0 : i32
    %c0_i32_0 = arith.constant 0 : i32
    %c0_i32_1 = arith.constant 0 : i32
    return %c0_i32, %arg0, %c0_i32_0 : i32, i32, i32
  }
  func.func @transform_1(%arg0: i32) -> (i32, i32) {
    %c0_i32 = arith.constant 0 : i32
    %c0_i32_0 = arith.constant 0 : i32
    return %arg0, %c0_i32 : i32, i32
  }
  func.func @transform_2(%arg0: i32) -> (i32, i32, i32) {
    %c0_i32 = arith.constant 0 : i32
    %c0_i32_0 = arith.constant 0 : i32
    %c0_i32_1 = arith.constant 0 : i32
    return %c0_i32, %arg0, %c0_i32_0 : i32, i32, i32
  }
  func.func @transform_3(%arg0: i32) -> (i32, i32) {
    %c0_i32 = arith.constant 0 : i32
    %c0_i32_0 = arith.constant 0 : i32
    %c0_i32_1 = arith.constant 0 : i32
    return %c0_i32, %c0_i32_0 : i32, i32
  }
  func.func @transform_4(%arg0: i32) -> (i32, i32) {
    %c0_i32 = arith.constant 0 : i32
    %c0_i32_0 = arith.constant 0 : i32
    return %arg0, %c0_i32 : i32, i32
  }
  func.func @transform_5(%arg0: i32) -> (i32, i32) {
    %c0_i32 = arith.constant 0 : i32
    %c0_i32_0 = arith.constant 0 : i32
    %c0_i32_1 = arith.constant 0 : i32
    return %c0_i32, %c0_i32_0 : i32, i32
  }
  func.func @transform_6(%arg0: i32) -> (i32, i32) {
    %c0_i32 = arith.constant 0 : i32
    %c0_i32_0 = arith.constant 0 : i32
    %c0_i32_1 = arith.constant 0 : i32
    return %c0_i32, %c0_i32_0 : i32, i32
  }
}

module attributes {stable_mosaic.version = 14 : i64} {
  func.func @body(%arg0: i32, %arg1: memref<2048x128xf32, #tpu.memory_space<vmem>>, %arg2: memref<1x128xf32, #tpu.memory_space<vmem>>, %arg3: memref<1x128xf32, #tpu.memory_space<vmem>>, %arg4: memref<1x128xf32, #tpu.memory_space<vmem>>, %arg5: memref<1x128xf32, #tpu.memory_space<vmem>>, %arg6: memref<128x128xf32, #tpu.memory_space<vmem>>, %arg7: memref<2x2048x8xf32, #tpu.memory_space<vmem>>, %arg8: memref<2048x128xf32, #tpu.memory_space<vmem>>) attributes {dimension_semantics = [#tpu.dimension_semantics<arbitrary>], iteration_bounds = array<i64: 5>, scalar_prefetch = 0 : i64, scratch_operands = 0 : i64, tpu.core_type = #tpu.core_type<tc>, window_params = [{transform_indices = @transform_0, window_bounds = array<i64: 2048, 128>}, {pipeline_mode = #tpu.pipeline_mode<synchronous>, transform_indices = @transform_1, window_bounds = array<i64: 1, 128>}, {pipeline_mode = #tpu.pipeline_mode<synchronous>, transform_indices = @transform_2, window_bounds = array<i64: 1, 128>}, {pipeline_mode = #tpu.pipeline_mode<synchronous>, transform_indices = @transform_3, window_bounds = array<i64: 1, 128>}, {pipeline_mode = #tpu.pipeline_mode<synchronous>, transform_indices = @transform_4, window_bounds = array<i64: 1, 128>}, {pipeline_mode = #tpu.pipeline_mode<synchronous>, transform_indices = @transform_5, window_bounds = array<i64: 128, 128>}, {transform_indices = @transform_6, window_bounds = array<i64: 2, 2048, 8>}, {transform_indices = @transform_7, window_bounds = array<i64: 2048, 128>}]} {
    %get3A = arith.constant 0 : index
    %get3A_0 = arith.constant 0 : index
    %get3A_1 = vector.load %arg2[%get3A, %get3A_0] : memref<1x128xf32, #tpu.memory_space<vmem>>, vector<1x128xf32>
    %mul3A = arith.constant 9.99999974E-5 : f32
    %mul3A_2 = vector.broadcast %mul3A : f32 to vector<1x128xf32>
    %mul3A_3 = arith.mulf %get3A_1, %mul3A_2 : vector<1x128xf32>
    %get3A_4 = arith.constant 0 : index
    %get3A_5 = arith.constant 0 : index
    %get3A_6 = vector.load %arg3[%get3A_4, %get3A_5] : memref<1x128xf32, #tpu.memory_space<vmem>>, vector<1x128xf32>
    %mul3A_7 = arith.constant 9.99999974E-5 : f32
    %mul3A_8 = vector.broadcast %mul3A_7 : f32 to vector<1x128xf32>
    %mul3A_9 = arith.mulf %get3A_6, %mul3A_8 : vector<1x128xf32>
    %mul3A_10 = arith.mulf %mul3A_3, %mul3A_3 : vector<1x128xf32>
    %sub3A = arith.subf %mul3A_9, %mul3A_10 : vector<1x128xf32>
    %add3A = arith.constant 9.99999974E-6 : f32
    %add3A_11 = vector.broadcast %add3A : f32 to vector<1x128xf32>
    %add3A_12 = arith.addf %sub3A, %add3A_11 : vector<1x128xf32>
    %rsqrt3A = math.rsqrt %add3A_12 : vector<1x128xf32>
    %get3A_13 = arith.constant 0 : index
    %get3A_14 = arith.constant 0 : index
    %get3A_15 = vector.load %arg4[%get3A_13, %get3A_14] : memref<1x128xf32, #tpu.memory_space<vmem>>, vector<1x128xf32>
    %get3A_16 = arith.constant 0 : index
    %get3A_17 = arith.constant 0 : index
    %get3A_18 = vector.load %arg1[%get3A_16, %get3A_17] : memref<2048x128xf32, #tpu.memory_space<vmem>>, vector<2048x128xf32>
    %sub3A_19 = vector.broadcast %mul3A_3 : vector<1x128xf32> to vector<2048x128xf32>
    %sub3A_20 = arith.subf %get3A_18, %sub3A_19 : vector<2048x128xf32>
    %mul3A_21 = vector.broadcast %get3A_15 : vector<1x128xf32> to vector<2048x128xf32>
    %mul3A_22 = arith.mulf %mul3A_21, %sub3A_20 : vector<2048x128xf32>
    %mul3A_23 = vector.broadcast %rsqrt3A : vector<1x128xf32> to vector<2048x128xf32>
    %mul3A_24 = arith.mulf %mul3A_22, %mul3A_23 : vector<2048x128xf32>
    %get3A_25 = arith.constant 0 : index
    %get3A_26 = arith.constant 0 : index
    %get3A_27 = vector.load %arg5[%get3A_25, %get3A_26] : memref<1x128xf32, #tpu.memory_space<vmem>>, vector<1x128xf32>
    %add3A_28 = vector.broadcast %get3A_27 : vector<1x128xf32> to vector<2048x128xf32>
    %add3A_29 = arith.addf %mul3A_24, %add3A_28 : vector<2048x128xf32>
    %max3A = arith.constant 0.000000e+00 : f32
    %max3A_30 = vector.broadcast %max3A : f32 to vector<2048x128xf32>
    %max3A_31 = arith.maximumf %add3A_29, %max3A_30 : vector<2048x128xf32>
    %get3A_32 = arith.constant 0 : index
    %get3A_33 = arith.constant 0 : index
    %get3A_34 = arith.constant 0 : index
    %get3A_35 = vector.load %arg7[%get3A_32, %get3A_33, %get3A_34] : memref<2x2048x8xf32, #tpu.memory_space<vmem>>, vector<2x2048x8xf32>
    %slice3A = vector.extract_strided_slice %get3A_35 {offsets = [0, 0, 0], sizes = [1, 2048, 8], strides = [1, 1, 1]} : vector<2x2048x8xf32> to vector<1x2048x8xf32>
    %squeeze3A = vector.shape_cast %slice3A : vector<1x2048x8xf32> to vector<2048x8xf32>
    %slice3A_36 = vector.extract_strided_slice %squeeze3A {offsets = [0, 0], sizes = [2048, 1], strides = [1, 1]} : vector<2048x8xf32> to vector<2048x1xf32>
    %slice3A_37 = vector.extract_strided_slice %get3A_35 {offsets = [1, 0, 0], sizes = [1, 2048, 8], strides = [1, 1, 1]} : vector<2x2048x8xf32> to vector<1x2048x8xf32>
    %squeeze3A_38 = vector.shape_cast %slice3A_37 : vector<1x2048x8xf32> to vector<2048x8xf32>
    %slice3A_39 = vector.extract_strided_slice %squeeze3A_38 {offsets = [0, 0], sizes = [2048, 1], strides = [1, 1]} : vector<2048x8xf32> to vector<2048x1xf32>
    %add3A_40 = arith.addf %slice3A_36, %slice3A_39 : vector<2048x1xf32>
    %add3A_41 = arith.constant 1.000000e+00 : f32
    %add3A_42 = vector.broadcast %add3A_41 : f32 to vector<2048x1xf32>
    %add3A_43 = arith.addf %add3A_40, %add3A_42 : vector<2048x1xf32>
    %rsqrt3A_44 = math.rsqrt %add3A_43 : vector<2048x1xf32>
    %get3A_45 = arith.constant 0 : index
    %get3A_46 = arith.constant 0 : index
    %get3A_47 = vector.load %arg6[%get3A_45, %get3A_46] : memref<128x128xf32, #tpu.memory_space<vmem>>, vector<128x128xf32>
    %dot_general3A = arith.constant dense<0.000000e+00> : vector<2048x128xf32>
    %dot_general3A_48 = tpu.matmul %max3A_31, %get3A_47, %dot_general3A {dimension_numbers = #tpu.dot_dimension_numbers<[1], [0], [0], [1], [0, 0, 1, 1], [], []>, transpose_lhs_hint = false} : vector<2048x128xf32>, vector<128x128xf32>, vector<2048x128xf32> -> vector<2048x128xf32>
    %mul3A_49 = vector.broadcast %rsqrt3A_44 : vector<2048x1xf32> to vector<2048x128xf32>
    %mul3A_50 = arith.mulf %dot_general3A_48, %mul3A_49 : vector<2048x128xf32>
    %swap3A = arith.constant 0 : index
    %swap3A_51 = arith.constant 0 : index
    %swap3A_52 = vector.load %arg8[%swap3A, %swap3A_51] : memref<2048x128xf32, #tpu.memory_space<vmem>>, vector<2048x128xf32>
    tpu.vector_store %arg8[%swap3A, %swap3A_51], %mul3A_50 {strides = array<i32>} : memref<2048x128xf32, #tpu.memory_space<vmem>>, vector<2048x128xf32>,
    return
  }
  func.func @transform_0(%arg0: i32) -> (i32, i32) {
    %c0_i32 = arith.constant 0 : i32
    %c0_i32_0 = arith.constant 0 : i32
    return %arg0, %c0_i32 : i32, i32
  }
  func.func @transform_1(%arg0: i32) -> (i32, i32) {
    %c0_i32 = arith.constant 0 : i32
    %c0_i32_0 = arith.constant 0 : i32
    %c0_i32_1 = arith.constant 0 : i32
    return %c0_i32, %c0_i32_0 : i32, i32
  }
  func.func @transform_2(%arg0: i32) -> (i32, i32) {
    %c0_i32 = arith.constant 0 : i32
    %c0_i32_0 = arith.constant 0 : i32
    %c0_i32_1 = arith.constant 0 : i32
    return %c0_i32, %c0_i32_0 : i32, i32
  }
  func.func @transform_3(%arg0: i32) -> (i32, i32) {
    %c0_i32 = arith.constant 0 : i32
    %c0_i32_0 = arith.constant 0 : i32
    %c0_i32_1 = arith.constant 0 : i32
    return %c0_i32, %c0_i32_0 : i32, i32
  }
  func.func @transform_4(%arg0: i32) -> (i32, i32) {
    %c0_i32 = arith.constant 0 : i32
    %c0_i32_0 = arith.constant 0 : i32
    %c0_i32_1 = arith.constant 0 : i32
    return %c0_i32, %c0_i32_0 : i32, i32
  }
  func.func @transform_5(%arg0: i32) -> (i32, i32) {
    %c0_i32 = arith.constant 0 : i32
    %c0_i32_0 = arith.constant 0 : i32
    %c0_i32_1 = arith.constant 0 : i32
    return %c0_i32, %c0_i32_0 : i32, i32
  }
  func.func @transform_6(%arg0: i32) -> (i32, i32, i32) {
    %c0_i32 = arith.constant 0 : i32
    %c0_i32_0 = arith.constant 0 : i32
    %c0_i32_1 = arith.constant 0 : i32
    return %c0_i32, %arg0, %c0_i32_0 : i32, i32, i32
  }
  func.func @transform_7(%arg0: i32) -> (i32, i32) {
    %c0_i32 = arith.constant 0 : i32
    %c0_i32_0 = arith.constant 0 : i32
    return %arg0, %c0_i32 : i32, i32
  }
}

module attributes {stable_mosaic.version = 14 : i64} {
  func.func @body(%arg0: i32, %arg1: memref<2x2048x128xf32, #tpu.memory_space<vmem>>, %arg2: memref<2048x128xf32, #tpu.memory_space<vmem>>, %arg3: memref<2x2048x8xf32, #tpu.memory_space<vmem>>, %arg4: memref<1x128xf32, #tpu.memory_space<vmem>>, %arg5: memref<2048x128xf32, #tpu.memory_space<vmem>>) attributes {dimension_semantics = [#tpu.dimension_semantics<arbitrary>], iteration_bounds = array<i64: 5>, scalar_prefetch = 0 : i64, scratch_operands = 0 : i64, tpu.core_type = #tpu.core_type<tc>, window_params = [{transform_indices = @transform_0, window_bounds = array<i64: 2, 2048, 128>}, {transform_indices = @transform_1, window_bounds = array<i64: 2048, 128>}, {transform_indices = @transform_2, window_bounds = array<i64: 2, 2048, 8>}, {pipeline_mode = #tpu.pipeline_mode<synchronous>, transform_indices = @transform_3, window_bounds = array<i64: 1, 128>}, {transform_indices = @transform_4, window_bounds = array<i64: 2048, 128>}]} {
    %get3A = arith.constant 0 : index
    %get3A_0 = arith.constant 0 : index
    %get3A_1 = arith.constant 0 : index
    %get3A_2 = vector.load %arg1[%get3A, %get3A_0, %get3A_1] : memref<2x2048x128xf32, #tpu.memory_space<vmem>>, vector<2x2048x128xf32>
    %get3A_3 = arith.constant 0 : index
    %get3A_4 = arith.constant 0 : index
    %get3A_5 = arith.constant 0 : index
    %get3A_6 = vector.load %arg3[%get3A_3, %get3A_4, %get3A_5] : memref<2x2048x8xf32, #tpu.memory_space<vmem>>, vector<2x2048x8xf32>
    %slice3A = vector.extract_strided_slice %get3A_6 {offsets = [0, 0, 0], sizes = [1, 2048, 8], strides = [1, 1, 1]} : vector<2x2048x8xf32> to vector<1x2048x8xf32>
    %squeeze3A = vector.shape_cast %slice3A : vector<1x2048x8xf32> to vector<2048x8xf32>
    %slice3A_7 = vector.extract_strided_slice %squeeze3A {offsets = [0, 0], sizes = [2048, 1], strides = [1, 1]} : vector<2048x8xf32> to vector<2048x1xf32>
    %slice3A_8 = vector.extract_strided_slice %get3A_6 {offsets = [1, 0, 0], sizes = [1, 2048, 8], strides = [1, 1, 1]} : vector<2x2048x8xf32> to vector<1x2048x8xf32>
    %squeeze3A_9 = vector.shape_cast %slice3A_8 : vector<1x2048x8xf32> to vector<2048x8xf32>
    %slice3A_10 = vector.extract_strided_slice %squeeze3A_9 {offsets = [0, 0], sizes = [2048, 1], strides = [1, 1]} : vector<2048x8xf32> to vector<2048x1xf32>
    %add3A = arith.addf %slice3A_7, %slice3A_10 : vector<2048x1xf32>
    %add3A_11 = arith.constant 1.000000e+00 : f32
    %add3A_12 = vector.broadcast %add3A_11 : f32 to vector<2048x1xf32>
    %add3A_13 = arith.addf %add3A, %add3A_12 : vector<2048x1xf32>
    %rsqrt3A = math.rsqrt %add3A_13 : vector<2048x1xf32>
    %slice3A_14 = vector.extract_strided_slice %get3A_2 {offsets = [0, 0, 0], sizes = [1, 2048, 128], strides = [1, 1, 1]} : vector<2x2048x128xf32> to vector<1x2048x128xf32>
    %squeeze3A_15 = vector.shape_cast %slice3A_14 : vector<1x2048x128xf32> to vector<2048x128xf32>
    %slice3A_16 = vector.extract_strided_slice %get3A_2 {offsets = [1, 0, 0], sizes = [1, 2048, 128], strides = [1, 1, 1]} : vector<2x2048x128xf32> to vector<1x2048x128xf32>
    %squeeze3A_17 = vector.shape_cast %slice3A_16 : vector<1x2048x128xf32> to vector<2048x128xf32>
    %add3A_18 = arith.addf %squeeze3A_15, %squeeze3A_17 : vector<2048x128xf32>
    %get3A_19 = arith.constant 0 : index
    %get3A_20 = arith.constant 0 : index
    %get3A_21 = vector.load %arg2[%get3A_19, %get3A_20] : memref<2048x128xf32, #tpu.memory_space<vmem>>, vector<2048x128xf32>
    %sub3A = arith.subf %add3A_18, %get3A_21 : vector<2048x128xf32>
    %mul3A = vector.broadcast %rsqrt3A : vector<2048x1xf32> to vector<2048x128xf32>
    %mul3A_22 = arith.mulf %sub3A, %mul3A : vector<2048x128xf32>
    %get3A_23 = arith.constant 0 : index
    %get3A_24 = arith.constant 0 : index
    %get3A_25 = vector.load %arg4[%get3A_23, %get3A_24] : memref<1x128xf32, #tpu.memory_space<vmem>>, vector<1x128xf32>
    %add3A_26 = vector.broadcast %get3A_25 : vector<1x128xf32> to vector<2048x128xf32>
    %add3A_27 = arith.addf %mul3A_22, %add3A_26 : vector<2048x128xf32>
    %reduce_max3A = arith.constant dense<0xFF800000> : vector<2048xf32>
    %reduce_max3A_28 = vector.multi_reduction <maximumf>, %add3A_27, %reduce_max3A [1] : vector<2048x128xf32> to vector<2048xf32>
    %broadcast_in_dim3A = vector.shape_cast %reduce_max3A_28 : vector<2048xf32> to vector<2048x1xf32>
    %sub3A_29 = vector.broadcast %broadcast_in_dim3A : vector<2048x1xf32> to vector<2048x128xf32>
    %sub3A_30 = arith.subf %add3A_27, %sub3A_29 : vector<2048x128xf32>
    %exp3A = math.exp %sub3A_30 : vector<2048x128xf32>
    %reduce_sum3A = arith.constant dense<0.000000e+00> : vector<2048xf32>
    %reduce_sum3A_31 = vector.multi_reduction <add>, %exp3A, %reduce_sum3A [1] : vector<2048x128xf32> to vector<2048xf32>
    %broadcast_in_dim3A_32 = vector.shape_cast %reduce_sum3A_31 : vector<2048xf32> to vector<2048x1xf32>
    %log3A = math.log %broadcast_in_dim3A_32 : vector<2048x1xf32>
    %add3A_33 = arith.addf %log3A, %broadcast_in_dim3A : vector<2048x1xf32>
    %sub3A_34 = vector.broadcast %add3A_33 : vector<2048x1xf32> to vector<2048x128xf32>
    %sub3A_35 = arith.subf %add3A_27, %sub3A_34 : vector<2048x128xf32>
    %swap3A = arith.constant 0 : index
    %swap3A_36 = arith.constant 0 : index
    %swap3A_37 = vector.load %arg5[%swap3A, %swap3A_36] : memref<2048x128xf32, #tpu.memory_space<vmem>>, vector<2048x128xf32>
    tpu.vector_store %arg5[%swap3A, %swap3A_36], %sub3A_35 {strides = array<i32>} : memref<2048x128xf32, #tpu.memory_space<vmem>>, vector<2048x128xf32>,
    return
  }
  func.func @transform_0(%arg0: i32) -> (i32, i32, i32) {
    %c0_i32 = arith.constant 0 : i32
    %c0_i32_0 = arith.constant 0 : i32
    %c0_i32_1 = arith.constant 0 : i32
    return %c0_i32, %arg0, %c0_i32_0 : i32, i32, i32
  }
  func.func @transform_1(%arg0: i32) -> (i32, i32) {
    %c0_i32 = arith.constant 0 : i32
    %c0_i32_0 = arith.constant 0 : i32
    return %arg0, %c0_i32 : i32, i32
  }
  func.func @transform_2(%arg0: i32) -> (i32, i32, i32) {
    %c0_i32 = arith.constant 0 : i32
    %c0_i32_0 = arith.constant 0 : i32
    %c0_i32_1 = arith.constant 0 : i32
    return %c0_i32, %arg0, %c0_i32_0 : i32, i32, i32
  }
  func.func @transform_3(%arg0: i32) -> (i32, i32) {
    %c0_i32 = arith.constant 0 : i32
    %c0_i32_0 = arith.constant 0 : i32
    %c0_i32_1 = arith.constant 0 : i32
    return %c0_i32, %c0_i32_0 : i32, i32
  }
  func.func @transform_4(%arg0: i32) -> (i32, i32) {
    %c0_i32 = arith.constant 0 : i32
    %c0_i32_0 = arith.constant 0 : i32
    return %arg0, %c0_i32 : i32, i32
  }
}

</mosaic_0001>

<sc_bundles>
// kernel: kernel.12.cloned.1.call-start
scs
__scs_entry_jumppad:
0x0: {  	(pc) =	sbr.rel $0x88, $3  }
0x1: {  	(tag) =	ssettag $0x0;
	lr =	simm.s32 $0x1  }
0x2: {  	[smem:$0x3F95] =	sst lr;
	_ =	strace $0xD0000000  }
0x3: {  	_ = 	snop  }
0x4: {  	_ = 	snop  }
0x5: {  	_ = 	snop  }
0x6: {  	_ = 	snop  }
0x7: {  	_ = 	snop  }
__scs_overlays_trampoline_lowered:
0x8: {  	[smem:$0x3FA4] =	sst s0  }
0x9: {  	[smem:$0x3FA5] =	sst s1  }
0xa: {  	[smem:$0x3FA6] =	sst s2  }
0xb: {  	[smem:$0x3FA7] =	sst s3  }
0xc: {  	[smem:$0x3FA8] =	sst s4  }
0xd: {  	[smem:$0x3FA9] =	sst s5  }
0xe: {  	[smem:$0x3FAA] =	sst s6  }
0xf: {  	[smem:$0x3FAB] =	sst s7  }
0x10: {  	[smem:$0x3FAC] =	sst s8  }
0x11: {  	[smem:$0x3FAD] =	sst s9;
	s0 =	simm.s32 @!p0 $0x0  }
0x12: {  	s1 =	sld [smem:$0x3F93];
	s0 =	simm.s32 @p0 $0x1  }
0x13: {  	[smem:$0x3FAE] =	sst s0;
	s0 =	simm.s32 @!p1 $0x0  }
0x14: {  	s2 =	sld [smem:$0x3F92];
	s0 =	simm.s32 @p1 $0x1  }
0x15: {  	[smem:$0x3FAF] =	sst s0;
	s0 =	simm.s32 @!p2 $0x0  }
0x16: {  	s3 =	sld [smem:$0x3FDB];
	s0 =	simm.s32 @p2 $0x1  }
0x17: {  	s4 =	simm.s32 $0x1BF5;
	[smem:$0x3FB1] =	sst s0  }
0x18: {  	s0 =	sld [smem:$0x3F94];
	_ =	swait.ge [sflag:s4], $0x0  }
0x19: {  	s7 =	sld [smem:$0x3F95]  }
0x1a: {  	s8 =	sadd.s32 $0xFFFFE003, lr  }
0x1b: {  	s9 =	sadd.s32 $0xFFFFFEF7, lr;
	s5 =	simm.s32 $0xFFFFFFFF;
	p2 =	slt.u32 s8, $0xFFFFF086  }
0x1c: {  	p1 =	slt.u32 s9, $0xF7A;
	s5 =	simm.s32 @!p2 $0x0  }
0x1d: {  	s5 =	simm.s32 @p1 $0x1;
	p0 =	seq.s32 s7, s2  }
0x1e: {  	s7 =	smul.u32 @!p0 $0xF7A, s2;
	p2 =	seq.s32 @!p0 s5, $0x0  }
0x1f: {  	s9 =	smul.u32 $0xF7A, s1;
	s8 =	simm.s32 @!p0 $0x1BF5;
	p2 =	por !p2, p0  }
0x20: {  	[sflag:s8] =	ssyncset.s32 @!p0 $0xFFFFF086;
	s6 =	sadd.s32 @!p0 s3, s7;
	s7 =	simm.s32 @!p0 $0x108  }
0x21: {  	s3 =	sadd.s32 s3, s9;
	s6 =	sadd.s32 @!p0 $0x88, s6;
	s7 =	simm.s32 @p2 $0x1082  }
0x22: {  	[simem:s7], [sflag:s8] =	dma.local @!p0 [hbm:s6], $0xF7A  }
0x23: {  	s9 =	sor.u32 $0xD0000000, s2;
	s6 =	simm.s32 $0x108;
	_ =	swait.ge @!p0 [sflag:s8], $0x0  }
0x24: {  	s3 =	sadd.s32 $0x88, s3;
	s6 =	simm.s32 @!p1 $0x1082;
	[sflag:s4] =	ssyncset.s32 $0xFFFFF086  }
0x25: {  	[simem:s6], [sflag:s4] =	dma.local [hbm:s3], $0xF7A  }
0x26: {  	[smem:$0x3F95] =	sst s1;
	(tag) =	ssettag s2;
	_ =	strace s9  }
0x27: {  	s1 =	sld [smem:$0x3FA5]  }
0x28: {  	s2 =	sld [smem:$0x3FA6]  }
0x29: {  	s4 =	sld [smem:$0x3FA8]  }
0x2a: {  	p0 =	seq.s32 s5, $0x0;
	s5 =	sld [smem:$0x3FA9]  }
0x2b: {  	s6 =	sld [smem:$0x3FAA]  }
0x2c: {  	s7 =	sld [smem:$0x3FAB]  }
0x2d: {  	s3 =	simm.s32 $0x108;
	s8 =	sld [smem:$0x3FAC]  }
0x2e: {  	s3 =	simm.s32 @!p0 $0x1082;
	s9 =	sld [smem:$0x3FAD]  }
0x2f: {  	lr =	sadd.s32 s0, s3;
	s0 =	sld [smem:$0x3FA4]  }
0x30: {  	s3 =	sld [smem:$0x3FA7]  }
0x31: {  	[smem:$0x3FB0] =	sst s10  }
0x32: {  	s10 =	sld [smem:$0x3FAE];
	_ =	sdelay $0x3  }
0x33: {  	p0 =	seq.s32 s10, $0x1;
	s10 =	sld [smem:$0x3FB0];
	_ =	sdelay $0x3  }
0x34: {  	[smem:$0x3FB0] =	sst s10  }
0x35: {  	s10 =	sld [smem:$0x3FAF];
	_ =	sdelay $0x3  }
0x36: {  	p1 =	seq.s32 s10, $0x1;
	s10 =	sld [smem:$0x3FB0];
	_ =	sdelay $0x3  }
0x37: {  	[smem:$0x3FB0] =	sst s10  }
0x38: {  	s10 =	sld [smem:$0x3FB1]  }
0x39: {  	_ = 	snop;
	(pc) =	sbr.ind lr, $3  }
0x3a: {  	_ = 	snop  }
0x3b: {  	_ = 	snop  }
0x3c: {  	p2 =	seq.s32 s10, $0x1;
	s10 =	sld [smem:$0x3FB0]  }
0x3d: {  	_ =	shalt  }
0x3e: {  	_ =	shalt  }
0x3f: {  	_ =	shalt  }
0x40: {  	_ =	shalt  }
0x41: {  	_ =	shalt  }
0x42: {  	_ =	shalt  }
0x43: {  	_ =	shalt  }
0x44: {  	_ =	shalt  }
0x45: {  	_ =	shalt  }
0x46: {  	_ =	shalt  }
0x47: {  	_ =	shalt  }
0x48: {  	_ =	shalt  }
0x49: {  	_ =	shalt  }
0x4a: {  	_ =	shalt  }
0x4b: {  	_ =	shalt  }
0x4c: {  	_ =	shalt  }
0x4d: {  	_ =	shalt  }
0x4e: {  	_ =	shalt  }
0x4f: {  	_ =	shalt  }
0x50: {  	_ =	shalt  }
0x51: {  	_ =	shalt  }
0x52: {  	_ =	shalt  }
0x53: {  	_ =	shalt  }
0x54: {  	_ =	shalt  }
0x55: {  	_ =	shalt  }
0x56: {  	_ =	shalt  }
0x57: {  	_ =	shalt  }
0x58: {  	_ =	shalt  }
0x59: {  	_ =	shalt  }
0x5a: {  	_ =	shalt  }
0x5b: {  	_ =	shalt  }
0x5c: {  	_ =	shalt  }
0x5d: {  	_ =	shalt  }
0x5e: {  	_ =	shalt  }
0x5f: {  	_ =	shalt  }
0x60: {  	_ =	shalt  }
0x61: {  	_ =	shalt  }
0x62: {  	_ =	shalt  }
0x63: {  	_ =	shalt  }
0x64: {  	_ =	shalt  }
0x65: {  	_ =	shalt  }
0x66: {  	_ =	shalt  }
0x67: {  	_ =	shalt  }
0x68: {  	_ =	shalt  }
0x69: {  	_ =	shalt  }
0x6a: {  	_ =	shalt  }
0x6b: {  	_ =	shalt  }
0x6c: {  	_ =	shalt  }
0x6d: {  	_ =	shalt  }
0x6e: {  	_ =	shalt  }
0x6f: {  	_ =	shalt  }
0x70: {  	_ =	shalt  }
0x71: {  	_ =	shalt  }
0x72: {  	_ =	shalt  }
0x73: {  	_ =	shalt  }
0x74: {  	_ =	shalt  }
0x75: {  	_ =	shalt  }
0x76: {  	_ =	shalt  }
0x77: {  	_ =	shalt  }
0x78: {  	_ =	shalt  }
0x79: {  	_ =	shalt  }
0x7a: {  	_ =	shalt  }
0x7b: {  	_ =	shalt  }
0x7c: {  	_ =	shalt  }
0x7d: {  	_ =	shalt  }
0x7e: {  	_ =	shalt  }
0x7f: {  	_ =	shalt  }
0x80: {  	_ =	shalt  }
0x81: {  	_ =	shalt  }
0x82: {  	_ =	shalt  }
0x83: {  	_ =	shalt  }
0x84: {  	_ =	shalt  }
0x85: {  	_ =	shalt  }
0x86: {  	_ =	shalt  }
0x87: {  	_ =	shalt  }
.Lfunc_end0:
.L_simem_size_0:
called_computation_lowered:
.L_overlay_start_0:
0x88: {  	s2 =	sld [smem:$0x3FD9]  }
0x89: {  	s3 =	sld [smem:$0x3FFE];
	_ =	sdelay $0x1  }
0x8a: {  	s1 =	srdreg.scid  }
0x8b: {  	s0 =	sand.u32 $0x1, s1  }
0x8c: {  	s16 =	sshll.u32 s0, $0xA;
	s2 =	sadd.s32 s3, s2  }
0x8d: {  	s2 =	sadd.s32 s2, s16  }
0x8e: {  	[smem:$0x3FBC] =	sst s2  }
0x8f: {  	_ = 	snop  }
0x90: {  	(tm) =	ssettm $0x1  }
0x91: {  	s17 =	sld [smem:$0x3FFB];
	_ =	sdelay $0x3  }
0x92: {  	_ =	strace s17  }
0x93: {  	s2 =	sld [smem:$0x3FFC];
	_ =	sdelay $0x3  }
0x94: {  	_ =	strace s2  }
0x95: {  	s2 =	sld [smem:$0x3FFD];
	_ =	sdelay $0x3  }
0x96: {  	_ =	strace s2  }
0x97: {  	_ =	strace $0x8FFFFFFF  }
0x98: {  	s18 =	sld [smem:$0x3FDB];
	_ =	sdelay $0x1  }
0x99: {  	s19 =	simm.s32 $_scs_section_size  }
0x9a: {  	s4 =	simm.s32 $_size__tile_overlayer_lowered;
	s5 =	simm.s32 $_tile_overlayer_lowered  }
0x9b: {  	s22 =	simm.s32 $0x1BFF;
	s21 =	sshll.u32 s5, $0x1;
	s2 =	sadd.s32 s19, s18  }
0x9c: {  	s6 =	simm.s32 $0x0;
	s20 =	sshll.u32 s4, $0x1;
	s4 =	sadd.s32 s21, s2  }
0x9d: {  	[timem:s6], [sflag:s22] =	dma.local [hbm:s4], s20  }
0x9e: {  	_ =	swait.ge [sflag:s22], s20  }
0x9f: {  	s3 =	ssub.s32 $0x0, s20;
	[sflag:s22] =	ssyncset.done $0x0  }
0xa0: {  	[sflag:s22] =	ssyncadd.s32 s3;
	_ =	sdelay $0x1  }
0xa1: {  	s23 =	simm.s32 $0x1B8B  }
0xa2: {  	_ =	swait.ge [sflag:s23], $0x1  }
0xa3: {  	[sflag:s23] =	ssyncset.done $0x0  }
0xa4: {  	s25 =	simm.s32 $0x1B8E;
	s24 =	sld [smem:$0x3FFE];
	[sflag:s23] =	ssyncadd.s32 $0xFFFFFFFF  }
0xa5: {  	s26 =	simm.s32 $execute0_lowered;
	[smem:$0x3FD2] =	sst s25  }
0xa6: {  	s4 =	sshll.u32 s26, $0x1;
	_ =	strace $0x80000046;
	[dreg:$0x1] =	wrdreg $0xFFFFFFFF  }
0xa7: {  	s28 =	simm.s32 $_size_execute0_lowered;
	s2 =	sadd.s32 s2, s4;
	[dreg:$0x0] =	wrdreg $0x0  }
0xa8: {  	s4 =	sshll.u32 s28, $0x1;
	[dreg:$0x2] =	wrdreg s2  }
0xa9: {  	[dreg:$0x3] =	wrdreg s4  }
0xaa: {  	[dreg:$0x4] =	wrdreg $0xC0  }
0xab: {  	_ =	task [dreg:s6], $0x5FFFF  }
0xac: {  	[dreg:$0x1] =	wrdreg $0xFFFFFFFF  }
0xad: {  	[dreg:$0x0] =	wrdreg $0x60  }
0xae: {  	[dreg:$0x2] =	wrdreg s24  }
0xaf: {  	[dreg:$0x3] =	wrdreg $0x68000  }
0xb0: {  	[dreg:$0x4] =	wrdreg $0x9  }
0xb1: {  	_ =	task.clear_ibuf [dreg:s6], $0x5FFFF;
	_ =	strace $0x90000046  }
0xb2: {  	s29 =	simm.s32 $0x9;
	_ =	strace $0x80000048  }
0xb3: {  	_ =	swait.ge [sflag:s29], $0x1  }
0xb4: {  	[sflag:s29] =	ssyncadd.s32 $0xFFFFFFFF  }
0xb5: {  	_ =	strace $0x90000048  }
0xb6: {  	_ =	sfence  }
0xb7: {  	s30 =	sld [smem:$0x0];
	_ =	sdelay $0x2  }
0xb8: {  	s31 =	sshll.u32 s1, $0xD;
	s1 =	sshrl.u32 s1, $0x2  }
0xb9: {  	s3 =	sand.u32 $0x4000, s31;
	s1 =	sadd.s32 s1, s30  }
0xba: {  	s0 =	sor.u32 s3, s0;
	s1 =	sshll.u32 s1, $0x11  }
0xbb: {  	s0 =	sor.u32 s1, s0  }
0xbc: {  	s0 =	sadd.s32 $0x8F2B, s0  }
0xbd: {  	[sflag:s0] =	ssyncadd.remote.s32 $0x1  }
0xbe: {  	_ =	sfence.sel $0xFFFF  }
0xbf: {  	[dreg:$0x0] =	wrdreg $0xFFFFFFFF;
	(pc) =	sbr.abs _section_cstart, $3  }
0xc0: {  	[dreg:$0x1] =	wrdreg $0xFFFFFFFF  }
0xc1: {  	_ =	task.clear_ibuf [dreg:s6], $0x2FFFF;
	_ =	strace $0x9FFFFFFF  }
0xc2: {  	(tm) =	ssettm $0x7FFFFFFF  }
0xc3: {  	_ =	shalt  }
tec
execute0_lowered:
.L_overlay_start_1:
0x0: {  	(tag) =	ssettag $0x1  }
0x1: {  	s5 =	rddreg [dreg:$0x0]  }
0x2: {  	s2 =	rddreg [dreg:$0x1]  }
0x3: {  	s0 =	rddreg [dreg:$0x2]  }
0x4: {  	s1 =	stileid.u32;
	s4 =	srdreg.scid  }
0x5: {  	s3 =	simm.s32 $0x0;
	s14 =	simm.s32 $0x0;
	s6 =	smul.u32 $0x14000, s1  }
0x6: {  	s7 =	sand.u32 $0x1, s4;
	[smem:$0x7FF] =	sst s3;
	s24 =	sshll.u32 s1, $0xB  }
0x7: {  	s4 =	sadd.s32 $0x16200, s5;
	s25 =	smul.u32 $0x50000, s1;
	s30 =	sshll.u32 s1, $0x6  }
0x8: {  	s8 =	smul.u32 $0x140000, s7;
	_ =	strace $0x80000047;
	s9 =	sadd.s32 s24, s5  }
0x9: {  	s11 =	ssub.s32 $0x2, s7;
	s29 =	sshll.u32 s7, $0xF;
	s10 =	sshrl.u32 s6, $0x3  }
0xa: {  	s26 =	sshrl.u32 s11, $0x1;
	s28 =	sshrl.u32 s25, $0x2;
	s31 =	sadd.s32 s29, s9  }
0xb: {  	s6 =	sadd.s32 s6, s8;
	s10 =	sadd.s32 s10, s5;
	s11 =	ssub.s32 s11, s26  }
0xc: {  	s13 =	sadd.s32 s28, s2;
	s7 =	sadd.s32 $0x6200, s31;
	s6 =	sshrl.u32 s6, $0x3  }
0xd: {  	s9 =	smax.u32 s11, $0x1;
	s11 =	simm.s32 $0x1;
	s12 =	sadd.s32 s6, s5  }
0xe: {  	s5 =	sadd.s32 $0x16800, s10;
	s6 =	sor.u32 $0x1C01, s30;
	s10 =	sshrl.u32 s13, $0x3  }
0xf: {  	s13 =	simm.s32 $0x50;
	s8 =	sadd.s32 $0x3E800, s12;
	s12 =	simm.s32 $0x4000  }
.LBB2_1:
0x10: {  	[spmem:s10], [sflag:s6] =	dma.local [hbm:s5], $0x2800  }
0x11: {  	_ =	swait.ge [sflag:s11], $0x2800  }
0x12: {  	[sflag:s11] =	ssyncset.done $0x0  }
0x13: {  	[sflag:s11] =	ssyncadd.s32 $0xFFFFD800  }
0x14: {  	[tilespmem:s12], [sflag:$0x1] =	stream.linear.gather [hbm4b:s4+s3], $0x2800, $0x38;
	[tilespmem:$0x1A800] =	vst v63  }
0x15: {  	_ =	swait.ge [sflag:s11], $0x2800  }
0x16: {  	[sflag:s11] =	ssyncset.done $0x0  }
0x17: {  	[sflag:s11] =	ssyncadd.s32 $0xFFFFD800  }
0x18: {  	[tilespmem:s3], [sflag:$0x1] =	stream.linear.gather [hbm4b:s7+s3], $0x3E80, $0x38;
	[tilespmem:$0x1A800] =	vst v63  }
0x19: {  	_ =	swait.ge [sflag:s11], $0x3E80  }
0x1a: {  	[sflag:s11] =	ssyncset.done $0x0  }
0x1b: {  	[sflag:s11] =	ssyncadd.s32 $0xFFFFC180  }
0x1c: {  	s15 =	simm.s32 $0x0;
	[bflag:$0x0] =	sbarrier.arrive $0xFFFF  }
0x1d: {  	[spmem:s2] =	stream.indirect.scatter.add.f32 [tilespmem:s12], [sflag:$0x1], $0x80, s15, s13, $0xb8;
	[tilespmem:$0x1A800] =	vst v63  }
0x1e: {  	_ =	swait.ge [sflag:s11], $0x2800  }
0x1f: {  	s15 =	simm.s32 $0x200;
	[sflag:s11] =	ssyncset.done $0x0  }
.LBB2_2:
0x20: {  	s16 =	sshra.s32 s15, $0x2;
	[sflag:s11] =	ssyncadd.s32 $0xFFFFD800;
	p0 =	sne.s32 s15, $0xF800  }
0x21: {  	[spmem:s2] =	stream.indirect.scatter.add.f32 [tilespmem:s12], [sflag:$0x1], $0x80, s16, s13, $0xb8;
	[tilespmem:$0x1A800] =	vst v63  }
.Ltmp0:
0x22: {  	_ = 	snop;
	(pc) =	sbr.rel @p0 .LBB2_2-.Ltmp0, $4  }
0x23: {  	_ = 	snop  }
0x24: {  	s15 =	sadd.s32 $0x200, s15  }
0x25: {  	_ =	swait.ge [sflag:s11], $0x2800  }
0x26: {  	[sflag:s11] =	ssyncset.done $0x0  }
0x27: {  	s14 =	sadd.s32 $0x1, s14  }
0x28: {  	[sflag:s11] =	ssyncadd.s32 $0xFFFFD800;
	p0 =	sne.s32 s14, s9  }
.Ltmp1:
0x29: {  	[bflag:$0x0] =	sbarrier.arrive $0xFFFF;
	(pc) =	sbr.rel @p0 .LBB2_1-.Ltmp1, $4  }
0x2a: {  	[hbm:s8], [sflag:s6] =	dma.local [spmem:s10], $0x2800  }
0x2b: {  	_ =	swait.ge [sflag:s11], $0x2800  }
0x2c: {  	[sflag:s11] =	ssyncset.done $0x0  }
0x2d: {  	[sflag:s11] =	ssyncadd.s32 $0xFFFFD800  }
0x2e: {  	_ =	sfence.sel $0x180000  }
0x2f: {  	[bflag:$0x0] =	sbarrier.arrive $0xFFFF  }
0x30: {  	p0 =	sne.s32 s1, $0x0;
	_ =	strace $0x90000047  }
0x31: {  	s0 =	sadd.s32 @!p0 $0x100000, s0;
	[bflag:$0x2] =	sbarrier.arrive $0xFFFF  }
0x32: {  	[sflag:s0] =	ssyncadd.tile.s32 @!p0 $0x1;
	_ =	shalt  }
.Lfunc_end2:
_tile_overlayer_lowered:
.L_overlay_start_2:
0x33: {  	(tag) =	ssettag $0x2  }
0x34: {  	s0 =	rddreg [dreg:$0x0];
	s2 =	stileid.u32  }
0x35: {  	s1 =	rddreg [dreg:$0x1];
	p0 =	sne.s32 s2, $0x0  }
0x36: {  	s3 =	rddreg [dreg:$0x2];
	[bflag:$0x3] =	sbarrier.arrive $0xFFFF;
	s2 =	simm.s32 @!p0 $0x1C01  }
0x37: {  	[timem:s3], [sflag:s2] =	dma.local @!p0 [hbm:s0], s1  }
0x38: {  	s0 =	simm.s32 @!p0 $0x1  }
0x39: {  	_ =	swait.ge @!p0 [sflag:s0], s1  }
0x3a: {  	s1 =	ssub.s32 @!p0 $0x0, s1;
	[sflag:s0] =	ssyncset.done @!p0 $0x0  }
0x3b: {  	[sflag:s0] =	ssyncadd.s32 @!p0 s1  }
0x3c: {  	[bflag:$0x3] =	sbarrier.arrive $0xFFFF  }
0x3d: {  	_ =	shalt  }

// kernel: kernel.15.cloned.1.call-start
scs
__scs_entry_jumppad:
0x0: {  	(pc) =	sbr.rel $0x88, $3  }
0x1: {  	(tag) =	ssettag $0x0;
	lr =	simm.s32 $0x1  }
0x2: {  	[smem:$0x3F95] =	sst lr;
	_ =	strace $0xD0000000  }
0x3: {  	_ = 	snop  }
0x4: {  	_ = 	snop  }
0x5: {  	_ = 	snop  }
0x6: {  	_ = 	snop  }
0x7: {  	_ = 	snop  }
__scs_overlays_trampoline_lowered:
0x8: {  	[smem:$0x3FA4] =	sst s0  }
0x9: {  	[smem:$0x3FA5] =	sst s1  }
0xa: {  	[smem:$0x3FA6] =	sst s2  }
0xb: {  	[smem:$0x3FA7] =	sst s3  }
0xc: {  	[smem:$0x3FA8] =	sst s4  }
0xd: {  	[smem:$0x3FA9] =	sst s5  }
0xe: {  	[smem:$0x3FAA] =	sst s6  }
0xf: {  	[smem:$0x3FAB] =	sst s7  }
0x10: {  	[smem:$0x3FAC] =	sst s8  }
0x11: {  	[smem:$0x3FAD] =	sst s9;
	s0 =	simm.s32 @!p0 $0x0  }
0x12: {  	s1 =	sld [smem:$0x3F93];
	s0 =	simm.s32 @p0 $0x1  }
0x13: {  	[smem:$0x3FAE] =	sst s0;
	s0 =	simm.s32 @!p1 $0x0  }
0x14: {  	s2 =	sld [smem:$0x3F92];
	s0 =	simm.s32 @p1 $0x1  }
0x15: {  	[smem:$0x3FAF] =	sst s0;
	s0 =	simm.s32 @!p2 $0x0  }
0x16: {  	s3 =	sld [smem:$0x3FDB];
	s0 =	simm.s32 @p2 $0x1  }
0x17: {  	s4 =	simm.s32 $0x1BF5;
	[smem:$0x3FB1] =	sst s0  }
0x18: {  	s0 =	sld [smem:$0x3F94];
	_ =	swait.ge [sflag:s4], $0x0  }
0x19: {  	s7 =	sld [smem:$0x3F95]  }
0x1a: {  	s8 =	sadd.s32 $0xFFFFE003, lr  }
0x1b: {  	s9 =	sadd.s32 $0xFFFFFEF7, lr;
	s5 =	simm.s32 $0xFFFFFFFF;
	p2 =	slt.u32 s8, $0xFFFFF086  }
0x1c: {  	p1 =	slt.u32 s9, $0xF7A;
	s5 =	simm.s32 @!p2 $0x0  }
0x1d: {  	s5 =	simm.s32 @p1 $0x1;
	p0 =	seq.s32 s7, s2  }
0x1e: {  	s7 =	smul.u32 @!p0 $0xF7A, s2;
	p2 =	seq.s32 @!p0 s5, $0x0  }
0x1f: {  	s9 =	smul.u32 $0xF7A, s1;
	s8 =	simm.s32 @!p0 $0x1BF5;
	p2 =	por !p2, p0  }
0x20: {  	[sflag:s8] =	ssyncset.s32 @!p0 $0xFFFFF086;
	s6 =	sadd.s32 @!p0 s3, s7;
	s7 =	simm.s32 @!p0 $0x108  }
0x21: {  	s3 =	sadd.s32 s3, s9;
	s6 =	sadd.s32 @!p0 $0x88, s6;
	s7 =	simm.s32 @p2 $0x1082  }
0x22: {  	[simem:s7], [sflag:s8] =	dma.local @!p0 [hbm:s6], $0xF7A  }
0x23: {  	s9 =	sor.u32 $0xD0000000, s2;
	s6 =	simm.s32 $0x108;
	_ =	swait.ge @!p0 [sflag:s8], $0x0  }
0x24: {  	s3 =	sadd.s32 $0x88, s3;
	s6 =	simm.s32 @!p1 $0x1082;
	[sflag:s4] =	ssyncset.s32 $0xFFFFF086  }
0x25: {  	[simem:s6], [sflag:s4] =	dma.local [hbm:s3], $0xF7A  }
0x26: {  	[smem:$0x3F95] =	sst s1;
	(tag) =	ssettag s2;
	_ =	strace s9  }
0x27: {  	s1 =	sld [smem:$0x3FA5]  }
0x28: {  	s2 =	sld [smem:$0x3FA6]  }
0x29: {  	s4 =	sld [smem:$0x3FA8]  }
0x2a: {  	p0 =	seq.s32 s5, $0x0;
	s5 =	sld [smem:$0x3FA9]  }
0x2b: {  	s6 =	sld [smem:$0x3FAA]  }
0x2c: {  	s7 =	sld [smem:$0x3FAB]  }
0x2d: {  	s3 =	simm.s32 $0x108;
	s8 =	sld [smem:$0x3FAC]  }
0x2e: {  	s3 =	simm.s32 @!p0 $0x1082;
	s9 =	sld [smem:$0x3FAD]  }
0x2f: {  	lr =	sadd.s32 s0, s3;
	s0 =	sld [smem:$0x3FA4]  }
0x30: {  	s3 =	sld [smem:$0x3FA7]  }
0x31: {  	[smem:$0x3FB0] =	sst s10  }
0x32: {  	s10 =	sld [smem:$0x3FAE];
	_ =	sdelay $0x3  }
0x33: {  	p0 =	seq.s32 s10, $0x1;
	s10 =	sld [smem:$0x3FB0];
	_ =	sdelay $0x3  }
0x34: {  	[smem:$0x3FB0] =	sst s10  }
0x35: {  	s10 =	sld [smem:$0x3FAF];
	_ =	sdelay $0x3  }
0x36: {  	p1 =	seq.s32 s10, $0x1;
	s10 =	sld [smem:$0x3FB0];
	_ =	sdelay $0x3  }
0x37: {  	[smem:$0x3FB0] =	sst s10  }
0x38: {  	s10 =	sld [smem:$0x3FB1]  }
0x39: {  	_ = 	snop;
	(pc) =	sbr.ind lr, $3  }
0x3a: {  	_ = 	snop  }
0x3b: {  	_ = 	snop  }
0x3c: {  	p2 =	seq.s32 s10, $0x1;
	s10 =	sld [smem:$0x3FB0]  }
0x3d: {  	_ =	shalt  }
0x3e: {  	_ =	shalt  }
0x3f: {  	_ =	shalt  }
0x40: {  	_ =	shalt  }
0x41: {  	_ =	shalt  }
0x42: {  	_ =	shalt  }
0x43: {  	_ =	shalt  }
0x44: {  	_ =	shalt  }
0x45: {  	_ =	shalt  }
0x46: {  	_ =	shalt  }
0x47: {  	_ =	shalt  }
0x48: {  	_ =	shalt  }
0x49: {  	_ =	shalt  }
0x4a: {  	_ =	shalt  }
0x4b: {  	_ =	shalt  }
0x4c: {  	_ =	shalt  }
0x4d: {  	_ =	shalt  }
0x4e: {  	_ =	shalt  }
0x4f: {  	_ =	shalt  }
0x50: {  	_ =	shalt  }
0x51: {  	_ =	shalt  }
0x52: {  	_ =	shalt  }
0x53: {  	_ =	shalt  }
0x54: {  	_ =	shalt  }
0x55: {  	_ =	shalt  }
0x56: {  	_ =	shalt  }
0x57: {  	_ =	shalt  }
0x58: {  	_ =	shalt  }
0x59: {  	_ =	shalt  }
0x5a: {  	_ =	shalt  }
0x5b: {  	_ =	shalt  }
0x5c: {  	_ =	shalt  }
0x5d: {  	_ =	shalt  }
0x5e: {  	_ =	shalt  }
0x5f: {  	_ =	shalt  }
0x60: {  	_ =	shalt  }
0x61: {  	_ =	shalt  }
0x62: {  	_ =	shalt  }
0x63: {  	_ =	shalt  }
0x64: {  	_ =	shalt  }
0x65: {  	_ =	shalt  }
0x66: {  	_ =	shalt  }
0x67: {  	_ =	shalt  }
0x68: {  	_ =	shalt  }
0x69: {  	_ =	shalt  }
0x6a: {  	_ =	shalt  }
0x6b: {  	_ =	shalt  }
0x6c: {  	_ =	shalt  }
0x6d: {  	_ =	shalt  }
0x6e: {  	_ =	shalt  }
0x6f: {  	_ =	shalt  }
0x70: {  	_ =	shalt  }
0x71: {  	_ =	shalt  }
0x72: {  	_ =	shalt  }
0x73: {  	_ =	shalt  }
0x74: {  	_ =	shalt  }
0x75: {  	_ =	shalt  }
0x76: {  	_ =	shalt  }
0x77: {  	_ =	shalt  }
0x78: {  	_ =	shalt  }
0x79: {  	_ =	shalt  }
0x7a: {  	_ =	shalt  }
0x7b: {  	_ =	shalt  }
0x7c: {  	_ =	shalt  }
0x7d: {  	_ =	shalt  }
0x7e: {  	_ =	shalt  }
0x7f: {  	_ =	shalt  }
0x80: {  	_ =	shalt  }
0x81: {  	_ =	shalt  }
0x82: {  	_ =	shalt  }
0x83: {  	_ =	shalt  }
0x84: {  	_ =	shalt  }
0x85: {  	_ =	shalt  }
0x86: {  	_ =	shalt  }
0x87: {  	_ =	shalt  }
.Lfunc_end0:
.L_simem_size_0:
called_computation.1_lowered:
.L_overlay_start_0:
0x88: {  	s2 =	sld [smem:$0x3FD9]  }
0x89: {  	s3 =	sld [smem:$0x3FFE];
	_ =	sdelay $0x1  }
0x8a: {  	s1 =	srdreg.scid  }
0x8b: {  	s0 =	sand.u32 $0x1, s1  }
0x8c: {  	s17 =	sshll.u32 s0, $0xA;
	s2 =	sadd.s32 s3, s2  }
0x8d: {  	s2 =	sadd.s32 s2, s17  }
0x8e: {  	[smem:$0x3FBC] =	sst s2  }
0x8f: {  	_ = 	snop  }
0x90: {  	s2 =	sld [smem:$0x3FD0];
	(tm) =	ssettm $0x1  }
0x91: {  	s18 =	sld [smem:$0x3FFB];
	_ =	sdelay $0x3  }
0x92: {  	_ =	strace s18  }
0x93: {  	s3 =	sld [smem:$0x3FFC];
	_ =	sdelay $0x3  }
0x94: {  	_ =	strace s3  }
0x95: {  	s3 =	sld [smem:$0x3FFD];
	_ =	sdelay $0x3  }
0x96: {  	_ =	strace s3  }
0x97: {  	_ =	strace $0x8FFFFFFF  }
0x98: {  	s19 =	sld [smem:$0x3FDB];
	_ =	sdelay $0x1  }
0x99: {  	s4 =	simm.s32 $_scs_section_size  }
0x9a: {  	s5 =	simm.s32 $_size__tile_overlayer_lowered;
	s6 =	simm.s32 $_tile_overlayer_lowered  }
0x9b: {  	s22 =	simm.s32 $0x1BFF;
	s21 =	sshll.u32 s6, $0x1;
	s3 =	sadd.s32 s4, s19  }
0x9c: {  	s7 =	simm.s32 $0x0;
	s20 =	sshll.u32 s5, $0x1;
	s5 =	sadd.s32 s21, s3  }
0x9d: {  	[timem:s7], [sflag:s22] =	dma.local [hbm:s5], s20  }
0x9e: {  	_ =	swait.ge [sflag:s22], s20  }
0x9f: {  	s4 =	ssub.s32 $0x0, s20;
	[sflag:s22] =	ssyncset.done $0x0  }
0xa0: {  	[sflag:s22] =	ssyncadd.s32 s4;
	_ =	sdelay $0x1  }
0xa1: {  	s23 =	simm.s32 $0x1B8B  }
0xa2: {  	_ =	swait.ge [sflag:s23], $0x1  }
0xa3: {  	[sflag:s23] =	ssyncset.done $0x0  }
0xa4: {  	s25 =	simm.s32 $0x1B8E;
	s24 =	sld [smem:$0x3FFE];
	[sflag:s23] =	ssyncadd.s32 $0xFFFFFFFF  }
0xa5: {  	s26 =	simm.s32 $execute0_lowered;
	[smem:$0x3FD2] =	sst s25  }
0xa6: {  	s5 =	sshll.u32 s26, $0x1;
	_ =	strace $0x80000049;
	[dreg:$0x1] =	wrdreg $0xFFFFFFFF  }
0xa7: {  	s28 =	simm.s32 $_size_execute0_lowered;
	s3 =	sadd.s32 s3, s5;
	[dreg:$0x0] =	wrdreg $0x0  }
0xa8: {  	s5 =	sshll.u32 s28, $0x1;
	[dreg:$0x2] =	wrdreg s3  }
0xa9: {  	[dreg:$0x3] =	wrdreg s5  }
0xaa: {  	[dreg:$0x4] =	wrdreg $0xC0  }
0xab: {  	_ =	task [dreg:s7], $0x5FFFF  }
0xac: {  	[dreg:$0x1] =	wrdreg $0xFFFFFFFF  }
0xad: {  	[dreg:$0x0] =	wrdreg $0x60  }
0xae: {  	[dreg:$0x2] =	wrdreg s24  }
0xaf: {  	[dreg:$0x3] =	wrdreg s2  }
0xb0: {  	[dreg:$0x4] =	wrdreg $0x52000  }
0xb1: {  	[dreg:$0x5] =	wrdreg $0x9  }
0xb2: {  	_ =	task.clear_ibuf [dreg:s7], $0x6FFFF;
	_ =	strace $0x90000049  }
0xb3: {  	s29 =	simm.s32 $0x9;
	_ =	strace $0x8000004B  }
0xb4: {  	_ =	swait.ge [sflag:s29], $0x1  }
0xb5: {  	[sflag:s29] =	ssyncadd.s32 $0xFFFFFFFF  }
0xb6: {  	_ =	strace $0x9000004B  }
0xb7: {  	_ =	sfence  }
0xb8: {  	s30 =	sld [smem:$0x0];
	_ =	sdelay $0x2  }
0xb9: {  	s31 =	sshll.u32 s1, $0xD;
	s1 =	sshrl.u32 s1, $0x2  }
0xba: {  	s3 =	sand.u32 $0x4000, s31;
	s1 =	sadd.s32 s1, s30  }
0xbb: {  	s0 =	sor.u32 s3, s0;
	s1 =	sshll.u32 s1, $0x11  }
0xbc: {  	s0 =	sor.u32 s1, s0  }
0xbd: {  	s0 =	sadd.s32 $0x8F2B, s0  }
0xbe: {  	[sflag:s0] =	ssyncadd.remote.s32 $0x1  }
0xbf: {  	_ =	sfence.sel $0xFFFF  }
0xc0: {  	[dreg:$0x0] =	wrdreg $0xFFFFFFFF;
	(pc) =	sbr.abs _section_cstart, $3  }
0xc1: {  	[dreg:$0x1] =	wrdreg $0xFFFFFFFF  }
0xc2: {  	_ =	task.clear_ibuf [dreg:s7], $0x2FFFF;
	_ =	strace $0x9FFFFFFF  }
0xc3: {  	(tm) =	ssettm $0x7FFFFFFF  }
tec
execute0_lowered:
.L_overlay_start_1:
0x0: {  	(tag) =	ssettag $0x1  }
0x1: {  	s6 =	rddreg [dreg:$0x0]  }
0x2: {  	s2 =	rddreg [dreg:$0x1];
	s1 =	srdreg.scid  }
0x3: {  	s0 =	stileid.u32;
	s3 =	rddreg [dreg:$0x2];
	s4 =	simm.s32 $0x0  }
0x4: {  	s18 =	simm.s32 $0x1;
	s19 =	simm.s32 $0x50;
	s8 =	smul.u32 $0x14000, s0  }
0x5: {  	s20 =	simm.s32 $0x200;
	s28 =	simm.s32 $0x0;
	s12 =	smul.u32 $0x50000, s0  }
0x6: {  	s7 =	sand.u32 $0x1, s1;
	[smem:$0x7FF] =	sst s4;
	s26 =	smul.u32 $0x7D00, s0  }
0x7: {  	s29 =	sshll.u32 s0, $0x6;
	s5 =	smul.u32 $0x140000, s7;
	_ =	strace $0x8000004A  }
0x8: {  	s10 =	sshll.u32 s7, $0x4;
	s11 =	ssub.s32 $0x2, s7;
	s24 =	smul.u32 $0x7D000, s7  }
0x9: {  	s7 =	sor.u32 $0x1C05, s29;
	s10 =	sor.u32 s0, s10;
	s21 =	sshrl.u32 s11, $0x1  }
0xa: {  	s23 =	sshrl.u32 s12, $0x2;
	s25 =	sshrl.u32 s8, $0x3;
	s9 =	sadd.s32 s8, s5  }
0xb: {  	s5 =	sadd.s32 $0x6200, s6;
	s22 =	smul.u32 $0x7D00, s10;
	s14 =	ssub.s32 s11, s21  }
0xc: {  	s15 =	sadd.s32 s23, s3;
	s16 =	sadd.s32 s26, s24;
	s21 =	simm.s32 $0x2  }
0xd: {  	s23 =	simm.s32 $0x3;
	s24 =	simm.s32 $0x80;
	s26 =	simm.s32 $0x180  }
0xe: {  	s9 =	sshrl.u32 s9, $0x3;
	s17 =	sadd.s32 $0x300, s16;
	s12 =	smax.u32 s14, $0x1  }
0xf: {  	s14 =	sadd.s32 $0x200, s16;
	s15 =	sshrl.u32 s15, $0x3;
	s16 =	simm.s32 $0x5  }
0x10: {  	s13 =	sadd.s32 s9, s6;
	s6 =	sadd.s32 s5, s25;
	s30 =	sshrl.u32 s22, $0x3  }
0x11: {  	s31 =	sshrl.u32 s17, $0x3;
	s17 =	simm.s32 $0x100;
	s22 =	simm.s32 $0x2A00  }
0x12: {  	s25 =	simm.s32 $0x4;
	s8 =	sadd.s32 s2, s30;
	s11 =	sadd.s32 $0x8E800, s13  }
0x13: {  	s13 =	sadd.s32 s31, s2;
	s9 =	sadd.s32 $0x20, s8;
	s10 =	sadd.s32 $0xF80, s8  }
.LBB2_1:
0x14: {  	[spmem:s15], [sflag:s7] =	dma.local [hbm:s6], $0x2800  }
0x15: {  	_ =	swait.ge [sflag:s16], $0x2800  }
0x16: {  	[sflag:s16] =	ssyncset.done $0x0  }
0x17: {  	[sflag:s16] =	ssyncadd.s32 $0xFFFFD800  }
0x18: {  	[bflag:$0x0] =	sbarrier.arrive $0xFFFF  }
0x19: {  	[tilespmem:s4], [sflag:$0x1] =	stream.linear.gather [hbm4b:s8+s4], $0x100, $0x38;
	[tilespmem:$0x19200] =	vst v63  }
0x1a: {  	_ = 	snop  }
0x1b: {  	[tilespmem:s17], [sflag:$0x2] =	stream.linear.gather [hbm4b:s9+s4], $0x100, $0x38;
	[tilespmem:$0x19200] =	vst v63  }
0x1c: {  	_ =	swait.ge [sflag:s18], $0x100  }
0x1d: {  	[sflag:s18] =	ssyncset.done $0x0  }
0x1e: {  	[sflag:s18] =	ssyncadd.s32 $0xFFFFFF00  }
0x1f: {  	[tilespmem:s20], [sflag:$0x3] =	stream.indirect.gather [hbm4b:s5+s19], $0x80, s4, s19, $0xb8;
	[tilespmem:$0x19200] =	vst v63  }
0x20: {  	_ =	swait.ge [sflag:s21], $0x100  }
0x21: {  	[sflag:s21] =	ssyncset.done $0x0  }
0x22: {  	[sflag:s21] =	ssyncadd.s32 $0xFFFFFF00  }
0x23: {  	[tilespmem:s22], [sflag:$0x4] =	stream.indirect.gather [hbm4b:s5+s19], $0x80, s17, s19, $0xb8;
	[tilespmem:$0x19200] =	vst v63  }
0x24: {  	_ =	swait.ge [sflag:s23], $0x2800  }
0x25: {  	[sflag:s23] =	ssyncset.done $0x0  }
0x26: {  	[sflag:s23] =	ssyncadd.s32 $0xFFFFD800  }
0x27: {  	[spmem:s3] =	stream.indirect.scatter.add.f32 [tilespmem:s20], [sflag:$0x5], $0x80, s24, s19, $0xb8;
	[tilespmem:$0x19200] =	vst v63  }
0x28: {  	_ =	swait.ge [sflag:s16], $0x2800  }
0x29: {  	s29 =	sshrl.u32 s14, $0x3;
	[sflag:s16] =	ssyncset.done $0x0  }
0x2a: {  	s29 =	sadd.s32 s2, s29;
	[sflag:s16] =	ssyncadd.s32 $0xFFFFD800  }
0x2b: {  	[tilespmem:s4], [sflag:$0x1] =	stream.linear.gather [hbm4b:s29+s4], $0x100, $0x38;
	[tilespmem:$0x19200] =	vst v63  }
0x2c: {  	_ =	swait.ge [sflag:s18], $0x100  }
0x2d: {  	[sflag:s18] =	ssyncset.done $0x0  }
0x2e: {  	[sflag:s18] =	ssyncadd.s32 $0xFFFFFF00  }
0x2f: {  	[tilespmem:s20], [sflag:$0x3] =	stream.indirect.gather [hbm4b:s5+s19], $0x80, s4, s19, $0xb8;
	[tilespmem:$0x19200] =	vst v63  }
0x30: {  	_ =	swait.ge [sflag:s25], $0x2800  }
0x31: {  	[sflag:s25] =	ssyncset.done $0x0  }
0x32: {  	[sflag:s25] =	ssyncadd.s32 $0xFFFFD800  }
0x33: {  	[spmem:s3] =	stream.indirect.scatter.add.f32 [tilespmem:s22], [sflag:$0x5], $0x80, s26, s19, $0xb8;
	[tilespmem:$0x19200] =	vst v63  }
0x34: {  	_ =	swait.ge [sflag:s16], $0x2800  }
0x35: {  	s31 =	sadd.s32 $0x0, s13;
	[sflag:s16] =	ssyncset.done $0x0  }
0x36: {  	s30 =	sadd.s32 $0x200, s14;
	s29 =	simm.s32 $0x40;
	[sflag:s16] =	ssyncadd.s32 $0xFFFFD800  }
.LBB2_2:
0x37: {  	[tilespmem:s17], [sflag:$0x2] =	stream.linear.gather [hbm4b:s31+s4], $0x100, $0x38;
	[tilespmem:$0x19200] =	vst v63  }
0x38: {  	s31 =	smov.u32 s29  }
0x39: {  	p0 =	sne.s32 s29, $0xF00;
	s29 =	sadd.s32 $0x40, s29;
	_ =	swait.ge [sflag:s21], $0x100  }
0x3a: {  	[sflag:s21] =	ssyncset.done $0x0  }
0x3b: {  	[sflag:s21] =	ssyncadd.s32 $0xFFFFFF00  }
0x3c: {  	[tilespmem:s22], [sflag:$0x4] =	stream.indirect.gather [hbm4b:s5+s19], $0x80, s17, s19, $0xb8;
	[tilespmem:$0x19200] =	vst v63  }
0x3d: {  	_ =	swait.ge [sflag:s23], $0x2800  }
0x3e: {  	[sflag:s23] =	ssyncset.done $0x0  }
0x3f: {  	[sflag:s23] =	ssyncadd.s32 $0xFFFFD800  }
0x40: {  	[spmem:s3] =	stream.indirect.scatter.add.f32 [tilespmem:s20], [sflag:$0x5], $0x80, s24, s19, $0xb8;
	[tilespmem:$0x19200] =	vst v63  }
0x41: {  	_ =	swait.ge [sflag:s16], $0x2800  }
0x42: {  	s1 =	sshrl.u32 s30, $0x3;
	[sflag:s16] =	ssyncset.done $0x0  }
0x43: {  	s1 =	sadd.s32 s2, s1;
	[sflag:s16] =	ssyncadd.s32 $0xFFFFD800  }
0x44: {  	[tilespmem:s4], [sflag:$0x1] =	stream.linear.gather [hbm4b:s1+s4], $0x100, $0x38;
	[tilespmem:$0x19200] =	vst v63  }
0x45: {  	_ =	swait.ge [sflag:s18], $0x100  }
0x46: {  	[sflag:s18] =	ssyncset.done $0x0  }
0x47: {  	[sflag:s18] =	ssyncadd.s32 $0xFFFFFF00  }
0x48: {  	[tilespmem:s20], [sflag:$0x3] =	stream.indirect.gather [hbm4b:s5+s19], $0x80, s4, s19, $0xb8;
	[tilespmem:$0x19200] =	vst v63  }
0x49: {  	_ =	swait.ge [sflag:s25], $0x2800  }
0x4a: {  	[sflag:s25] =	ssyncset.done $0x0  }
.Ltmp0:
0x4b: {  	[sflag:s25] =	ssyncadd.s32 $0xFFFFD800;
	(pc) =	sbr.rel @p0 .LBB2_2-.Ltmp0, $4  }
0x4c: {  	[spmem:s3] =	stream.indirect.scatter.add.f32 [tilespmem:s22], [sflag:$0x5], $0x80, s26, s19, $0xb8;
	[tilespmem:$0x19200] =	vst v63  }
0x4d: {  	_ =	swait.ge [sflag:s16], $0x2800  }
0x4e: {  	[sflag:s16] =	ssyncset.done $0x0  }
0x4f: {  	s30 =	sadd.s32 $0x200, s30;
	s31 =	sadd.s32 s31, s13;
	[sflag:s16] =	ssyncadd.s32 $0xFFFFD800  }
0x50: {  	[tilespmem:s17], [sflag:$0x2] =	stream.linear.gather [hbm4b:s31+s4], $0x100, $0x38;
	[tilespmem:$0x19200] =	vst v63  }
0x51: {  	_ =	swait.ge [sflag:s21], $0x100  }
0x52: {  	[sflag:s21] =	ssyncset.done $0x0  }
0x53: {  	[sflag:s21] =	ssyncadd.s32 $0xFFFFFF00  }
0x54: {  	[tilespmem:s22], [sflag:$0x4] =	stream.indirect.gather [hbm4b:s5+s19], $0x80, s17, s19, $0xb8;
	[tilespmem:$0x19200] =	vst v63  }
0x55: {  	_ =	swait.ge [sflag:s23], $0x2800  }
0x56: {  	[sflag:s23] =	ssyncset.done $0x0  }
0x57: {  	[sflag:s23] =	ssyncadd.s32 $0xFFFFD800  }
0x58: {  	[spmem:s3] =	stream.indirect.scatter.add.f32 [tilespmem:s20], [sflag:$0x5], $0x80, s24, s19, $0xb8;
	[tilespmem:$0x19200] =	vst v63  }
0x59: {  	_ =	swait.ge [sflag:s16], $0x2800  }
0x5a: {  	[sflag:s16] =	ssyncset.done $0x0  }
0x5b: {  	[sflag:s16] =	ssyncadd.s32 $0xFFFFD800  }
0x5c: {  	[tilespmem:s4], [sflag:$0x1] =	stream.linear.gather [hbm4b:s10+s4], $0x100, $0x38;
	[tilespmem:$0x19200] =	vst v63  }
0x5d: {  	_ =	swait.ge [sflag:s18], $0x100  }
0x5e: {  	[sflag:s18] =	ssyncset.done $0x0  }
0x5f: {  	[sflag:s18] =	ssyncadd.s32 $0xFFFFFF00  }
0x60: {  	[tilespmem:s20], [sflag:$0x3] =	stream.indirect.gather [hbm4b:s5+s19], $0x80, s4, s19, $0xb8;
	[tilespmem:$0x19200] =	vst v63  }
0x61: {  	_ =	swait.ge [sflag:s25], $0x2800  }
0x62: {  	[sflag:s25] =	ssyncset.done $0x0  }
0x63: {  	[sflag:s25] =	ssyncadd.s32 $0xFFFFD800  }
0x64: {  	[spmem:s3] =	stream.indirect.scatter.add.f32 [tilespmem:s22], [sflag:$0x5], $0x80, s26, s19, $0xb8;
	[tilespmem:$0x19200] =	vst v63  }
0x65: {  	_ =	swait.ge [sflag:s16], $0x2800  }
0x66: {  	[sflag:s16] =	ssyncset.done $0x0  }
0x67: {  	[sflag:s16] =	ssyncadd.s32 $0xFFFFD800  }
0x68: {  	_ =	swait.ge [sflag:s23], $0x2800  }
0x69: {  	[sflag:s23] =	ssyncset.done $0x0  }
0x6a: {  	[sflag:s23] =	ssyncadd.s32 $0xFFFFD800  }
0x6b: {  	[spmem:s3] =	stream.indirect.scatter.add.f32 [tilespmem:s20], [sflag:$0x5], $0x80, s24, s19, $0xb8;
	[tilespmem:$0x19200] =	vst v63  }
0x6c: {  	_ =	swait.ge [sflag:s16], $0x2800  }
0x6d: {  	s28 =	sadd.s32 $0x1, s28;
	[sflag:s16] =	ssyncset.done $0x0  }
0x6e: {  	p0 =	sne.s32 s28, s12;
	[sflag:s16] =	ssyncadd.s32 $0xFFFFD800  }
.Ltmp1:
0x6f: {  	[bflag:$0x0] =	sbarrier.arrive $0xFFFF;
	(pc) =	sbr.rel @p0 .LBB2_1-.Ltmp1, $4  }
0x70: {  	[hbm:s11], [sflag:s7] =	dma.local [spmem:s15], $0x2800  }
0x71: {  	_ =	swait.ge [sflag:s16], $0x2800  }
0x72: {  	[sflag:s16] =	ssyncset.done $0x0  }
0x73: {  	[sflag:s16] =	ssyncadd.s32 $0xFFFFD800  }
0x74: {  	_ =	sfence.sel $0x180000  }
0x75: {  	[bflag:$0x0] =	sbarrier.arrive $0xFFFF  }
0x76: {  	_ =	strace $0x9000004A  }
0x77: {  	[bflag:$0x2] =	sbarrier.arrive $0xFFFF  }
0x78: {  	p0 =	sne.s32 s0, $0x0;
	s0 =	rddreg [dreg:$0x3]  }
0x79: {  	s0 =	sadd.s32 @!p0 $0x100000, s0  }
0x7a: {  	[sflag:s0] =	ssyncadd.tile.s32 @!p0 $0x1;
	_ =	shalt  }
.Lfunc_end2:
_tile_overlayer_lowered:
.L_overlay_start_2:
0x7b: {  	(tag) =	ssettag $0x2  }
0x7c: {  	s0 =	rddreg [dreg:$0x0];
	s2 =	stileid.u32  }
0x7d: {  	s1 =	rddreg [dreg:$0x1];
	p0 =	sne.s32 s2, $0x0  }
0x7e: {  	s3 =	rddreg [dreg:$0x2];
	[bflag:$0x3] =	sbarrier.arrive $0xFFFF;
	s2 =	simm.s32 @!p0 $0x1C05  }
0x7f: {  	[timem:s3], [sflag:s2] =	dma.local @!p0 [hbm:s0], s1  }
0x80: {  	s0 =	simm.s32 @!p0 $0x5  }
0x81: {  	_ =	swait.ge @!p0 [sflag:s0], s1  }
0x82: {  	s1 =	ssub.s32 @!p0 $0x0, s1;
	[sflag:s0] =	ssyncset.done @!p0 $0x0  }
0x83: {  	[sflag:s0] =	ssyncadd.s32 @!p0 s1  }
0x84: {  	[bflag:$0x3] =	sbarrier.arrive $0xFFFF  }
0x85: {  	_ =	shalt  }

// kernel: kernel.18.cloned.1.call-start
scs
__scs_entry_jumppad:
0x0: {  	(pc) =	sbr.rel $0x88, $3  }
0x1: {  	(tag) =	ssettag $0x0;
	lr =	simm.s32 $0x1  }
0x2: {  	[smem:$0x3F95] =	sst lr;
	_ =	strace $0xD0000000  }
0x3: {  	_ = 	snop  }
0x4: {  	_ = 	snop  }
0x5: {  	_ = 	snop  }
0x6: {  	_ = 	snop  }
0x7: {  	_ = 	snop  }
__scs_overlays_trampoline_lowered:
0x8: {  	[smem:$0x3FA4] =	sst s0  }
0x9: {  	[smem:$0x3FA5] =	sst s1  }
0xa: {  	[smem:$0x3FA6] =	sst s2  }
0xb: {  	[smem:$0x3FA7] =	sst s3  }
0xc: {  	[smem:$0x3FA8] =	sst s4  }
0xd: {  	[smem:$0x3FA9] =	sst s5  }
0xe: {  	[smem:$0x3FAA] =	sst s6  }
0xf: {  	[smem:$0x3FAB] =	sst s7  }
0x10: {  	[smem:$0x3FAC] =	sst s8  }
0x11: {  	[smem:$0x3FAD] =	sst s9;
	s0 =	simm.s32 @!p0 $0x0  }
0x12: {  	s1 =	sld [smem:$0x3F93];
	s0 =	simm.s32 @p0 $0x1  }
0x13: {  	[smem:$0x3FAE] =	sst s0;
	s0 =	simm.s32 @!p1 $0x0  }
0x14: {  	s2 =	sld [smem:$0x3F92];
	s0 =	simm.s32 @p1 $0x1  }
0x15: {  	[smem:$0x3FAF] =	sst s0;
	s0 =	simm.s32 @!p2 $0x0  }
0x16: {  	s3 =	sld [smem:$0x3FDB];
	s0 =	simm.s32 @p2 $0x1  }
0x17: {  	s4 =	simm.s32 $0x1BF5;
	[smem:$0x3FB1] =	sst s0  }
0x18: {  	s0 =	sld [smem:$0x3F94];
	_ =	swait.ge [sflag:s4], $0x0  }
0x19: {  	s7 =	sld [smem:$0x3F95]  }
0x1a: {  	s8 =	sadd.s32 $0xFFFFE003, lr  }
0x1b: {  	s9 =	sadd.s32 $0xFFFFFEF7, lr;
	s5 =	simm.s32 $0xFFFFFFFF;
	p2 =	slt.u32 s8, $0xFFFFF086  }
0x1c: {  	p1 =	slt.u32 s9, $0xF7A;
	s5 =	simm.s32 @!p2 $0x0  }
0x1d: {  	s5 =	simm.s32 @p1 $0x1;
	p0 =	seq.s32 s7, s2  }
0x1e: {  	s7 =	smul.u32 @!p0 $0xF7A, s2;
	p2 =	seq.s32 @!p0 s5, $0x0  }
0x1f: {  	s9 =	smul.u32 $0xF7A, s1;
	s8 =	simm.s32 @!p0 $0x1BF5;
	p2 =	por !p2, p0  }
0x20: {  	[sflag:s8] =	ssyncset.s32 @!p0 $0xFFFFF086;
	s6 =	sadd.s32 @!p0 s3, s7;
	s7 =	simm.s32 @!p0 $0x108  }
0x21: {  	s3 =	sadd.s32 s3, s9;
	s6 =	sadd.s32 @!p0 $0x88, s6;
	s7 =	simm.s32 @p2 $0x1082  }
0x22: {  	[simem:s7], [sflag:s8] =	dma.local @!p0 [hbm:s6], $0xF7A  }
0x23: {  	s9 =	sor.u32 $0xD0000000, s2;
	s6 =	simm.s32 $0x108;
	_ =	swait.ge @!p0 [sflag:s8], $0x0  }
0x24: {  	s3 =	sadd.s32 $0x88, s3;
	s6 =	simm.s32 @!p1 $0x1082;
	[sflag:s4] =	ssyncset.s32 $0xFFFFF086  }
0x25: {  	[simem:s6], [sflag:s4] =	dma.local [hbm:s3], $0xF7A  }
0x26: {  	[smem:$0x3F95] =	sst s1;
	(tag) =	ssettag s2;
	_ =	strace s9  }
0x27: {  	s1 =	sld [smem:$0x3FA5]  }
0x28: {  	s2 =	sld [smem:$0x3FA6]  }
0x29: {  	s4 =	sld [smem:$0x3FA8]  }
0x2a: {  	p0 =	seq.s32 s5, $0x0;
	s5 =	sld [smem:$0x3FA9]  }
0x2b: {  	s6 =	sld [smem:$0x3FAA]  }
0x2c: {  	s7 =	sld [smem:$0x3FAB]  }
0x2d: {  	s3 =	simm.s32 $0x108;
	s8 =	sld [smem:$0x3FAC]  }
0x2e: {  	s3 =	simm.s32 @!p0 $0x1082;
	s9 =	sld [smem:$0x3FAD]  }
0x2f: {  	lr =	sadd.s32 s0, s3;
	s0 =	sld [smem:$0x3FA4]  }
0x30: {  	s3 =	sld [smem:$0x3FA7]  }
0x31: {  	[smem:$0x3FB0] =	sst s10  }
0x32: {  	s10 =	sld [smem:$0x3FAE];
	_ =	sdelay $0x3  }
0x33: {  	p0 =	seq.s32 s10, $0x1;
	s10 =	sld [smem:$0x3FB0];
	_ =	sdelay $0x3  }
0x34: {  	[smem:$0x3FB0] =	sst s10  }
0x35: {  	s10 =	sld [smem:$0x3FAF];
	_ =	sdelay $0x3  }
0x36: {  	p1 =	seq.s32 s10, $0x1;
	s10 =	sld [smem:$0x3FB0];
	_ =	sdelay $0x3  }
0x37: {  	[smem:$0x3FB0] =	sst s10  }
0x38: {  	s10 =	sld [smem:$0x3FB1]  }
0x39: {  	_ = 	snop;
	(pc) =	sbr.ind lr, $3  }
0x3a: {  	_ = 	snop  }
0x3b: {  	_ = 	snop  }
0x3c: {  	p2 =	seq.s32 s10, $0x1;
	s10 =	sld [smem:$0x3FB0]  }
0x3d: {  	_ =	shalt  }
0x3e: {  	_ =	shalt  }
0x3f: {  	_ =	shalt  }
0x40: {  	_ =	shalt  }
0x41: {  	_ =	shalt  }
0x42: {  	_ =	shalt  }
0x43: {  	_ =	shalt  }
0x44: {  	_ =	shalt  }
0x45: {  	_ =	shalt  }
0x46: {  	_ =	shalt  }
0x47: {  	_ =	shalt  }
0x48: {  	_ =	shalt  }
0x49: {  	_ =	shalt  }
0x4a: {  	_ =	shalt  }
0x4b: {  	_ =	shalt  }
0x4c: {  	_ =	shalt  }
0x4d: {  	_ =	shalt  }
0x4e: {  	_ =	shalt  }
0x4f: {  	_ =	shalt  }
0x50: {  	_ =	shalt  }
0x51: {  	_ =	shalt  }
0x52: {  	_ =	shalt  }
0x53: {  	_ =	shalt  }
0x54: {  	_ =	shalt  }
0x55: {  	_ =	shalt  }
0x56: {  	_ =	shalt  }
0x57: {  	_ =	shalt  }
0x58: {  	_ =	shalt  }
0x59: {  	_ =	shalt  }
0x5a: {  	_ =	shalt  }
0x5b: {  	_ =	shalt  }
0x5c: {  	_ =	shalt  }
0x5d: {  	_ =	shalt  }
0x5e: {  	_ =	shalt  }
0x5f: {  	_ =	shalt  }
0x60: {  	_ =	shalt  }
0x61: {  	_ =	shalt  }
0x62: {  	_ =	shalt  }
0x63: {  	_ =	shalt  }
0x64: {  	_ =	shalt  }
0x65: {  	_ =	shalt  }
0x66: {  	_ =	shalt  }
0x67: {  	_ =	shalt  }
0x68: {  	_ =	shalt  }
0x69: {  	_ =	shalt  }
0x6a: {  	_ =	shalt  }
0x6b: {  	_ =	shalt  }
0x6c: {  	_ =	shalt  }
0x6d: {  	_ =	shalt  }
0x6e: {  	_ =	shalt  }
0x6f: {  	_ =	shalt  }
0x70: {  	_ =	shalt  }
0x71: {  	_ =	shalt  }
0x72: {  	_ =	shalt  }
0x73: {  	_ =	shalt  }
0x74: {  	_ =	shalt  }
0x75: {  	_ =	shalt  }
0x76: {  	_ =	shalt  }
0x77: {  	_ =	shalt  }
0x78: {  	_ =	shalt  }
0x79: {  	_ =	shalt  }
0x7a: {  	_ =	shalt  }
0x7b: {  	_ =	shalt  }
0x7c: {  	_ =	shalt  }
0x7d: {  	_ =	shalt  }
0x7e: {  	_ =	shalt  }
0x7f: {  	_ =	shalt  }
0x80: {  	_ =	shalt  }
0x81: {  	_ =	shalt  }
0x82: {  	_ =	shalt  }
0x83: {  	_ =	shalt  }
0x84: {  	_ =	shalt  }
0x85: {  	_ =	shalt  }
0x86: {  	_ =	shalt  }
0x87: {  	_ =	shalt  }
.Lfunc_end0:
.L_simem_size_0:
called_computation.2_lowered:
.L_overlay_start_0:
0x88: {  	s2 =	sld [smem:$0x3FD9]  }
0x89: {  	s3 =	sld [smem:$0x3FFE];
	_ =	sdelay $0x1  }
0x8a: {  	s1 =	srdreg.scid  }
0x8b: {  	s0 =	sand.u32 $0x1, s1  }
0x8c: {  	s17 =	sshll.u32 s0, $0xA;
	s2 =	sadd.s32 s3, s2  }
0x8d: {  	s2 =	sadd.s32 s2, s17  }
0x8e: {  	[smem:$0x3FBC] =	sst s2  }
0x8f: {  	_ = 	snop  }
0x90: {  	s2 =	sld [smem:$0x3FD0];
	(tm) =	ssettm $0x1  }
0x91: {  	s18 =	sld [smem:$0x3FFB];
	_ =	sdelay $0x3  }
0x92: {  	_ =	strace s18  }
0x93: {  	s3 =	sld [smem:$0x3FFC];
	_ =	sdelay $0x3  }
0x94: {  	_ =	strace s3  }
0x95: {  	s3 =	sld [smem:$0x3FFD];
	_ =	sdelay $0x3  }
0x96: {  	_ =	strace s3  }
0x97: {  	_ =	strace $0x8FFFFFFF  }
0x98: {  	s19 =	sld [smem:$0x3FDB];
	_ =	sdelay $0x1  }
0x99: {  	s4 =	simm.s32 $_scs_section_size  }
0x9a: {  	s5 =	simm.s32 $_size__tile_overlayer_lowered;
	s6 =	simm.s32 $_tile_overlayer_lowered  }
0x9b: {  	s22 =	simm.s32 $0x1BFF;
	s21 =	sshll.u32 s6, $0x1;
	s3 =	sadd.s32 s4, s19  }
0x9c: {  	s7 =	simm.s32 $0x0;
	s20 =	sshll.u32 s5, $0x1;
	s5 =	sadd.s32 s21, s3  }
0x9d: {  	[timem:s7], [sflag:s22] =	dma.local [hbm:s5], s20  }
0x9e: {  	_ =	swait.ge [sflag:s22], s20  }
0x9f: {  	s4 =	ssub.s32 $0x0, s20;
	[sflag:s22] =	ssyncset.done $0x0  }
0xa0: {  	[sflag:s22] =	ssyncadd.s32 s4;
	_ =	sdelay $0x1  }
0xa1: {  	s23 =	simm.s32 $0x1B8B  }
0xa2: {  	_ =	swait.ge [sflag:s23], $0x1  }
0xa3: {  	[sflag:s23] =	ssyncset.done $0x0  }
0xa4: {  	s25 =	simm.s32 $0x1B8E;
	s24 =	sld [smem:$0x3FFE];
	[sflag:s23] =	ssyncadd.s32 $0xFFFFFFFF  }
0xa5: {  	s26 =	simm.s32 $execute0_lowered;
	[smem:$0x3FD2] =	sst s25  }
0xa6: {  	s5 =	sshll.u32 s26, $0x1;
	_ =	strace $0x8000004C;
	[dreg:$0x1] =	wrdreg $0xFFFFFFFF  }
0xa7: {  	s28 =	simm.s32 $_size_execute0_lowered;
	s3 =	sadd.s32 s3, s5;
	[dreg:$0x0] =	wrdreg $0x0  }
0xa8: {  	s5 =	sshll.u32 s28, $0x1;
	[dreg:$0x2] =	wrdreg s3  }
0xa9: {  	[dreg:$0x3] =	wrdreg s5  }
0xaa: {  	[dreg:$0x4] =	wrdreg $0xC0  }
0xab: {  	_ =	task [dreg:s7], $0x5FFFF  }
0xac: {  	[dreg:$0x1] =	wrdreg $0xFFFFFFFF  }
0xad: {  	[dreg:$0x0] =	wrdreg $0x60  }
0xae: {  	[dreg:$0x2] =	wrdreg s24  }
0xaf: {  	[dreg:$0x3] =	wrdreg s2  }
0xb0: {  	[dreg:$0x4] =	wrdreg $0x52000  }
0xb1: {  	[dreg:$0x5] =	wrdreg $0x9  }
0xb2: {  	_ =	task.clear_ibuf [dreg:s7], $0x6FFFF;
	_ =	strace $0x9000004C  }
0xb3: {  	s29 =	simm.s32 $0x9;
	_ =	strace $0x8000004E  }
0xb4: {  	_ =	swait.ge [sflag:s29], $0x1  }
0xb5: {  	[sflag:s29] =	ssyncadd.s32 $0xFFFFFFFF  }
0xb6: {  	_ =	strace $0x9000004E  }
0xb7: {  	_ =	sfence  }
0xb8: {  	s30 =	sld [smem:$0x0];
	_ =	sdelay $0x2  }
0xb9: {  	s31 =	sshll.u32 s1, $0xD;
	s1 =	sshrl.u32 s1, $0x2  }
0xba: {  	s3 =	sand.u32 $0x4000, s31;
	s1 =	sadd.s32 s1, s30  }
0xbb: {  	s0 =	sor.u32 s3, s0;
	s1 =	sshll.u32 s1, $0x11  }
0xbc: {  	s0 =	sor.u32 s1, s0  }
0xbd: {  	s0 =	sadd.s32 $0x8F2B, s0  }
0xbe: {  	[sflag:s0] =	ssyncadd.remote.s32 $0x1  }
0xbf: {  	_ =	sfence.sel $0xFFFF  }
0xc0: {  	[dreg:$0x0] =	wrdreg $0xFFFFFFFF;
	(pc) =	sbr.abs _section_cstart, $3  }
0xc1: {  	[dreg:$0x1] =	wrdreg $0xFFFFFFFF  }
0xc2: {  	_ =	task.clear_ibuf [dreg:s7], $0x2FFFF;
	_ =	strace $0x9FFFFFFF  }
0xc3: {  	(tm) =	ssettm $0x7FFFFFFF  }
tec
execute0_lowered:
.L_overlay_start_1:
0x0: {  	(tag) =	ssettag $0x1  }
0x1: {  	s6 =	rddreg [dreg:$0x0]  }
0x2: {  	s2 =	rddreg [dreg:$0x1];
	s1 =	srdreg.scid  }
0x3: {  	s0 =	stileid.u32;
	s3 =	rddreg [dreg:$0x2];
	s4 =	simm.s32 $0x0  }
0x4: {  	s18 =	simm.s32 $0x1;
	s19 =	simm.s32 $0x50;
	s8 =	smul.u32 $0x14000, s0  }
0x5: {  	s20 =	simm.s32 $0x200;
	s28 =	simm.s32 $0x0;
	s12 =	smul.u32 $0x50000, s0  }
0x6: {  	s7 =	sand.u32 $0x1, s1;
	[smem:$0x7FF] =	sst s4;
	s26 =	smul.u32 $0x7D00, s0  }
0x7: {  	s29 =	sshll.u32 s0, $0x6;
	s5 =	smul.u32 $0x140000, s7;
	_ =	strace $0x8000004D  }
0x8: {  	s10 =	sshll.u32 s7, $0x4;
	s11 =	ssub.s32 $0x2, s7;
	s24 =	smul.u32 $0x7D000, s7  }
0x9: {  	s7 =	sor.u32 $0x1C05, s29;
	s10 =	sor.u32 s0, s10;
	s21 =	sshrl.u32 s11, $0x1  }
0xa: {  	s23 =	sshrl.u32 s12, $0x2;
	s25 =	sshrl.u32 s8, $0x3;
	s9 =	sadd.s32 s8, s5  }
0xb: {  	s5 =	sadd.s32 $0x6200, s6;
	s22 =	smul.u32 $0x7D00, s10;
	s14 =	ssub.s32 s11, s21  }
0xc: {  	s15 =	sadd.s32 s23, s3;
	s16 =	sadd.s32 s26, s24;
	s21 =	simm.s32 $0x2  }
0xd: {  	s23 =	simm.s32 $0x3;
	s24 =	simm.s32 $0x80;
	s26 =	simm.s32 $0x180  }
0xe: {  	s9 =	sshrl.u32 s9, $0x3;
	s17 =	sadd.s32 $0x300, s16;
	s12 =	smax.u32 s14, $0x1  }
0xf: {  	s14 =	sadd.s32 $0x200, s16;
	s15 =	sshrl.u32 s15, $0x3;
	s16 =	simm.s32 $0x5  }
0x10: {  	s13 =	sadd.s32 s9, s6;
	s6 =	sadd.s32 s5, s25;
	s30 =	sshrl.u32 s22, $0x3  }
0x11: {  	s31 =	sshrl.u32 s17, $0x3;
	s17 =	simm.s32 $0x100;
	s22 =	simm.s32 $0x2A00  }
0x12: {  	s25 =	simm.s32 $0x4;
	s8 =	sadd.s32 s2, s30;
	s11 =	sadd.s32 $0x8E800, s13  }
0x13: {  	s13 =	sadd.s32 s31, s2;
	s9 =	sadd.s32 $0x20, s8;
	s10 =	sadd.s32 $0xF80, s8  }
.LBB2_1:
0x14: {  	[spmem:s15], [sflag:s7] =	dma.local [hbm:s6], $0x2800  }
0x15: {  	_ =	swait.ge [sflag:s16], $0x2800  }
0x16: {  	[sflag:s16] =	ssyncset.done $0x0  }
0x17: {  	[sflag:s16] =	ssyncadd.s32 $0xFFFFD800  }
0x18: {  	[bflag:$0x0] =	sbarrier.arrive $0xFFFF  }
0x19: {  	[tilespmem:s4], [sflag:$0x1] =	stream.linear.gather [hbm4b:s8+s4], $0x100, $0x38;
	[tilespmem:$0x19200] =	vst v63  }
0x1a: {  	_ = 	snop  }
0x1b: {  	[tilespmem:s17], [sflag:$0x2] =	stream.linear.gather [hbm4b:s9+s4], $0x100, $0x38;
	[tilespmem:$0x19200] =	vst v63  }
0x1c: {  	_ =	swait.ge [sflag:s18], $0x100  }
0x1d: {  	[sflag:s18] =	ssyncset.done $0x0  }
0x1e: {  	[sflag:s18] =	ssyncadd.s32 $0xFFFFFF00  }
0x1f: {  	[tilespmem:s20], [sflag:$0x3] =	stream.indirect.gather [hbm4b:s5+s19], $0x80, s4, s19, $0xb8;
	[tilespmem:$0x19200] =	vst v63  }
0x20: {  	_ =	swait.ge [sflag:s21], $0x100  }
0x21: {  	[sflag:s21] =	ssyncset.done $0x0  }
0x22: {  	[sflag:s21] =	ssyncadd.s32 $0xFFFFFF00  }
0x23: {  	[tilespmem:s22], [sflag:$0x4] =	stream.indirect.gather [hbm4b:s5+s19], $0x80, s17, s19, $0xb8;
	[tilespmem:$0x19200] =	vst v63  }
0x24: {  	_ =	swait.ge [sflag:s23], $0x2800  }
0x25: {  	[sflag:s23] =	ssyncset.done $0x0  }
0x26: {  	[sflag:s23] =	ssyncadd.s32 $0xFFFFD800  }
0x27: {  	[spmem:s3] =	stream.indirect.scatter.add.f32 [tilespmem:s20], [sflag:$0x5], $0x80, s24, s19, $0xb8;
	[tilespmem:$0x19200] =	vst v63  }
0x28: {  	_ =	swait.ge [sflag:s16], $0x2800  }
0x29: {  	s29 =	sshrl.u32 s14, $0x3;
	[sflag:s16] =	ssyncset.done $0x0  }
0x2a: {  	s29 =	sadd.s32 s2, s29;
	[sflag:s16] =	ssyncadd.s32 $0xFFFFD800  }
0x2b: {  	[tilespmem:s4], [sflag:$0x1] =	stream.linear.gather [hbm4b:s29+s4], $0x100, $0x38;
	[tilespmem:$0x19200] =	vst v63  }
0x2c: {  	_ =	swait.ge [sflag:s18], $0x100  }
0x2d: {  	[sflag:s18] =	ssyncset.done $0x0  }
0x2e: {  	[sflag:s18] =	ssyncadd.s32 $0xFFFFFF00  }
0x2f: {  	[tilespmem:s20], [sflag:$0x3] =	stream.indirect.gather [hbm4b:s5+s19], $0x80, s4, s19, $0xb8;
	[tilespmem:$0x19200] =	vst v63  }
0x30: {  	_ =	swait.ge [sflag:s25], $0x2800  }
0x31: {  	[sflag:s25] =	ssyncset.done $0x0  }
0x32: {  	[sflag:s25] =	ssyncadd.s32 $0xFFFFD800  }
0x33: {  	[spmem:s3] =	stream.indirect.scatter.add.f32 [tilespmem:s22], [sflag:$0x5], $0x80, s26, s19, $0xb8;
	[tilespmem:$0x19200] =	vst v63  }
0x34: {  	_ =	swait.ge [sflag:s16], $0x2800  }
0x35: {  	s31 =	sadd.s32 $0x0, s13;
	[sflag:s16] =	ssyncset.done $0x0  }
0x36: {  	s30 =	sadd.s32 $0x200, s14;
	s29 =	simm.s32 $0x40;
	[sflag:s16] =	ssyncadd.s32 $0xFFFFD800  }
.LBB2_2:
0x37: {  	[tilespmem:s17], [sflag:$0x2] =	stream.linear.gather [hbm4b:s31+s4], $0x100, $0x38;
	[tilespmem:$0x19200] =	vst v63  }
0x38: {  	s31 =	smov.u32 s29  }
0x39: {  	p0 =	sne.s32 s29, $0xF00;
	s29 =	sadd.s32 $0x40, s29;
	_ =	swait.ge [sflag:s21], $0x100  }
0x3a: {  	[sflag:s21] =	ssyncset.done $0x0  }
0x3b: {  	[sflag:s21] =	ssyncadd.s32 $0xFFFFFF00  }
0x3c: {  	[tilespmem:s22], [sflag:$0x4] =	stream.indirect.gather [hbm4b:s5+s19], $0x80, s17, s19, $0xb8;
	[tilespmem:$0x19200] =	vst v63  }
0x3d: {  	_ =	swait.ge [sflag:s23], $0x2800  }
0x3e: {  	[sflag:s23] =	ssyncset.done $0x0  }
0x3f: {  	[sflag:s23] =	ssyncadd.s32 $0xFFFFD800  }
0x40: {  	[spmem:s3] =	stream.indirect.scatter.add.f32 [tilespmem:s20], [sflag:$0x5], $0x80, s24, s19, $0xb8;
	[tilespmem:$0x19200] =	vst v63  }
0x41: {  	_ =	swait.ge [sflag:s16], $0x2800  }
0x42: {  	s1 =	sshrl.u32 s30, $0x3;
	[sflag:s16] =	ssyncset.done $0x0  }
0x43: {  	s1 =	sadd.s32 s2, s1;
	[sflag:s16] =	ssyncadd.s32 $0xFFFFD800  }
0x44: {  	[tilespmem:s4], [sflag:$0x1] =	stream.linear.gather [hbm4b:s1+s4], $0x100, $0x38;
	[tilespmem:$0x19200] =	vst v63  }
0x45: {  	_ =	swait.ge [sflag:s18], $0x100  }
0x46: {  	[sflag:s18] =	ssyncset.done $0x0  }
0x47: {  	[sflag:s18] =	ssyncadd.s32 $0xFFFFFF00  }
0x48: {  	[tilespmem:s20], [sflag:$0x3] =	stream.indirect.gather [hbm4b:s5+s19], $0x80, s4, s19, $0xb8;
	[tilespmem:$0x19200] =	vst v63  }
0x49: {  	_ =	swait.ge [sflag:s25], $0x2800  }
0x4a: {  	[sflag:s25] =	ssyncset.done $0x0  }
.Ltmp0:
0x4b: {  	[sflag:s25] =	ssyncadd.s32 $0xFFFFD800;
	(pc) =	sbr.rel @p0 .LBB2_2-.Ltmp0, $4  }
0x4c: {  	[spmem:s3] =	stream.indirect.scatter.add.f32 [tilespmem:s22], [sflag:$0x5], $0x80, s26, s19, $0xb8;
	[tilespmem:$0x19200] =	vst v63  }
0x4d: {  	_ =	swait.ge [sflag:s16], $0x2800  }
0x4e: {  	[sflag:s16] =	ssyncset.done $0x0  }
0x4f: {  	s30 =	sadd.s32 $0x200, s30;
	s31 =	sadd.s32 s31, s13;
	[sflag:s16] =	ssyncadd.s32 $0xFFFFD800  }
0x50: {  	[tilespmem:s17], [sflag:$0x2] =	stream.linear.gather [hbm4b:s31+s4], $0x100, $0x38;
	[tilespmem:$0x19200] =	vst v63  }
0x51: {  	_ =	swait.ge [sflag:s21], $0x100  }
0x52: {  	[sflag:s21] =	ssyncset.done $0x0  }
0x53: {  	[sflag:s21] =	ssyncadd.s32 $0xFFFFFF00  }
0x54: {  	[tilespmem:s22], [sflag:$0x4] =	stream.indirect.gather [hbm4b:s5+s19], $0x80, s17, s19, $0xb8;
	[tilespmem:$0x19200] =	vst v63  }
0x55: {  	_ =	swait.ge [sflag:s23], $0x2800  }
0x56: {  	[sflag:s23] =	ssyncset.done $0x0  }
0x57: {  	[sflag:s23] =	ssyncadd.s32 $0xFFFFD800  }
0x58: {  	[spmem:s3] =	stream.indirect.scatter.add.f32 [tilespmem:s20], [sflag:$0x5], $0x80, s24, s19, $0xb8;
	[tilespmem:$0x19200] =	vst v63  }
0x59: {  	_ =	swait.ge [sflag:s16], $0x2800  }
0x5a: {  	[sflag:s16] =	ssyncset.done $0x0  }
0x5b: {  	[sflag:s16] =	ssyncadd.s32 $0xFFFFD800  }
0x5c: {  	[tilespmem:s4], [sflag:$0x1] =	stream.linear.gather [hbm4b:s10+s4], $0x100, $0x38;
	[tilespmem:$0x19200] =	vst v63  }
0x5d: {  	_ =	swait.ge [sflag:s18], $0x100  }
0x5e: {  	[sflag:s18] =	ssyncset.done $0x0  }
0x5f: {  	[sflag:s18] =	ssyncadd.s32 $0xFFFFFF00  }
0x60: {  	[tilespmem:s20], [sflag:$0x3] =	stream.indirect.gather [hbm4b:s5+s19], $0x80, s4, s19, $0xb8;
	[tilespmem:$0x19200] =	vst v63  }
0x61: {  	_ =	swait.ge [sflag:s25], $0x2800  }
0x62: {  	[sflag:s25] =	ssyncset.done $0x0  }
0x63: {  	[sflag:s25] =	ssyncadd.s32 $0xFFFFD800  }
0x64: {  	[spmem:s3] =	stream.indirect.scatter.add.f32 [tilespmem:s22], [sflag:$0x5], $0x80, s26, s19, $0xb8;
	[tilespmem:$0x19200] =	vst v63  }
0x65: {  	_ =	swait.ge [sflag:s16], $0x2800  }
0x66: {  	[sflag:s16] =	ssyncset.done $0x0  }
0x67: {  	[sflag:s16] =	ssyncadd.s32 $0xFFFFD800  }
0x68: {  	_ =	swait.ge [sflag:s23], $0x2800  }
0x69: {  	[sflag:s23] =	ssyncset.done $0x0  }
0x6a: {  	[sflag:s23] =	ssyncadd.s32 $0xFFFFD800  }
0x6b: {  	[spmem:s3] =	stream.indirect.scatter.add.f32 [tilespmem:s20], [sflag:$0x5], $0x80, s24, s19, $0xb8;
	[tilespmem:$0x19200] =	vst v63  }
0x6c: {  	_ =	swait.ge [sflag:s16], $0x2800  }
0x6d: {  	s28 =	sadd.s32 $0x1, s28;
	[sflag:s16] =	ssyncset.done $0x0  }
0x6e: {  	p0 =	sne.s32 s28, s12;
	[sflag:s16] =	ssyncadd.s32 $0xFFFFD800  }
.Ltmp1:
0x6f: {  	[bflag:$0x0] =	sbarrier.arrive $0xFFFF;
	(pc) =	sbr.rel @p0 .LBB2_1-.Ltmp1, $4  }
0x70: {  	[hbm:s11], [sflag:s7] =	dma.local [spmem:s15], $0x2800  }
0x71: {  	_ =	swait.ge [sflag:s16], $0x2800  }
0x72: {  	[sflag:s16] =	ssyncset.done $0x0  }
0x73: {  	[sflag:s16] =	ssyncadd.s32 $0xFFFFD800  }
0x74: {  	_ =	sfence.sel $0x180000  }
0x75: {  	[bflag:$0x0] =	sbarrier.arrive $0xFFFF  }
0x76: {  	_ =	strace $0x9000004D  }
0x77: {  	[bflag:$0x2] =	sbarrier.arrive $0xFFFF  }
0x78: {  	p0 =	sne.s32 s0, $0x0;
	s0 =	rddreg [dreg:$0x3]  }
0x79: {  	s0 =	sadd.s32 @!p0 $0x100000, s0  }
0x7a: {  	[sflag:s0] =	ssyncadd.tile.s32 @!p0 $0x1;
	_ =	shalt  }
.Lfunc_end2:
_tile_overlayer_lowered:
.L_overlay_start_2:
0x7b: {  	(tag) =	ssettag $0x2  }
0x7c: {  	s0 =	rddreg [dreg:$0x0];
	s2 =	stileid.u32  }
0x7d: {  	s1 =	rddreg [dreg:$0x1];
	p0 =	sne.s32 s2, $0x0  }
0x7e: {  	s3 =	rddreg [dreg:$0x2];
	[bflag:$0x3] =	sbarrier.arrive $0xFFFF;
	s2 =	simm.s32 @!p0 $0x1C05  }
0x7f: {  	[timem:s3], [sflag:s2] =	dma.local @!p0 [hbm:s0], s1  }
0x80: {  	s0 =	simm.s32 @!p0 $0x5  }
0x81: {  	_ =	swait.ge @!p0 [sflag:s0], s1  }
0x82: {  	s1 =	ssub.s32 @!p0 $0x0, s1;
	[sflag:s0] =	ssyncset.done @!p0 $0x0  }
0x83: {  	[sflag:s0] =	ssyncadd.s32 @!p0 s1  }
0x84: {  	[bflag:$0x3] =	sbarrier.arrive $0xFFFF  }
0x85: {  	_ =	shalt  }

// kernel: kernel.21.cloned.1.call-start
scs
__scs_entry_jumppad:
0x0: {  	(pc) =	sbr.rel $0x88, $3  }
0x1: {  	(tag) =	ssettag $0x0;
	lr =	simm.s32 $0x1  }
0x2: {  	[smem:$0x3F95] =	sst lr;
	_ =	strace $0xD0000000  }
0x3: {  	_ = 	snop  }
0x4: {  	_ = 	snop  }
0x5: {  	_ = 	snop  }
0x6: {  	_ = 	snop  }
0x7: {  	_ = 	snop  }
__scs_overlays_trampoline_lowered:
0x8: {  	[smem:$0x3FA4] =	sst s0  }
0x9: {  	[smem:$0x3FA5] =	sst s1  }
0xa: {  	[smem:$0x3FA6] =	sst s2  }
0xb: {  	[smem:$0x3FA7] =	sst s3  }
0xc: {  	[smem:$0x3FA8] =	sst s4  }
0xd: {  	[smem:$0x3FA9] =	sst s5  }
0xe: {  	[smem:$0x3FAA] =	sst s6  }
0xf: {  	[smem:$0x3FAB] =	sst s7  }
0x10: {  	[smem:$0x3FAC] =	sst s8  }
0x11: {  	[smem:$0x3FAD] =	sst s9;
	s0 =	simm.s32 @!p0 $0x0  }
0x12: {  	s1 =	sld [smem:$0x3F93];
	s0 =	simm.s32 @p0 $0x1  }
0x13: {  	[smem:$0x3FAE] =	sst s0;
	s0 =	simm.s32 @!p1 $0x0  }
0x14: {  	s2 =	sld [smem:$0x3F92];
	s0 =	simm.s32 @p1 $0x1  }
0x15: {  	[smem:$0x3FAF] =	sst s0;
	s0 =	simm.s32 @!p2 $0x0  }
0x16: {  	s3 =	sld [smem:$0x3FDB];
	s0 =	simm.s32 @p2 $0x1  }
0x17: {  	s4 =	simm.s32 $0x1BF5;
	[smem:$0x3FB1] =	sst s0  }
0x18: {  	s0 =	sld [smem:$0x3F94];
	_ =	swait.ge [sflag:s4], $0x0  }
0x19: {  	s7 =	sld [smem:$0x3F95]  }
0x1a: {  	s8 =	sadd.s32 $0xFFFFE003, lr  }
0x1b: {  	s9 =	sadd.s32 $0xFFFFFEF7, lr;
	s5 =	simm.s32 $0xFFFFFFFF;
	p2 =	slt.u32 s8, $0xFFFFF086  }
0x1c: {  	p1 =	slt.u32 s9, $0xF7A;
	s5 =	simm.s32 @!p2 $0x0  }
0x1d: {  	s5 =	simm.s32 @p1 $0x1;
	p0 =	seq.s32 s7, s2  }
0x1e: {  	s7 =	smul.u32 @!p0 $0xF7A, s2;
	p2 =	seq.s32 @!p0 s5, $0x0  }
0x1f: {  	s9 =	smul.u32 $0xF7A, s1;
	s8 =	simm.s32 @!p0 $0x1BF5;
	p2 =	por !p2, p0  }
0x20: {  	[sflag:s8] =	ssyncset.s32 @!p0 $0xFFFFF086;
	s6 =	sadd.s32 @!p0 s3, s7;
	s7 =	simm.s32 @!p0 $0x108  }
0x21: {  	s3 =	sadd.s32 s3, s9;
	s6 =	sadd.s32 @!p0 $0x88, s6;
	s7 =	simm.s32 @p2 $0x1082  }
0x22: {  	[simem:s7], [sflag:s8] =	dma.local @!p0 [hbm:s6], $0xF7A  }
0x23: {  	s9 =	sor.u32 $0xD0000000, s2;
	s6 =	simm.s32 $0x108;
	_ =	swait.ge @!p0 [sflag:s8], $0x0  }
0x24: {  	s3 =	sadd.s32 $0x88, s3;
	s6 =	simm.s32 @!p1 $0x1082;
	[sflag:s4] =	ssyncset.s32 $0xFFFFF086  }
0x25: {  	[simem:s6], [sflag:s4] =	dma.local [hbm:s3], $0xF7A  }
0x26: {  	[smem:$0x3F95] =	sst s1;
	(tag) =	ssettag s2;
	_ =	strace s9  }
0x27: {  	s1 =	sld [smem:$0x3FA5]  }
0x28: {  	s2 =	sld [smem:$0x3FA6]  }
0x29: {  	s4 =	sld [smem:$0x3FA8]  }
0x2a: {  	p0 =	seq.s32 s5, $0x0;
	s5 =	sld [smem:$0x3FA9]  }
0x2b: {  	s6 =	sld [smem:$0x3FAA]  }
0x2c: {  	s7 =	sld [smem:$0x3FAB]  }
0x2d: {  	s3 =	simm.s32 $0x108;
	s8 =	sld [smem:$0x3FAC]  }
0x2e: {  	s3 =	simm.s32 @!p0 $0x1082;
	s9 =	sld [smem:$0x3FAD]  }
0x2f: {  	lr =	sadd.s32 s0, s3;
	s0 =	sld [smem:$0x3FA4]  }
0x30: {  	s3 =	sld [smem:$0x3FA7]  }
0x31: {  	[smem:$0x3FB0] =	sst s10  }
0x32: {  	s10 =	sld [smem:$0x3FAE];
	_ =	sdelay $0x3  }
0x33: {  	p0 =	seq.s32 s10, $0x1;
	s10 =	sld [smem:$0x3FB0];
	_ =	sdelay $0x3  }
0x34: {  	[smem:$0x3FB0] =	sst s10  }
0x35: {  	s10 =	sld [smem:$0x3FAF];
	_ =	sdelay $0x3  }
0x36: {  	p1 =	seq.s32 s10, $0x1;
	s10 =	sld [smem:$0x3FB0];
	_ =	sdelay $0x3  }
0x37: {  	[smem:$0x3FB0] =	sst s10  }
0x38: {  	s10 =	sld [smem:$0x3FB1]  }
0x39: {  	_ = 	snop;
	(pc) =	sbr.ind lr, $3  }
0x3a: {  	_ = 	snop  }
0x3b: {  	_ = 	snop  }
0x3c: {  	p2 =	seq.s32 s10, $0x1;
	s10 =	sld [smem:$0x3FB0]  }
0x3d: {  	_ =	shalt  }
0x3e: {  	_ =	shalt  }
0x3f: {  	_ =	shalt  }
0x40: {  	_ =	shalt  }
0x41: {  	_ =	shalt  }
0x42: {  	_ =	shalt  }
0x43: {  	_ =	shalt  }
0x44: {  	_ =	shalt  }
0x45: {  	_ =	shalt  }
0x46: {  	_ =	shalt  }
0x47: {  	_ =	shalt  }
0x48: {  	_ =	shalt  }
0x49: {  	_ =	shalt  }
0x4a: {  	_ =	shalt  }
0x4b: {  	_ =	shalt  }
0x4c: {  	_ =	shalt  }
0x4d: {  	_ =	shalt  }
0x4e: {  	_ =	shalt  }
0x4f: {  	_ =	shalt  }
0x50: {  	_ =	shalt  }
0x51: {  	_ =	shalt  }
0x52: {  	_ =	shalt  }
0x53: {  	_ =	shalt  }
0x54: {  	_ =	shalt  }
0x55: {  	_ =	shalt  }
0x56: {  	_ =	shalt  }
0x57: {  	_ =	shalt  }
0x58: {  	_ =	shalt  }
0x59: {  	_ =	shalt  }
0x5a: {  	_ =	shalt  }
0x5b: {  	_ =	shalt  }
0x5c: {  	_ =	shalt  }
0x5d: {  	_ =	shalt  }
0x5e: {  	_ =	shalt  }
0x5f: {  	_ =	shalt  }
0x60: {  	_ =	shalt  }
0x61: {  	_ =	shalt  }
0x62: {  	_ =	shalt  }
0x63: {  	_ =	shalt  }
0x64: {  	_ =	shalt  }
0x65: {  	_ =	shalt  }
0x66: {  	_ =	shalt  }
0x67: {  	_ =	shalt  }
0x68: {  	_ =	shalt  }
0x69: {  	_ =	shalt  }
0x6a: {  	_ =	shalt  }
0x6b: {  	_ =	shalt  }
0x6c: {  	_ =	shalt  }
0x6d: {  	_ =	shalt  }
0x6e: {  	_ =	shalt  }
0x6f: {  	_ =	shalt  }
0x70: {  	_ =	shalt  }
0x71: {  	_ =	shalt  }
0x72: {  	_ =	shalt  }
0x73: {  	_ =	shalt  }
0x74: {  	_ =	shalt  }
0x75: {  	_ =	shalt  }
0x76: {  	_ =	shalt  }
0x77: {  	_ =	shalt  }
0x78: {  	_ =	shalt  }
0x79: {  	_ =	shalt  }
0x7a: {  	_ =	shalt  }
0x7b: {  	_ =	shalt  }
0x7c: {  	_ =	shalt  }
0x7d: {  	_ =	shalt  }
0x7e: {  	_ =	shalt  }
0x7f: {  	_ =	shalt  }
0x80: {  	_ =	shalt  }
0x81: {  	_ =	shalt  }
0x82: {  	_ =	shalt  }
0x83: {  	_ =	shalt  }
0x84: {  	_ =	shalt  }
0x85: {  	_ =	shalt  }
0x86: {  	_ =	shalt  }
0x87: {  	_ =	shalt  }
.Lfunc_end0:
.L_simem_size_0:
called_computation.3_lowered:
.L_overlay_start_0:
0x88: {  	s2 =	sld [smem:$0x3FD9]  }
0x89: {  	s3 =	sld [smem:$0x3FFE];
	_ =	sdelay $0x1  }
0x8a: {  	s1 =	srdreg.scid  }
0x8b: {  	s0 =	sand.u32 $0x1, s1  }
0x8c: {  	s17 =	sshll.u32 s0, $0xA;
	s2 =	sadd.s32 s3, s2  }
0x8d: {  	s2 =	sadd.s32 s2, s17  }
0x8e: {  	[smem:$0x3FBC] =	sst s2  }
0x8f: {  	_ = 	snop  }
0x90: {  	s2 =	sld [smem:$0x3FD0];
	(tm) =	ssettm $0x1  }
0x91: {  	s18 =	sld [smem:$0x3FFB];
	_ =	sdelay $0x3  }
0x92: {  	_ =	strace s18  }
0x93: {  	s3 =	sld [smem:$0x3FFC];
	_ =	sdelay $0x3  }
0x94: {  	_ =	strace s3  }
0x95: {  	s3 =	sld [smem:$0x3FFD];
	_ =	sdelay $0x3  }
0x96: {  	_ =	strace s3  }
0x97: {  	_ =	strace $0x8FFFFFFF  }
0x98: {  	s19 =	sld [smem:$0x3FDB];
	_ =	sdelay $0x1  }
0x99: {  	s4 =	simm.s32 $_scs_section_size  }
0x9a: {  	s5 =	simm.s32 $_size__tile_overlayer_lowered;
	s6 =	simm.s32 $_tile_overlayer_lowered  }
0x9b: {  	s22 =	simm.s32 $0x1BFF;
	s21 =	sshll.u32 s6, $0x1;
	s3 =	sadd.s32 s4, s19  }
0x9c: {  	s7 =	simm.s32 $0x0;
	s20 =	sshll.u32 s5, $0x1;
	s5 =	sadd.s32 s21, s3  }
0x9d: {  	[timem:s7], [sflag:s22] =	dma.local [hbm:s5], s20  }
0x9e: {  	_ =	swait.ge [sflag:s22], s20  }
0x9f: {  	s4 =	ssub.s32 $0x0, s20;
	[sflag:s22] =	ssyncset.done $0x0  }
0xa0: {  	[sflag:s22] =	ssyncadd.s32 s4;
	_ =	sdelay $0x1  }
0xa1: {  	s23 =	simm.s32 $0x1B8B  }
0xa2: {  	_ =	swait.ge [sflag:s23], $0x1  }
0xa3: {  	[sflag:s23] =	ssyncset.done $0x0  }
0xa4: {  	s25 =	simm.s32 $0x1B8E;
	s24 =	sld [smem:$0x3FFE];
	[sflag:s23] =	ssyncadd.s32 $0xFFFFFFFF  }
0xa5: {  	s26 =	simm.s32 $execute0_lowered;
	[smem:$0x3FD2] =	sst s25  }
0xa6: {  	s5 =	sshll.u32 s26, $0x1;
	_ =	strace $0x8000004F;
	[dreg:$0x1] =	wrdreg $0xFFFFFFFF  }
0xa7: {  	s28 =	simm.s32 $_size_execute0_lowered;
	s3 =	sadd.s32 s3, s5;
	[dreg:$0x0] =	wrdreg $0x0  }
0xa8: {  	s5 =	sshll.u32 s28, $0x1;
	[dreg:$0x2] =	wrdreg s3  }
0xa9: {  	[dreg:$0x3] =	wrdreg s5  }
0xaa: {  	[dreg:$0x4] =	wrdreg $0xC0  }
0xab: {  	_ =	task [dreg:s7], $0x5FFFF  }
0xac: {  	[dreg:$0x1] =	wrdreg $0xFFFFFFFF  }
0xad: {  	[dreg:$0x0] =	wrdreg $0x60  }
0xae: {  	[dreg:$0x2] =	wrdreg s24  }
0xaf: {  	[dreg:$0x3] =	wrdreg s2  }
0xb0: {  	[dreg:$0x4] =	wrdreg $0x52000  }
0xb1: {  	[dreg:$0x5] =	wrdreg $0x9  }
0xb2: {  	_ =	task.clear_ibuf [dreg:s7], $0x6FFFF;
	_ =	strace $0x9000004F  }
0xb3: {  	s29 =	simm.s32 $0x9;
	_ =	strace $0x80000051  }
0xb4: {  	_ =	swait.ge [sflag:s29], $0x1  }
0xb5: {  	[sflag:s29] =	ssyncadd.s32 $0xFFFFFFFF  }
0xb6: {  	_ =	strace $0x90000051  }
0xb7: {  	_ =	sfence  }
0xb8: {  	s30 =	sld [smem:$0x0];
	_ =	sdelay $0x2  }
0xb9: {  	s31 =	sshll.u32 s1, $0xD;
	s1 =	sshrl.u32 s1, $0x2  }
0xba: {  	s3 =	sand.u32 $0x4000, s31;
	s1 =	sadd.s32 s1, s30  }
0xbb: {  	s0 =	sor.u32 s3, s0;
	s1 =	sshll.u32 s1, $0x11  }
0xbc: {  	s0 =	sor.u32 s1, s0  }
0xbd: {  	s0 =	sadd.s32 $0x8F2B, s0  }
0xbe: {  	[sflag:s0] =	ssyncadd.remote.s32 $0x1  }
0xbf: {  	_ =	sfence.sel $0xFFFF  }
0xc0: {  	[dreg:$0x0] =	wrdreg $0xFFFFFFFF;
	(pc) =	sbr.abs _section_cstart, $3  }
0xc1: {  	[dreg:$0x1] =	wrdreg $0xFFFFFFFF  }
0xc2: {  	_ =	task.clear_ibuf [dreg:s7], $0x2FFFF;
	_ =	strace $0x9FFFFFFF  }
0xc3: {  	(tm) =	ssettm $0x7FFFFFFF  }
tec
execute0_lowered:
.L_overlay_start_1:
0x0: {  	(tag) =	ssettag $0x1  }
0x1: {  	s6 =	rddreg [dreg:$0x0]  }
0x2: {  	s2 =	rddreg [dreg:$0x1];
	s1 =	srdreg.scid  }
0x3: {  	s0 =	stileid.u32;
	s3 =	rddreg [dreg:$0x2];
	s4 =	simm.s32 $0x0  }
0x4: {  	s18 =	simm.s32 $0x1;
	s19 =	simm.s32 $0x50;
	s8 =	smul.u32 $0x14000, s0  }
0x5: {  	s20 =	simm.s32 $0x200;
	s28 =	simm.s32 $0x0;
	s12 =	smul.u32 $0x50000, s0  }
0x6: {  	s7 =	sand.u32 $0x1, s1;
	[smem:$0x7FF] =	sst s4;
	s26 =	smul.u32 $0x7D00, s0  }
0x7: {  	s29 =	sshll.u32 s0, $0x6;
	s5 =	smul.u32 $0x140000, s7;
	_ =	strace $0x80000050  }
0x8: {  	s10 =	sshll.u32 s7, $0x4;
	s11 =	ssub.s32 $0x2, s7;
	s24 =	smul.u32 $0x7D000, s7  }
0x9: {  	s7 =	sor.u32 $0x1C05, s29;
	s10 =	sor.u32 s0, s10;
	s21 =	sshrl.u32 s11, $0x1  }
0xa: {  	s23 =	sshrl.u32 s12, $0x2;
	s25 =	sshrl.u32 s8, $0x3;
	s9 =	sadd.s32 s8, s5  }
0xb: {  	s5 =	sadd.s32 $0x6200, s6;
	s22 =	smul.u32 $0x7D00, s10;
	s14 =	ssub.s32 s11, s21  }
0xc: {  	s15 =	sadd.s32 s23, s3;
	s16 =	sadd.s32 s26, s24;
	s21 =	simm.s32 $0x2  }
0xd: {  	s23 =	simm.s32 $0x3;
	s24 =	simm.s32 $0x80;
	s26 =	simm.s32 $0x180  }
0xe: {  	s9 =	sshrl.u32 s9, $0x3;
	s17 =	sadd.s32 $0x300, s16;
	s12 =	smax.u32 s14, $0x1  }
0xf: {  	s14 =	sadd.s32 $0x200, s16;
	s15 =	sshrl.u32 s15, $0x3;
	s16 =	simm.s32 $0x5  }
0x10: {  	s13 =	sadd.s32 s9, s6;
	s6 =	sadd.s32 s5, s25;
	s30 =	sshrl.u32 s22, $0x3  }
0x11: {  	s31 =	sshrl.u32 s17, $0x3;
	s17 =	simm.s32 $0x100;
	s22 =	simm.s32 $0x2A00  }
0x12: {  	s25 =	simm.s32 $0x4;
	s8 =	sadd.s32 s2, s30;
	s11 =	sadd.s32 $0x8E800, s13  }
0x13: {  	s13 =	sadd.s32 s31, s2;
	s9 =	sadd.s32 $0x20, s8;
	s10 =	sadd.s32 $0xF80, s8  }
.LBB2_1:
0x14: {  	[spmem:s15], [sflag:s7] =	dma.local [hbm:s6], $0x2800  }
0x15: {  	_ =	swait.ge [sflag:s16], $0x2800  }
0x16: {  	[sflag:s16] =	ssyncset.done $0x0  }
0x17: {  	[sflag:s16] =	ssyncadd.s32 $0xFFFFD800  }
0x18: {  	[bflag:$0x0] =	sbarrier.arrive $0xFFFF  }
0x19: {  	[tilespmem:s4], [sflag:$0x1] =	stream.linear.gather [hbm4b:s8+s4], $0x100, $0x38;
	[tilespmem:$0x19200] =	vst v63  }
0x1a: {  	_ = 	snop  }
0x1b: {  	[tilespmem:s17], [sflag:$0x2] =	stream.linear.gather [hbm4b:s9+s4], $0x100, $0x38;
	[tilespmem:$0x19200] =	vst v63  }
0x1c: {  	_ =	swait.ge [sflag:s18], $0x100  }
0x1d: {  	[sflag:s18] =	ssyncset.done $0x0  }
0x1e: {  	[sflag:s18] =	ssyncadd.s32 $0xFFFFFF00  }
0x1f: {  	[tilespmem:s20], [sflag:$0x3] =	stream.indirect.gather [hbm4b:s5+s19], $0x80, s4, s19, $0xb8;
	[tilespmem:$0x19200] =	vst v63  }
0x20: {  	_ =	swait.ge [sflag:s21], $0x100  }
0x21: {  	[sflag:s21] =	ssyncset.done $0x0  }
0x22: {  	[sflag:s21] =	ssyncadd.s32 $0xFFFFFF00  }
0x23: {  	[tilespmem:s22], [sflag:$0x4] =	stream.indirect.gather [hbm4b:s5+s19], $0x80, s17, s19, $0xb8;
	[tilespmem:$0x19200] =	vst v63  }
0x24: {  	_ =	swait.ge [sflag:s23], $0x2800  }
0x25: {  	[sflag:s23] =	ssyncset.done $0x0  }
0x26: {  	[sflag:s23] =	ssyncadd.s32 $0xFFFFD800  }
0x27: {  	[spmem:s3] =	stream.indirect.scatter.add.f32 [tilespmem:s20], [sflag:$0x5], $0x80, s24, s19, $0xb8;
	[tilespmem:$0x19200] =	vst v63  }
0x28: {  	_ =	swait.ge [sflag:s16], $0x2800  }
0x29: {  	s29 =	sshrl.u32 s14, $0x3;
	[sflag:s16] =	ssyncset.done $0x0  }
0x2a: {  	s29 =	sadd.s32 s2, s29;
	[sflag:s16] =	ssyncadd.s32 $0xFFFFD800  }
0x2b: {  	[tilespmem:s4], [sflag:$0x1] =	stream.linear.gather [hbm4b:s29+s4], $0x100, $0x38;
	[tilespmem:$0x19200] =	vst v63  }
0x2c: {  	_ =	swait.ge [sflag:s18], $0x100  }
0x2d: {  	[sflag:s18] =	ssyncset.done $0x0  }
0x2e: {  	[sflag:s18] =	ssyncadd.s32 $0xFFFFFF00  }
0x2f: {  	[tilespmem:s20], [sflag:$0x3] =	stream.indirect.gather [hbm4b:s5+s19], $0x80, s4, s19, $0xb8;
	[tilespmem:$0x19200] =	vst v63  }
0x30: {  	_ =	swait.ge [sflag:s25], $0x2800  }
0x31: {  	[sflag:s25] =	ssyncset.done $0x0  }
0x32: {  	[sflag:s25] =	ssyncadd.s32 $0xFFFFD800  }
0x33: {  	[spmem:s3] =	stream.indirect.scatter.add.f32 [tilespmem:s22], [sflag:$0x5], $0x80, s26, s19, $0xb8;
	[tilespmem:$0x19200] =	vst v63  }
0x34: {  	_ =	swait.ge [sflag:s16], $0x2800  }
0x35: {  	s31 =	sadd.s32 $0x0, s13;
	[sflag:s16] =	ssyncset.done $0x0  }
0x36: {  	s30 =	sadd.s32 $0x200, s14;
	s29 =	simm.s32 $0x40;
	[sflag:s16] =	ssyncadd.s32 $0xFFFFD800  }
.LBB2_2:
0x37: {  	[tilespmem:s17], [sflag:$0x2] =	stream.linear.gather [hbm4b:s31+s4], $0x100, $0x38;
	[tilespmem:$0x19200] =	vst v63  }
0x38: {  	s31 =	smov.u32 s29  }
0x39: {  	p0 =	sne.s32 s29, $0xF00;
	s29 =	sadd.s32 $0x40, s29;
	_ =	swait.ge [sflag:s21], $0x100  }
0x3a: {  	[sflag:s21] =	ssyncset.done $0x0  }
0x3b: {  	[sflag:s21] =	ssyncadd.s32 $0xFFFFFF00  }
0x3c: {  	[tilespmem:s22], [sflag:$0x4] =	stream.indirect.gather [hbm4b:s5+s19], $0x80, s17, s19, $0xb8;
	[tilespmem:$0x19200] =	vst v63  }
0x3d: {  	_ =	swait.ge [sflag:s23], $0x2800  }
0x3e: {  	[sflag:s23] =	ssyncset.done $0x0  }
0x3f: {  	[sflag:s23] =	ssyncadd.s32 $0xFFFFD800  }
0x40: {  	[spmem:s3] =	stream.indirect.scatter.add.f32 [tilespmem:s20], [sflag:$0x5], $0x80, s24, s19, $0xb8;
	[tilespmem:$0x19200] =	vst v63  }
0x41: {  	_ =	swait.ge [sflag:s16], $0x2800  }
0x42: {  	s1 =	sshrl.u32 s30, $0x3;
	[sflag:s16] =	ssyncset.done $0x0  }
0x43: {  	s1 =	sadd.s32 s2, s1;
	[sflag:s16] =	ssyncadd.s32 $0xFFFFD800  }
0x44: {  	[tilespmem:s4], [sflag:$0x1] =	stream.linear.gather [hbm4b:s1+s4], $0x100, $0x38;
	[tilespmem:$0x19200] =	vst v63  }
0x45: {  	_ =	swait.ge [sflag:s18], $0x100  }
0x46: {  	[sflag:s18] =	ssyncset.done $0x0  }
0x47: {  	[sflag:s18] =	ssyncadd.s32 $0xFFFFFF00  }
0x48: {  	[tilespmem:s20], [sflag:$0x3] =	stream.indirect.gather [hbm4b:s5+s19], $0x80, s4, s19, $0xb8;
	[tilespmem:$0x19200] =	vst v63  }
0x49: {  	_ =	swait.ge [sflag:s25], $0x2800  }
0x4a: {  	[sflag:s25] =	ssyncset.done $0x0  }
.Ltmp0:
0x4b: {  	[sflag:s25] =	ssyncadd.s32 $0xFFFFD800;
	(pc) =	sbr.rel @p0 .LBB2_2-.Ltmp0, $4  }
0x4c: {  	[spmem:s3] =	stream.indirect.scatter.add.f32 [tilespmem:s22], [sflag:$0x5], $0x80, s26, s19, $0xb8;
	[tilespmem:$0x19200] =	vst v63  }
0x4d: {  	_ =	swait.ge [sflag:s16], $0x2800  }
0x4e: {  	[sflag:s16] =	ssyncset.done $0x0  }
0x4f: {  	s30 =	sadd.s32 $0x200, s30;
	s31 =	sadd.s32 s31, s13;
	[sflag:s16] =	ssyncadd.s32 $0xFFFFD800  }
0x50: {  	[tilespmem:s17], [sflag:$0x2] =	stream.linear.gather [hbm4b:s31+s4], $0x100, $0x38;
	[tilespmem:$0x19200] =	vst v63  }
0x51: {  	_ =	swait.ge [sflag:s21], $0x100  }
0x52: {  	[sflag:s21] =	ssyncset.done $0x0  }
0x53: {  	[sflag:s21] =	ssyncadd.s32 $0xFFFFFF00  }
0x54: {  	[tilespmem:s22], [sflag:$0x4] =	stream.indirect.gather [hbm4b:s5+s19], $0x80, s17, s19, $0xb8;
	[tilespmem:$0x19200] =	vst v63  }
0x55: {  	_ =	swait.ge [sflag:s23], $0x2800  }
0x56: {  	[sflag:s23] =	ssyncset.done $0x0  }
0x57: {  	[sflag:s23] =	ssyncadd.s32 $0xFFFFD800  }
0x58: {  	[spmem:s3] =	stream.indirect.scatter.add.f32 [tilespmem:s20], [sflag:$0x5], $0x80, s24, s19, $0xb8;
	[tilespmem:$0x19200] =	vst v63  }
0x59: {  	_ =	swait.ge [sflag:s16], $0x2800  }
0x5a: {  	[sflag:s16] =	ssyncset.done $0x0  }
0x5b: {  	[sflag:s16] =	ssyncadd.s32 $0xFFFFD800  }
0x5c: {  	[tilespmem:s4], [sflag:$0x1] =	stream.linear.gather [hbm4b:s10+s4], $0x100, $0x38;
	[tilespmem:$0x19200] =	vst v63  }
0x5d: {  	_ =	swait.ge [sflag:s18], $0x100  }
0x5e: {  	[sflag:s18] =	ssyncset.done $0x0  }
0x5f: {  	[sflag:s18] =	ssyncadd.s32 $0xFFFFFF00  }
0x60: {  	[tilespmem:s20], [sflag:$0x3] =	stream.indirect.gather [hbm4b:s5+s19], $0x80, s4, s19, $0xb8;
	[tilespmem:$0x19200] =	vst v63  }
0x61: {  	_ =	swait.ge [sflag:s25], $0x2800  }
0x62: {  	[sflag:s25] =	ssyncset.done $0x0  }
0x63: {  	[sflag:s25] =	ssyncadd.s32 $0xFFFFD800  }
0x64: {  	[spmem:s3] =	stream.indirect.scatter.add.f32 [tilespmem:s22], [sflag:$0x5], $0x80, s26, s19, $0xb8;
	[tilespmem:$0x19200] =	vst v63  }
0x65: {  	_ =	swait.ge [sflag:s16], $0x2800  }
0x66: {  	[sflag:s16] =	ssyncset.done $0x0  }
0x67: {  	[sflag:s16] =	ssyncadd.s32 $0xFFFFD800  }
0x68: {  	_ =	swait.ge [sflag:s23], $0x2800  }
0x69: {  	[sflag:s23] =	ssyncset.done $0x0  }
0x6a: {  	[sflag:s23] =	ssyncadd.s32 $0xFFFFD800  }
0x6b: {  	[spmem:s3] =	stream.indirect.scatter.add.f32 [tilespmem:s20], [sflag:$0x5], $0x80, s24, s19, $0xb8;
	[tilespmem:$0x19200] =	vst v63  }
0x6c: {  	_ =	swait.ge [sflag:s16], $0x2800  }
0x6d: {  	s28 =	sadd.s32 $0x1, s28;
	[sflag:s16] =	ssyncset.done $0x0  }
0x6e: {  	p0 =	sne.s32 s28, s12;
	[sflag:s16] =	ssyncadd.s32 $0xFFFFD800  }
.Ltmp1:
0x6f: {  	[bflag:$0x0] =	sbarrier.arrive $0xFFFF;
	(pc) =	sbr.rel @p0 .LBB2_1-.Ltmp1, $4  }
0x70: {  	[hbm:s11], [sflag:s7] =	dma.local [spmem:s15], $0x2800  }
0x71: {  	_ =	swait.ge [sflag:s16], $0x2800  }
0x72: {  	[sflag:s16] =	ssyncset.done $0x0  }
0x73: {  	[sflag:s16] =	ssyncadd.s32 $0xFFFFD800  }
0x74: {  	_ =	sfence.sel $0x180000  }
0x75: {  	[bflag:$0x0] =	sbarrier.arrive $0xFFFF  }
0x76: {  	_ =	strace $0x90000050  }
0x77: {  	[bflag:$0x2] =	sbarrier.arrive $0xFFFF  }
0x78: {  	p0 =	sne.s32 s0, $0x0;
	s0 =	rddreg [dreg:$0x3]  }
0x79: {  	s0 =	sadd.s32 @!p0 $0x100000, s0  }
0x7a: {  	[sflag:s0] =	ssyncadd.tile.s32 @!p0 $0x1;
	_ =	shalt  }
.Lfunc_end2:
_tile_overlayer_lowered:
.L_overlay_start_2:
0x7b: {  	(tag) =	ssettag $0x2  }
0x7c: {  	s0 =	rddreg [dreg:$0x0];
	s2 =	stileid.u32  }
0x7d: {  	s1 =	rddreg [dreg:$0x1];
	p0 =	sne.s32 s2, $0x0  }
0x7e: {  	s3 =	rddreg [dreg:$0x2];
	[bflag:$0x3] =	sbarrier.arrive $0xFFFF;
	s2 =	simm.s32 @!p0 $0x1C05  }
0x7f: {  	[timem:s3], [sflag:s2] =	dma.local @!p0 [hbm:s0], s1  }
0x80: {  	s0 =	simm.s32 @!p0 $0x5  }
0x81: {  	_ =	swait.ge @!p0 [sflag:s0], s1  }
0x82: {  	s1 =	ssub.s32 @!p0 $0x0, s1;
	[sflag:s0] =	ssyncset.done @!p0 $0x0  }
0x83: {  	[sflag:s0] =	ssyncadd.s32 @!p0 s1  }
0x84: {  	[bflag:$0x3] =	sbarrier.arrive $0xFFFF  }
0x85: {  	_ =	shalt  }

</sc_bundles>
